<compile_context>
chip_gen: v7x
topology: tpu7x:2x2x1
jax: 0.10.2.dev20260603
libtpu: 0.0.44.dev20260713+nightly
codegen_flags: <defaults>
</compile_context>

<pallas_src>
import functools

import jax
import jax.numpy as jnp
from jax import lax
from jax.experimental import pallas as pl
from jax.experimental.pallas import tpu as pltpu
from jax.experimental.pallas import tpu_sc as plsc

N_NODES = 10000
N_EDGES = 320000
D = 128
DH = D // 2

NC = 2
NS = 16
NPAD = 10240
EPAD = 327680
EPW = EPAD // NS
CHUNK = 128
IDXB = 1024
GPB = IDXB // CHUNK
NBLKS = EPW // IDXB
RPT = NPAD // NS
ZB = 128
NZB = RPT // ZB


def _sc_aggregate(yt, src2, dst, with_deg):
    mesh = plsc.VectorSubcoreMesh(core_axis_name="c", subcore_axis_name="s")
    out_type = [jax.ShapeDtypeStruct((NC * NPAD, DH), jnp.float32)]
    if with_deg:
        out_type.append(jax.ShapeDtypeStruct((NPAD, 16), jnp.float32))

    scratch = [
        pltpu.VMEM_SHARED((NPAD, DH), jnp.float32),
        pltpu.VMEM((IDXB,), jnp.int32),
        pltpu.VMEM((IDXB,), jnp.int32),
        pltpu.VMEM((CHUNK,), jnp.int32),
        pltpu.VMEM((CHUNK,), jnp.int32),
        pltpu.VMEM((CHUNK, DH), jnp.float32),
        pltpu.VMEM((CHUNK, DH), jnp.float32),
        pltpu.VMEM((ZB, DH), jnp.float32),
        pltpu.SemaphoreType.DMA,
        pltpu.SemaphoreType.DMA,
        pltpu.SemaphoreType.DMA,
    ]
    if with_deg:
        scratch += [
            pltpu.VMEM_SHARED((NPAD, 16), jnp.float32),
            pltpu.VMEM((CHUNK, 16), jnp.float32),
            pltpu.VMEM((ZB, 16), jnp.float32),
        ]

    @functools.partial(
        pl.kernel, out_type=tuple(out_type), mesh=mesh,
        scratch_types=scratch,
        compiler_params=pltpu.CompilerParams(use_tc_tiling_on_sc=False))
    def k(yt_hbm, src2_hbm, dst_hbm, *refs):
        if with_deg:
            (acc_out, deg_out, acc_sp, srcBig, dstBig, dstA, dstB, rowsA,
             rowsB, stage, gsemA, gsemB, ssem,
             deg_sp, onesb, dstage) = refs
        else:
            (acc_out, acc_sp, srcBig, dstBig, dstA, dstB, rowsA, rowsB,
             stage, gsemA, gsemB, ssem) = refs
        cid = lax.axis_index("c")
        sid = lax.axis_index("s")
        do_deg = with_deg

        @pl.loop(0, ZB)
        def _(r):
            @pl.loop(0, DH, step=16)
            def _(f):
                stage[r, pl.ds(f, 16)] = jnp.zeros((16,), jnp.float32)

        @pl.loop(0, NZB)
        def _(z):
            pltpu.sync_copy(stage, acc_sp.at[pl.ds(sid * RPT + z * ZB, ZB)])

        if do_deg:
            @pl.loop(0, ZB)
            def _(r):
                dstage[r] = jnp.zeros((16,), jnp.float32)

            @pl.loop(0, NZB)
            def _(z):
                pltpu.sync_copy(dstage,
                                deg_sp.at[pl.ds(sid * RPT + z * ZB, ZB)])

            @pl.loop(0, CHUNK)
            def _(i):
                onesb[i] = jnp.ones((16,), jnp.float32)

        plsc.subcore_barrier()

        ibase = cid * EPAD + sid * EPW
        dbase = sid * EPW

        def deg_add(dref):
            if do_deg:
                @pl.when(cid == 0)
                def _():
                    pltpu.sync_copy(onesb, deg_sp.at[dref], add=True)

        @pl.loop(0, NBLKS)
        def _(b):
            pltpu.sync_copy(src2_hbm.at[pl.ds(ibase + b * IDXB, IDXB)],
                            srcBig)
            pltpu.sync_copy(dst_hbm.at[pl.ds(dbase + b * IDXB, IDXB)],
                            dstBig)

            def load_dst(kk, dref):
                for j in range(CHUNK // 16):
                    dref[pl.ds(j * 16, 16)] = (
                        dstBig[pl.ds(kk * CHUNK + j * 16, 16)])

            for pp in range(GPB // 2):
                kA = 2 * pp
                kB = kA + 1
                load_dst(kA, dstA)
                gh = pltpu.async_copy(
                    yt_hbm.at[srcBig.at[pl.ds(kA * CHUNK, CHUNK)]],
                    rowsA, gsemA)
                load_dst(kB, dstB)
                gh2 = pltpu.async_copy(
                    yt_hbm.at[srcBig.at[pl.ds(kB * CHUNK, CHUNK)]],
                    rowsB, gsemB)
                gh.wait()
                sh = pltpu.async_copy(rowsA, acc_sp.at[dstA], ssem,
                                      add=True)
                deg_add(dstA)
                gh2.wait()
                sh.wait()
                pltpu.sync_copy(rowsB, acc_sp.at[dstB], add=True)
                deg_add(dstB)

        plsc.subcore_barrier()

        @pl.loop(0, NZB)
        def _(z):
            sp = pl.ds(sid * RPT + z * ZB, ZB)
            ob = pl.ds(cid * NPAD + sid * RPT + z * ZB, ZB)
            pltpu.sync_copy(acc_sp.at[sp], stage)
            pltpu.sync_copy(stage, acc_out.at[ob])
            if do_deg:
                @pl.when(cid == 0)
                def _():
                    pltpu.sync_copy(deg_sp.at[sp], dstage)
                    pltpu.sync_copy(dstage, deg_out.at[sp])

    return k(yt, src2, dst)


ROWBLK = 512
GRID = NPAD // ROWBLK


def _combine_body(relu, acca_ref, accb_ref, deg_ref, x_ref, wl_ref, b_ref,
                  wr_ref, o_ref):
    s = jnp.concatenate([acca_ref[...], accb_ref[...]], axis=1)
    d = jnp.maximum(deg_ref[:, 0:1], 1.0)
    agg = s / d
    h = (jnp.dot(agg, wl_ref[...].T, preferred_element_type=jnp.float32)
         + b_ref[...]
         + jnp.dot(x_ref[...], wr_ref[...].T,
                   preferred_element_type=jnp.float32))
    o_ref[...] = jnp.maximum(h, 0.0) if relu else h


def _combine(acc, deg, x, W_l, b_l, W_r, relu):
    acca = acc[:NPAD]
    accb = acc[NPAD:]
    return pl.pallas_call(
        functools.partial(_combine_body, relu),
        grid=(GRID,),
        in_specs=[
            pl.BlockSpec((ROWBLK, DH), lambda i: (i, 0)),
            pl.BlockSpec((ROWBLK, DH), lambda i: (i, 0)),
            pl.BlockSpec((ROWBLK, 16), lambda i: (i, 0)),
            pl.BlockSpec((ROWBLK, D), lambda i: (i, 0)),
            pl.BlockSpec((D, D), lambda i: (0, 0)),
            pl.BlockSpec((1, D), lambda i: (0, 0)),
            pl.BlockSpec((D, D), lambda i: (0, 0)),
        ],
        out_specs=pl.BlockSpec((ROWBLK, D), lambda i: (i, 0)),
        out_shape=jax.ShapeDtypeStruct((NPAD, D), jnp.float32),
    )(acca, accb, deg, x, W_l, b_l, W_r)


def kernel(x, edge_index, W1_l, b1_l, W1_r, W2_l, b2_l, W2_r):
    src = edge_index[0].astype(jnp.int32)
    dst = edge_index[1].astype(jnp.int32)
    pad_e = EPAD - N_EDGES
    src_p = jnp.concatenate([src, jnp.zeros((pad_e,), jnp.int32)])
    dst_p = jnp.concatenate([dst, jnp.full((pad_e,), N_NODES, jnp.int32)])
    src2 = jnp.concatenate([src_p, src_p + NPAD])
    xp = jnp.zeros((NPAD, D), jnp.float32).at[:N_NODES].set(x)
    b1 = b1_l.reshape(1, D)
    b2 = b2_l.reshape(1, D)

    def feature_major(y):
        return jnp.concatenate([y[:, :DH], y[:, DH:]], axis=0)

    acc1, deg = _sc_aggregate(feature_major(xp), src2, dst_p, with_deg=True)
    h = _combine(acc1, deg, xp, W1_l, b1, W1_r, relu=True)
    (acc2,) = _sc_aggregate(feature_major(h), src2, dst_p, with_deg=False)
    out = _combine(acc2, deg, h, W2_l, b2, W2_r, relu=False)
    return out[:N_NODES]

# --- scband reference (transcript-rebuilt; emitter-appended) ---
"""Pipeline reference for scband-graph-sagelink-predictor-36464272343628 (READ-ONLY COPY).

The authoritative reference and input builder live on the scoring server;
editing this copy changes nothing except your own understanding.
"""

import jax, jax.numpy as jnp
import numpy as np

N_NODES = 10000
N_EDGES = 320000
D_IN = 128
D_OUT = 128


def _glorot(key, shape):
    fan_in, fan_out = shape[1], shape[0]
    limit = jnp.sqrt(6.0 / (fan_in + fan_out))
    return jax.random.uniform(key, shape, minval=-limit, maxval=limit, dtype=jnp.float32)


def setup_inputs(seed: int = 0) -> dict:
    key = jax.random.key(seed)
    ks = jax.random.split(key, 8)
    x = jax.random.normal(ks[0], (N_NODES, D_IN), dtype=jnp.float32)
    edge_index = jax.random.randint(ks[1], (2, N_EDGES), 0, N_NODES, dtype=jnp.int64)
    # SAGEConv layer 1: lin_l (applied to aggregated neighbors, has bias), lin_r (applied to root)
    W1_l = _glorot(ks[2], (D_OUT, D_IN))
    b1_l = jnp.zeros((D_OUT,), dtype=jnp.float32)
    W1_r = _glorot(ks[3], (D_OUT, D_IN))
    # SAGEConv layer 2
    W2_l = _glorot(ks[4], (D_OUT, D_OUT))
    b2_l = jnp.zeros((D_OUT,), dtype=jnp.float32)
    W2_r = _glorot(ks[5], (D_OUT, D_OUT))
    return {"x": x, "edge_index": edge_index, "W1_l": W1_l, "b1_l": b1_l, "W1_r": W1_r,
            "W2_l": W2_l, "b2_l": b2_l, "W2_r": W2_r}


def _sage_conv(x, edge_index, W_l, b_l, W_r):
    src = edge_index[0]
    dst = edge_index[1]
    msgs = jnp.take(x, src, axis=0)                              # gather source features
    agg_sum = jax.ops.segment_sum(msgs, dst, num_segments=N_NODES)  # scatter-add to dst
    deg = jax.ops.segment_sum(jnp.ones((msgs.shape[0],), dtype=x.dtype), dst,
                              num_segments=N_NODES)
    agg = agg_sum / jnp.clip(deg, 1.0, None)[:, None]            # mean aggregation
    return agg @ W_l.T + b_l + x @ W_r.T


def reference(x, edge_index, W1_l, b1_l, W1_r, W2_l, b2_l, W2_r):
    h = _sage_conv(x, edge_index, W1_l, b1_l, W1_r)
    h = jax.nn.relu(h)
    out = _sage_conv(h, edge_index, W2_l, b2_l, W2_r)
    return out

if __name__ == "__main__":
    import jax
    _d = setup_inputs()
    print(jax.jit(kernel)(*tuple(_d.values())))

</pallas_src>

<mosaic_0001>
#map = affine_map<(d0, d1) -> (0, 0)>
#map1 = affine_map<(d0, d1) -> (0)>
module attributes {stable_mosaic.version = 14 : i64} {
  func.func @k(%arg0: i32, %arg1: i32, %arg2: memref<20480x64xf32, #tpu.memory_space<hbm>>, %arg3: memref<655360xi32, #tpu.memory_space<hbm>>, %arg4: memref<327680xi32, #tpu.memory_space<hbm>>, %arg5: memref<20480x64xf32, #tpu.memory_space<hbm>>, %arg6: memref<10240x64xf32, #tpu.memory_space<vmem_shared>>, %arg7: memref<1024xi32, #tpu.memory_space<vmem>>, %arg8: memref<1024xi32, #tpu.memory_space<vmem>>, %arg9: memref<128xi32, #tpu.memory_space<vmem>>, %arg10: memref<128xi32, #tpu.memory_space<vmem>>, %arg11: memref<128x64xf32, #tpu.memory_space<vmem>>, %arg12: memref<128x64xf32, #tpu.memory_space<vmem>>, %arg13: memref<128x64xf32, #tpu.memory_space<vmem>>, %arg14: memref<!tpu.dma_semaphore, #tpu.memory_space<semaphore_mem>>, %arg15: memref<!tpu.dma_semaphore, #tpu.memory_space<semaphore_mem>>, %arg16: memref<!tpu.dma_semaphore, #tpu.memory_space<semaphore_mem>>) attributes {dimension_semantics = [#tpu.dimension_semantics<core_parallel>, #tpu.dimension_semantics<subcore_parallel>], iteration_bounds = array<i64: 2, 16>, scalar_prefetch = 0 : i64, scratch_operands = 11 : i64, tpu.core_type = #tpu.core_type<sc_vector_subcore>, window_params = [{transform_indices = #map}, {transform_indices = #map1}, {transform_indices = #map1}, {transform_indices = #map}]} {
    %scan3A = arith.constant 0 : i32
    %scan3A_0 = arith.constant 128 : i32
    %scan3A_1 = arith.addi %scan3A, %scan3A_0 : i32
    %scan3A_2 = arith.constant 1 : i32
    scf.for %scan3A_25 = %scan3A to %scan3A_1 step %scan3A_2  : i32 {
      %mul3A_26 = arith.constant 1 : i32
      %mul3A_27 = arith.muli %scan3A_25, %mul3A_26 : i32
      %add3A_28 = arith.constant 0 : i32
      %add3A_29 = arith.addi %add3A_28, %mul3A_27 : i32
      %scan3A_30 = arith.constant 0 : i32
      %scan3A_31 = arith.constant 4 : i32
      %scan3A_32 = arith.addi %scan3A_30, %scan3A_31 : i32
      %scan3A_33 = arith.constant 1 : i32
      scf.for %scan3A_35 = %scan3A_30 to %scan3A_32 step %scan3A_33  : i32 {
        %mul3A_36 = arith.constant 16 : i32
        %mul3A_37 = arith.muli %scan3A_35, %mul3A_36 : i32
        %add3A_38 = arith.constant 0 : i32
        %add3A_39 = arith.addi %add3A_38, %mul3A_37 : i32
        %broadcast_in_dim3A = arith.constant 0.000000e+00 : f32
        %broadcast_in_dim3A_40 = vector.broadcast %broadcast_in_dim3A : f32 to vector<16xf32>
        %swap3A = arith.index_cast %add3A_29 : i32 to index
        %swap3A_41 = arith.index_cast %add3A_39 : i32 to index
        %swap3A_42 = tpu.vector_load %arg13[%swap3A, %swap3A_41] {strides = array<i32>} : memref<128x64xf32, #tpu.memory_space<vmem>>, vector<1x16xf32>,
        %swap3A_43 = vector.shape_cast %swap3A_42 : vector<1x16xf32> to vector<16xf32>
        %swap3A_44 = vector.shape_cast %broadcast_in_dim3A_40 : vector<16xf32> to vector<1x16xf32>
        tpu.vector_store %arg13[%swap3A, %swap3A_41], %swap3A_44 {strides = array<i32>} : memref<128x64xf32, #tpu.memory_space<vmem>>, vector<1x16xf32>,
      }
      %scan3A_34 = arith.constant 4 : i32
    }
    %scan3A_3 = arith.constant 128 : i32
    %scan3A_4 = arith.constant 0 : i32
    %scan3A_5 = arith.constant 5 : i32
    %scan3A_6 = arith.addi %scan3A_4, %scan3A_5 : i32
    %scan3A_7 = arith.constant 1 : i32
    scf.for %scan3A_25 = %scan3A_4 to %scan3A_6 step %scan3A_7  : i32 {
      %mul3A_26 = arith.constant 1 : i32
      %mul3A_27 = arith.muli %scan3A_25, %mul3A_26 : i32
      %add3A_28 = arith.constant 0 : i32
      %add3A_29 = arith.addi %add3A_28, %mul3A_27 : i32
      %mul3A_30 = arith.constant 640 : i32
      %mul3A_31 = arith.muli %arg1, %mul3A_30 : i32
      %mul3A_32 = arith.constant 128 : i32
      %mul3A_33 = arith.muli %add3A_29, %mul3A_32 : i32
      %add3A_34 = arith.addi %mul3A_31, %mul3A_33 : i32
      "tpu.region"() ({
        %run_scoped3A = tpu.sem_alloc : memref<!tpu.dma_semaphore, #tpu.memory_space<semaphore_mem>>
        %dma_start3A = arith.constant 0 : i32
        %dma_start3A_35 = tpu.memref_slice %arg6[%add3A_34, %dma_start3A] : memref<10240x64xf32, #tpu.memory_space<vmem_shared>> -> memref<128x64xf32, #tpu.memory_space<vmem_shared>>
        %dma_start3A_36 = arith.constant 0 : i32
        %dma_start3A_37 = tpu.memref_slice %arg6[%add3A_34, %dma_start3A_36] : memref<10240x64xf32, #tpu.memory_space<vmem_shared>> -> memref<128x64xf32, #tpu.memory_space<vmem_shared>>
        tpu.enqueue_dma source(%arg13 : memref<128x64xf32, #tpu.memory_space<vmem>>) target(%dma_start3A_37 : memref<128x64xf32, #tpu.memory_space<vmem_shared>>) target_semaphore(%run_scoped3A : memref<!tpu.dma_semaphore, #tpu.memory_space<semaphore_mem>>)
        %dma_wait3A = arith.constant 0 : i32
        %dma_wait3A_38 = tpu.memref_slice %arg6[%add3A_34, %dma_wait3A] : memref<10240x64xf32, #tpu.memory_space<vmem_shared>> -> memref<128x64xf32, #tpu.memory_space<vmem_shared>>
        %dma_wait3A_39 = arith.constant 0 : i32
        %dma_wait3A_40 = tpu.memref_slice %arg6[%add3A_34, %dma_wait3A_39] : memref<10240x64xf32, #tpu.memory_space<vmem_shared>> -> memref<128x64xf32, #tpu.memory_space<vmem_shared>>
        tpu.wait_dma2 semaphore(%run_scoped3A : memref<!tpu.dma_semaphore, #tpu.memory_space<semaphore_mem>>) src(%arg13 : memref<128x64xf32, #tpu.memory_space<vmem>>) dst(%dma_wait3A_40 : memref<128x64xf32, #tpu.memory_space<vmem_shared>>)
        tpu.yield
      }) : () -> ()
    }
    %scan3A_8 = arith.constant 5 : i32
    %barrier3A = arith.constant 0 : index
    tpu.barrier barrier_id(%barrier3A)
    %mul3A = arith.constant 327680 : i32
    %mul3A_9 = arith.muli %arg0, %mul3A : i32
    %mul3A_10 = arith.constant 20480 : i32
    %mul3A_11 = arith.muli %arg1, %mul3A_10 : i32
    %add3A = arith.addi %mul3A_9, %mul3A_11 : i32
    %mul3A_12 = arith.constant 20480 : i32
    %mul3A_13 = arith.muli %arg1, %mul3A_12 : i32
    %scan3A_14 = arith.constant 0 : i32
    %scan3A_15 = arith.constant 20 : i32
    %scan3A_16 = arith.addi %scan3A_14, %scan3A_15 : i32
    %scan3A_17 = arith.constant 1 : i32
    scf.for %scan3A_25 = %scan3A_14 to %scan3A_16 step %scan3A_17  : i32 {
      %mul3A_26 = arith.constant 1 : i32
      %mul3A_27 = arith.muli %scan3A_25, %mul3A_26 : i32
      %add3A_28 = arith.constant 0 : i32
      %add3A_29 = arith.addi %add3A_28, %mul3A_27 : i32
      %mul3A_30 = arith.constant 1024 : i32
      %mul3A_31 = arith.muli %add3A_29, %mul3A_30 : i32
      %add3A_32 = arith.addi %add3A, %mul3A_31 : i32
      "tpu.region"() ({
        %run_scoped3A = tpu.sem_alloc : memref<!tpu.dma_semaphore, #tpu.memory_space<semaphore_mem>>
        %dma_start3A_584 = tpu.memref_slice %arg3[%add3A_32] : memref<655360xi32, #tpu.memory_space<hbm>> -> memref<1024xi32, #tpu.memory_space<hbm>>
        %dma_start3A_585 = tpu.memref_slice %arg3[%add3A_32] : memref<655360xi32, #tpu.memory_space<hbm>> -> memref<1024xi32, #tpu.memory_space<hbm>>
        tpu.enqueue_dma source(%dma_start3A_585 : memref<1024xi32, #tpu.memory_space<hbm>>) target(%arg7 : memref<1024xi32, #tpu.memory_space<vmem>>) target_semaphore(%run_scoped3A : memref<!tpu.dma_semaphore, #tpu.memory_space<semaphore_mem>>)
        %dma_wait3A_586 = tpu.memref_slice %arg3[%add3A_32] : memref<655360xi32, #tpu.memory_space<hbm>> -> memref<1024xi32, #tpu.memory_space<hbm>>
        %dma_wait3A_587 = tpu.memref_slice %arg3[%add3A_32] : memref<655360xi32, #tpu.memory_space<hbm>> -> memref<1024xi32, #tpu.memory_space<hbm>>
        tpu.wait_dma2 semaphore(%run_scoped3A : memref<!tpu.dma_semaphore, #tpu.memory_space<semaphore_mem>>) src(%dma_wait3A_587 : memref<1024xi32, #tpu.memory_space<hbm>>) dst(%arg7 : memref<1024xi32, #tpu.memory_space<vmem>>)
        tpu.yield
      }) : () -> ()
      %mul3A_33 = arith.constant 1024 : i32
      %mul3A_34 = arith.muli %add3A_29, %mul3A_33 : i32
      %add3A_35 = arith.addi %mul3A_13, %mul3A_34 : i32
      "tpu.region"() ({
        %run_scoped3A = tpu.sem_alloc : memref<!tpu.dma_semaphore, #tpu.memory_space<semaphore_mem>>
        %dma_start3A_584 = tpu.memref_slice %arg4[%add3A_35] : memref<327680xi32, #tpu.memory_space<hbm>> -> memref<1024xi32, #tpu.memory_space<hbm>>
        %dma_start3A_585 = tpu.memref_slice %arg4[%add3A_35] : memref<327680xi32, #tpu.memory_space<hbm>> -> memref<1024xi32, #tpu.memory_space<hbm>>
        tpu.enqueue_dma source(%dma_start3A_585 : memref<1024xi32, #tpu.memory_space<hbm>>) target(%arg8 : memref<1024xi32, #tpu.memory_space<vmem>>) target_semaphore(%run_scoped3A : memref<!tpu.dma_semaphore, #tpu.memory_space<semaphore_mem>>)
        %dma_wait3A_586 = tpu.memref_slice %arg4[%add3A_35] : memref<327680xi32, #tpu.memory_space<hbm>> -> memref<1024xi32, #tpu.memory_space<hbm>>
        %dma_wait3A_587 = tpu.memref_slice %arg4[%add3A_35] : memref<327680xi32, #tpu.memory_space<hbm>> -> memref<1024xi32, #tpu.memory_space<hbm>>
        tpu.wait_dma2 semaphore(%run_scoped3A : memref<!tpu.dma_semaphore, #tpu.memory_space<semaphore_mem>>) src(%dma_wait3A_587 : memref<1024xi32, #tpu.memory_space<hbm>>) dst(%arg8 : memref<1024xi32, #tpu.memory_space<vmem>>)
        tpu.yield
      }) : () -> ()
      %get3A = arith.constant 0 : index
      %get3A_36 = tpu.vector_load %arg8[%get3A] {strides = array<i32>} : memref<1024xi32, #tpu.memory_space<vmem>>, vector<16xi32>,
      %get3A_37 = vector.shape_cast %get3A_36 : vector<16xi32> to vector<16xi32>
      %swap3A = arith.constant 0 : index
      %swap3A_38 = tpu.vector_load %arg9[%swap3A] {strides = array<i32>} : memref<128xi32, #tpu.memory_space<vmem>>, vector<16xi32>,
      %swap3A_39 = vector.shape_cast %swap3A_38 : vector<16xi32> to vector<16xi32>
      %swap3A_40 = vector.shape_cast %get3A_37 : vector<16xi32> to vector<16xi32>
      tpu.vector_store %arg9[%swap3A], %swap3A_40 {strides = array<i32>} : memref<128xi32, #tpu.memory_space<vmem>>, vector<16xi32>,
      %get3A_41 = arith.constant 16 : index
      %get3A_42 = tpu.vector_load %arg8[%get3A_41] {strides = array<i32>} : memref<1024xi32, #tpu.memory_space<vmem>>, vector<16xi32>,
      %get3A_43 = vector.shape_cast %get3A_42 : vector<16xi32> to vector<16xi32>
      %swap3A_44 = arith.constant 16 : index
      %swap3A_45 = tpu.vector_load %arg9[%swap3A_44] {strides = array<i32>} : memref<128xi32, #tpu.memory_space<vmem>>, vector<16xi32>,
      %swap3A_46 = vector.shape_cast %swap3A_45 : vector<16xi32> to vector<16xi32>
      %swap3A_47 = vector.shape_cast %get3A_43 : vector<16xi32> to vector<16xi32>
      tpu.vector_store %arg9[%swap3A_44], %swap3A_47 {strides = array<i32>} : memref<128xi32, #tpu.memory_space<vmem>>, vector<16xi32>,
      %get3A_48 = arith.constant 32 : index
      %get3A_49 = tpu.vector_load %arg8[%get3A_48] {strides = array<i32>} : memref<1024xi32, #tpu.memory_space<vmem>>, vector<16xi32>,
      %get3A_50 = vector.shape_cast %get3A_49 : vector<16xi32> to vector<16xi32>
      %swap3A_51 = arith.constant 32 : index
      %swap3A_52 = tpu.vector_load %arg9[%swap3A_51] {strides = array<i32>} : memref<128xi32, #tpu.memory_space<vmem>>, vector<16xi32>,
      %swap3A_53 = vector.shape_cast %swap3A_52 : vector<16xi32> to vector<16xi32>
      %swap3A_54 = vector.shape_cast %get3A_50 : vector<16xi32> to vector<16xi32>
      tpu.vector_store %arg9[%swap3A_51], %swap3A_54 {strides = array<i32>} : memref<128xi32, #tpu.memory_space<vmem>>, vector<16xi32>,
      %get3A_55 = arith.constant 48 : index
      %get3A_56 = tpu.vector_load %arg8[%get3A_55] {strides = array<i32>} : memref<1024xi32, #tpu.memory_space<vmem>>, vector<16xi32>,
      %get3A_57 = vector.shape_cast %get3A_56 : vector<16xi32> to vector<16xi32>
      %swap3A_58 = arith.constant 48 : index
      %swap3A_59 = tpu.vector_load %arg9[%swap3A_58] {strides = array<i32>} : memref<128xi32, #tpu.memory_space<vmem>>, vector<16xi32>,
      %swap3A_60 = vector.shape_cast %swap3A_59 : vector<16xi32> to vector<16xi32>
      %swap3A_61 = vector.shape_cast %get3A_57 : vector<16xi32> to vector<16xi32>
      tpu.vector_store %arg9[%swap3A_58], %swap3A_61 {strides = array<i32>} : memref<128xi32, #tpu.memory_space<vmem>>, vector<16xi32>,
      %get3A_62 = arith.constant 64 : index
      %get3A_63 = tpu.vector_load %arg8[%get3A_62] {strides = array<i32>} : memref<1024xi32, #tpu.memory_space<vmem>>, vector<16xi32>,
      %get3A_64 = vector.shape_cast %get3A_63 : vector<16xi32> to vector<16xi32>
      %swap3A_65 = arith.constant 64 : index
      %swap3A_66 = tpu.vector_load %arg9[%swap3A_65] {strides = array<i32>} : memref<128xi32, #tpu.memory_space<vmem>>, vector<16xi32>,
      %swap3A_67 = vector.shape_cast %swap3A_66 : vector<16xi32> to vector<16xi32>
      %swap3A_68 = vector.shape_cast %get3A_64 : vector<16xi32> to vector<16xi32>
      tpu.vector_store %arg9[%swap3A_65], %swap3A_68 {strides = array<i32>} : memref<128xi32, #tpu.memory_space<vmem>>, vector<16xi32>,
      %get3A_69 = arith.constant 80 : index
      %get3A_70 = tpu.vector_load %arg8[%get3A_69] {strides = array<i32>} : memref<1024xi32, #tpu.memory_space<vmem>>, vector<16xi32>,
      %get3A_71 = vector.shape_cast %get3A_70 : vector<16xi32> to vector<16xi32>
      %swap3A_72 = arith.constant 80 : index
      %swap3A_73 = tpu.vector_load %arg9[%swap3A_72] {strides = array<i32>} : memref<128xi32, #tpu.memory_space<vmem>>, vector<16xi32>,
      %swap3A_74 = vector.shape_cast %swap3A_73 : vector<16xi32> to vector<16xi32>
      %swap3A_75 = vector.shape_cast %get3A_71 : vector<16xi32> to vector<16xi32>
      tpu.vector_store %arg9[%swap3A_72], %swap3A_75 {strides = array<i32>} : memref<128xi32, #tpu.memory_space<vmem>>, vector<16xi32>,
      %get3A_76 = arith.constant 96 : index
      %get3A_77 = tpu.vector_load %arg8[%get3A_76] {strides = array<i32>} : memref<1024xi32, #tpu.memory_space<vmem>>, vector<16xi32>,
      %get3A_78 = vector.shape_cast %get3A_77 : vector<16xi32> to vector<16xi32>
      %swap3A_79 = arith.constant 96 : index
      %swap3A_80 = tpu.vector_load %arg9[%swap3A_79] {strides = array<i32>} : memref<128xi32, #tpu.memory_space<vmem>>, vector<16xi32>,
      %swap3A_81 = vector.shape_cast %swap3A_80 : vector<16xi32> to vector<16xi32>
      %swap3A_82 = vector.shape_cast %get3A_78 : vector<16xi32> to vector<16xi32>
      tpu.vector_store %arg9[%swap3A_79], %swap3A_82 {strides = array<i32>} : memref<128xi32, #tpu.memory_space<vmem>>, vector<16xi32>,
      %get3A_83 = arith.constant 112 : index
      %get3A_84 = tpu.vector_load %arg8[%get3A_83] {strides = array<i32>} : memref<1024xi32, #tpu.memory_space<vmem>>, vector<16xi32>,
      %get3A_85 = vector.shape_cast %get3A_84 : vector<16xi32> to vector<16xi32>
      %swap3A_86 = arith.constant 112 : index
      %swap3A_87 = tpu.vector_load %arg9[%swap3A_86] {strides = array<i32>} : memref<128xi32, #tpu.memory_space<vmem>>, vector<16xi32>,
      %swap3A_88 = vector.shape_cast %swap3A_87 : vector<16xi32> to vector<16xi32>
      %swap3A_89 = vector.shape_cast %get3A_85 : vector<16xi32> to vector<16xi32>
      tpu.vector_store %arg9[%swap3A_86], %swap3A_89 {strides = array<i32>} : memref<128xi32, #tpu.memory_space<vmem>>, vector<16xi32>,
      %dma_start3A = arith.constant 0 : i32
      %dma_start3A_90 = tpu.memref_slice %arg7[%dma_start3A] : memref<1024xi32, #tpu.memory_space<vmem>> -> memref<128xi32, #tpu.memory_space<vmem>>
      %dma_start3A_91 = arith.constant 0 : i32
      %dma_start3A_92 = arith.constant 0 : i32
      %dma_start3A_93 = tpu.memref_slice %arg2[%dma_start3A_91, %dma_start3A_92] : memref<20480x64xf32, #tpu.memory_space<hbm>> -> memref<20480x64xf32, #tpu.memory_space<hbm>>
      tpu.enqueue_indirect_dma source(%dma_start3A_93 : memref<20480x64xf32, #tpu.memory_space<hbm>>) target(%arg11 : memref<128x64xf32, #tpu.memory_space<vmem>>) offsets(%dma_start3A_90 : memref<128xi32, #tpu.memory_space<vmem>>) semaphore(%arg14 : memref<!tpu.dma_semaphore, #tpu.memory_space<semaphore_mem>>)
      %get3A_94 = arith.constant 128 : index
      %get3A_95 = tpu.vector_load %arg8[%get3A_94] {strides = array<i32>} : memref<1024xi32, #tpu.memory_space<vmem>>, vector<16xi32>,
      %get3A_96 = vector.shape_cast %get3A_95 : vector<16xi32> to vector<16xi32>
      %swap3A_97 = arith.constant 0 : index
      %swap3A_98 = tpu.vector_load %arg10[%swap3A_97] {strides = array<i32>} : memref<128xi32, #tpu.memory_space<vmem>>, vector<16xi32>,
      %swap3A_99 = vector.shape_cast %swap3A_98 : vector<16xi32> to vector<16xi32>
      %swap3A_100 = vector.shape_cast %get3A_96 : vector<16xi32> to vector<16xi32>
      tpu.vector_store %arg10[%swap3A_97], %swap3A_100 {strides = array<i32>} : memref<128xi32, #tpu.memory_space<vmem>>, vector<16xi32>,
      %get3A_101 = arith.constant 144 : index
      %get3A_102 = tpu.vector_load %arg8[%get3A_101] {strides = array<i32>} : memref<1024xi32, #tpu.memory_space<vmem>>, vector<16xi32>,
      %get3A_103 = vector.shape_cast %get3A_102 : vector<16xi32> to vector<16xi32>
      %swap3A_104 = arith.constant 16 : index
      %swap3A_105 = tpu.vector_load %arg10[%swap3A_104] {strides = array<i32>} : memref<128xi32, #tpu.memory_space<vmem>>, vector<16xi32>,
      %swap3A_106 = vector.shape_cast %swap3A_105 : vector<16xi32> to vector<16xi32>
      %swap3A_107 = vector.shape_cast %get3A_103 : vector<16xi32> to vector<16xi32>
      tpu.vector_store %arg10[%swap3A_104], %swap3A_107 {strides = array<i32>} : memref<128xi32, #tpu.memory_space<vmem>>, vector<16xi32>,
      %get3A_108 = arith.constant 160 : index
      %get3A_109 = tpu.vector_load %arg8[%get3A_108] {strides = array<i32>} : memref<1024xi32, #tpu.memory_space<vmem>>, vector<16xi32>,
      %get3A_110 = vector.shape_cast %get3A_109 : vector<16xi32> to vector<16xi32>
      %swap3A_111 = arith.constant 32 : index
      %swap3A_112 = tpu.vector_load %arg10[%swap3A_111] {strides = array<i32>} : memref<128xi32, #tpu.memory_space<vmem>>, vector<16xi32>,
      %swap3A_113 = vector.shape_cast %swap3A_112 : vector<16xi32> to vector<16xi32>
      %swap3A_114 = vector.shape_cast %get3A_110 : vector<16xi32> to vector<16xi32>
      tpu.vector_store %arg10[%swap3A_111], %swap3A_114 {strides = array<i32>} : memref<128xi32, #tpu.memory_space<vmem>>, vector<16xi32>,
      %get3A_115 = arith.constant 176 : index
      %get3A_116 = tpu.vector_load %arg8[%get3A_115] {strides = array<i32>} : memref<1024xi32, #tpu.memory_space<vmem>>, vector<16xi32>,
      %get3A_117 = vector.shape_cast %get3A_116 : vector<16xi32> to vector<16xi32>
      %swap3A_118 = arith.constant 48 : index
      %swap3A_119 = tpu.vector_load %arg10[%swap3A_118] {strides = array<i32>} : memref<128xi32, #tpu.memory_space<vmem>>, vector<16xi32>,
      %swap3A_120 = vector.shape_cast %swap3A_119 : vector<16xi32> to vector<16xi32>
      %swap3A_121 = vector.shape_cast %get3A_117 : vector<16xi32> to vector<16xi32>
      tpu.vector_store %arg10[%swap3A_118], %swap3A_121 {strides = array<i32>} : memref<128xi32, #tpu.memory_space<vmem>>, vector<16xi32>,
      %get3A_122 = arith.constant 192 : index
      %get3A_123 = tpu.vector_load %arg8[%get3A_122] {strides = array<i32>} : memref<1024xi32, #tpu.memory_space<vmem>>, vector<16xi32>,
      %get3A_124 = vector.shape_cast %get3A_123 : vector<16xi32> to vector<16xi32>
      %swap3A_125 = arith.constant 64 : index
      %swap3A_126 = tpu.vector_load %arg10[%swap3A_125] {strides = array<i32>} : memref<128xi32, #tpu.memory_space<vmem>>, vector<16xi32>,
      %swap3A_127 = vector.shape_cast %swap3A_126 : vector<16xi32> to vector<16xi32>
      %swap3A_128 = vector.shape_cast %get3A_124 : vector<16xi32> to vector<16xi32>
      tpu.vector_store %arg10[%swap3A_125], %swap3A_128 {strides = array<i32>} : memref<128xi32, #tpu.memory_space<vmem>>, vector<16xi32>,
      %get3A_129 = arith.constant 208 : index
      %get3A_130 = tpu.vector_load %arg8[%get3A_129] {strides = array<i32>} : memref<1024xi32, #tpu.memory_space<vmem>>, vector<16xi32>,
      %get3A_131 = vector.shape_cast %get3A_130 : vector<16xi32> to vector<16xi32>
      %swap3A_132 = arith.constant 80 : index
      %swap3A_133 = tpu.vector_load %arg10[%swap3A_132] {strides = array<i32>} : memref<128xi32, #tpu.memory_space<vmem>>, vector<16xi32>,
      %swap3A_134 = vector.shape_cast %swap3A_133 : vector<16xi32> to vector<16xi32>
      %swap3A_135 = vector.shape_cast %get3A_131 : vector<16xi32> to vector<16xi32>
      tpu.vector_store %arg10[%swap3A_132], %swap3A_135 {strides = array<i32>} : memref<128xi32, #tpu.memory_space<vmem>>, vector<16xi32>,
      %get3A_136 = arith.constant 224 : index
      %get3A_137 = tpu.vector_load %arg8[%get3A_136] {strides = array<i32>} : memref<1024xi32, #tpu.memory_space<vmem>>, vector<16xi32>,
      %get3A_138 = vector.shape_cast %get3A_137 : vector<16xi32> to vector<16xi32>
      %swap3A_139 = arith.constant 96 : index
      %swap3A_140 = tpu.vector_load %arg10[%swap3A_139] {strides = array<i32>} : memref<128xi32, #tpu.memory_space<vmem>>, vector<16xi32>,
      %swap3A_141 = vector.shape_cast %swap3A_140 : vector<16xi32> to vector<16xi32>
      %swap3A_142 = vector.shape_cast %get3A_138 : vector<16xi32> to vector<16xi32>
      tpu.vector_store %arg10[%swap3A_139], %swap3A_142 {strides = array<i32>} : memref<128xi32, #tpu.memory_space<vmem>>, vector<16xi32>,
      %get3A_143 = arith.constant 240 : index
      %get3A_144 = tpu.vector_load %arg8[%get3A_143] {strides = array<i32>} : memref<1024xi32, #tpu.memory_space<vmem>>, vector<16xi32>,
      %get3A_145 = vector.shape_cast %get3A_144 : vector<16xi32> to vector<16xi32>
      %swap3A_146 = arith.constant 112 : index
      %swap3A_147 = tpu.vector_load %arg10[%swap3A_146] {strides = array<i32>} : memref<128xi32, #tpu.memory_space<vmem>>, vector<16xi32>,
      %swap3A_148 = vector.shape_cast %swap3A_147 : vector<16xi32> to vector<16xi32>
      %swap3A_149 = vector.shape_cast %get3A_145 : vector<16xi32> to vector<16xi32>
      tpu.vector_store %arg10[%swap3A_146], %swap3A_149 {strides = array<i32>} : memref<128xi32, #tpu.memory_space<vmem>>, vector<16xi32>,
      %dma_start3A_150 = arith.constant 128 : i32
      %dma_start3A_151 = tpu.memref_slice %arg7[%dma_start3A_150] : memref<1024xi32, #tpu.memory_space<vmem>> -> memref<128xi32, #tpu.memory_space<vmem>>
      %dma_start3A_152 = arith.constant 0 : i32
      %dma_start3A_153 = arith.constant 0 : i32
      %dma_start3A_154 = tpu.memref_slice %arg2[%dma_start3A_152, %dma_start3A_153] : memref<20480x64xf32, #tpu.memory_space<hbm>> -> memref<20480x64xf32, #tpu.memory_space<hbm>>
      tpu.enqueue_indirect_dma source(%dma_start3A_154 : memref<20480x64xf32, #tpu.memory_space<hbm>>) target(%arg12 : memref<128x64xf32, #tpu.memory_space<vmem>>) offsets(%dma_start3A_151 : memref<128xi32, #tpu.memory_space<vmem>>) semaphore(%arg15 : memref<!tpu.dma_semaphore, #tpu.memory_space<semaphore_mem>>)
      %dma_wait3A = arith.constant 0 : i32
      %dma_wait3A_155 = tpu.memref_slice %arg7[%dma_wait3A] : memref<1024xi32, #tpu.memory_space<vmem>> -> memref<128xi32, #tpu.memory_space<vmem>>
      %dma_wait3A_156 = arith.constant 0 : i32
      %dma_wait3A_157 = arith.constant 0 : i32
      %dma_wait3A_158 = tpu.memref_slice %arg2[%dma_wait3A_156, %dma_wait3A_157] : memref<20480x64xf32, #tpu.memory_space<hbm>> -> memref<20480x64xf32, #tpu.memory_space<hbm>>
      tpu.wait_indirect_dma semaphore(%arg14 : memref<!tpu.dma_semaphore, #tpu.memory_space<semaphore_mem>>) src(%dma_wait3A_158 : memref<20480x64xf32, #tpu.memory_space<hbm>>) dst(%arg11 : memref<128x64xf32, #tpu.memory_space<vmem>>)
      %dma_start3A_159 = arith.constant 0 : i32
      %dma_start3A_160 = arith.constant 0 : i32
      %dma_start3A_161 = tpu.memref_slice %arg6[%dma_start3A_159, %dma_start3A_160] : memref<10240x64xf32, #tpu.memory_space<vmem_shared>> -> memref<10240x64xf32, #tpu.memory_space<vmem_shared>>
      tpu.enqueue_indirect_dma source(%arg11 : memref<128x64xf32, #tpu.memory_space<vmem>>) target(%dma_start3A_161 : memref<10240x64xf32, #tpu.memory_space<vmem_shared>>) offsets(%arg9 : memref<128xi32, #tpu.memory_space<vmem>>) semaphore(%arg16 : memref<!tpu.dma_semaphore, #tpu.memory_space<semaphore_mem>>) {add = true}
      %dma_wait3A_162 = arith.constant 128 : i32
      %dma_wait3A_163 = tpu.memref_slice %arg7[%dma_wait3A_162] : memref<1024xi32, #tpu.memory_space<vmem>> -> memref<128xi32, #tpu.memory_space<vmem>>
      %dma_wait3A_164 = arith.constant 0 : i32
      %dma_wait3A_165 = arith.constant 0 : i32
      %dma_wait3A_166 = tpu.memref_slice %arg2[%dma_wait3A_164, %dma_wait3A_165] : memref<20480x64xf32, #tpu.memory_space<hbm>> -> memref<20480x64xf32, #tpu.memory_space<hbm>>
      tpu.wait_indirect_dma semaphore(%arg15 : memref<!tpu.dma_semaphore, #tpu.memory_space<semaphore_mem>>) src(%dma_wait3A_166 : memref<20480x64xf32, #tpu.memory_space<hbm>>) dst(%arg12 : memref<128x64xf32, #tpu.memory_space<vmem>>)
      %dma_wait3A_167 = arith.constant 0 : i32
      %dma_wait3A_168 = arith.constant 0 : i32
      %dma_wait3A_169 = tpu.memref_slice %arg6[%dma_wait3A_167, %dma_wait3A_168] : memref<10240x64xf32, #tpu.memory_space<vmem_shared>> -> memref<10240x64xf32, #tpu.memory_space<vmem_shared>>
      tpu.wait_indirect_dma semaphore(%arg16 : memref<!tpu.dma_semaphore, #tpu.memory_space<semaphore_mem>>) src(%arg11 : memref<128x64xf32, #tpu.memory_space<vmem>>) dst(%dma_wait3A_169 : memref<10240x64xf32, #tpu.memory_space<vmem_shared>>)
      "tpu.region"() ({
        %run_scoped3A = tpu.sem_alloc : memref<!tpu.dma_semaphore, #tpu.memory_space<semaphore_mem>>
        %dma_start3A_584 = arith.constant 0 : i32
        %dma_start3A_585 = arith.constant 0 : i32
        %dma_start3A_586 = tpu.memref_slice %arg6[%dma_start3A_584, %dma_start3A_585] : memref<10240x64xf32, #tpu.memory_space<vmem_shared>> -> memref<10240x64xf32, #tpu.memory_space<vmem_shared>>
        tpu.enqueue_indirect_dma source(%arg12 : memref<128x64xf32, #tpu.memory_space<vmem>>) target(%dma_start3A_586 : memref<10240x64xf32, #tpu.memory_space<vmem_shared>>) offsets(%arg10 : memref<128xi32, #tpu.memory_space<vmem>>) semaphore(%run_scoped3A : memref<!tpu.dma_semaphore, #tpu.memory_space<semaphore_mem>>) {add = true}
        %dma_wait3A_587 = arith.constant 0 : i32
        %dma_wait3A_588 = arith.constant 0 : i32
        %dma_wait3A_589 = tpu.memref_slice %arg6[%dma_wait3A_587, %dma_wait3A_588] : memref<10240x64xf32, #tpu.memory_space<vmem_shared>> -> memref<10240x64xf32, #tpu.memory_space<vmem_shared>>
        tpu.wait_indirect_dma semaphore(%run_scoped3A : memref<!tpu.dma_semaphore, #tpu.memory_space<semaphore_mem>>) src(%arg12 : memref<128x64xf32, #tpu.memory_space<vmem>>) dst(%dma_wait3A_589 : memref<10240x64xf32, #tpu.memory_space<vmem_shared>>)
        tpu.yield
      }) : () -> ()
      %get3A_170 = arith.constant 256 : index
      %get3A_171 = tpu.vector_load %arg8[%get3A_170] {strides = array<i32>} : memref<1024xi32, #tpu.memory_space<vmem>>, vector<16xi32>,
      %get3A_172 = vector.shape_cast %get3A_171 : vector<16xi32> to vector<16xi32>
      %swap3A_173 = arith.constant 0 : index
      %swap3A_174 = tpu.vector_load %arg9[%swap3A_173] {strides = array<i32>} : memref<128xi32, #tpu.memory_space<vmem>>, vector<16xi32>,
      %swap3A_175 = vector.shape_cast %swap3A_174 : vector<16xi32> to vector<16xi32>
      %swap3A_176 = vector.shape_cast %get3A_172 : vector<16xi32> to vector<16xi32>
      tpu.vector_store %arg9[%swap3A_173], %swap3A_176 {strides = array<i32>} : memref<128xi32, #tpu.memory_space<vmem>>, vector<16xi32>,
      %get3A_177 = arith.constant 272 : index
      %get3A_178 = tpu.vector_load %arg8[%get3A_177] {strides = array<i32>} : memref<1024xi32, #tpu.memory_space<vmem>>, vector<16xi32>,
      %get3A_179 = vector.shape_cast %get3A_178 : vector<16xi32> to vector<16xi32>
      %swap3A_180 = arith.constant 16 : index
      %swap3A_181 = tpu.vector_load %arg9[%swap3A_180] {strides = array<i32>} : memref<128xi32, #tpu.memory_space<vmem>>, vector<16xi32>,
      %swap3A_182 = vector.shape_cast %swap3A_181 : vector<16xi32> to vector<16xi32>
      %swap3A_183 = vector.shape_cast %get3A_179 : vector<16xi32> to vector<16xi32>
      tpu.vector_store %arg9[%swap3A_180], %swap3A_183 {strides = array<i32>} : memref<128xi32, #tpu.memory_space<vmem>>, vector<16xi32>,
      %get3A_184 = arith.constant 288 : index
      %get3A_185 = tpu.vector_load %arg8[%get3A_184] {strides = array<i32>} : memref<1024xi32, #tpu.memory_space<vmem>>, vector<16xi32>,
      %get3A_186 = vector.shape_cast %get3A_185 : vector<16xi32> to vector<16xi32>
      %swap3A_187 = arith.constant 32 : index
      %swap3A_188 = tpu.vector_load %arg9[%swap3A_187] {strides = array<i32>} : memref<128xi32, #tpu.memory_space<vmem>>, vector<16xi32>,
      %swap3A_189 = vector.shape_cast %swap3A_188 : vector<16xi32> to vector<16xi32>
      %swap3A_190 = vector.shape_cast %get3A_186 : vector<16xi32> to vector<16xi32>
      tpu.vector_store %arg9[%swap3A_187], %swap3A_190 {strides = array<i32>} : memref<128xi32, #tpu.memory_space<vmem>>, vector<16xi32>,
      %get3A_191 = arith.constant 304 : index
      %get3A_192 = tpu.vector_load %arg8[%get3A_191] {strides = array<i32>} : memref<1024xi32, #tpu.memory_space<vmem>>, vector<16xi32>,
      %get3A_193 = vector.shape_cast %get3A_192 : vector<16xi32> to vector<16xi32>
      %swap3A_194 = arith.constant 48 : index
      %swap3A_195 = tpu.vector_load %arg9[%swap3A_194] {strides = array<i32>} : memref<128xi32, #tpu.memory_space<vmem>>, vector<16xi32>,
      %swap3A_196 = vector.shape_cast %swap3A_195 : vector<16xi32> to vector<16xi32>
      %swap3A_197 = vector.shape_cast %get3A_193 : vector<16xi32> to vector<16xi32>
      tpu.vector_store %arg9[%swap3A_194], %swap3A_197 {strides = array<i32>} : memref<128xi32, #tpu.memory_space<vmem>>, vector<16xi32>,
      %get3A_198 = arith.constant 320 : index
      %get3A_199 = tpu.vector_load %arg8[%get3A_198] {strides = array<i32>} : memref<1024xi32, #tpu.memory_space<vmem>>, vector<16xi32>,
      %get3A_200 = vector.shape_cast %get3A_199 : vector<16xi32> to vector<16xi32>
      %swap3A_201 = arith.constant 64 : index
      %swap3A_202 = tpu.vector_load %arg9[%swap3A_201] {strides = array<i32>} : memref<128xi32, #tpu.memory_space<vmem>>, vector<16xi32>,
      %swap3A_203 = vector.shape_cast %swap3A_202 : vector<16xi32> to vector<16xi32>
      %swap3A_204 = vector.shape_cast %get3A_200 : vector<16xi32> to vector<16xi32>
      tpu.vector_store %arg9[%swap3A_201], %swap3A_204 {strides = array<i32>} : memref<128xi32, #tpu.memory_space<vmem>>, vector<16xi32>,
      %get3A_205 = arith.constant 336 : index
      %get3A_206 = tpu.vector_load %arg8[%get3A_205] {strides = array<i32>} : memref<1024xi32, #tpu.memory_space<vmem>>, vector<16xi32>,
      %get3A_207 = vector.shape_cast %get3A_206 : vector<16xi32> to vector<16xi32>
      %swap3A_208 = arith.constant 80 : index
      %swap3A_209 = tpu.vector_load %arg9[%swap3A_208] {strides = array<i32>} : memref<128xi32, #tpu.memory_space<vmem>>, vector<16xi32>,
      %swap3A_210 = vector.shape_cast %swap3A_209 : vector<16xi32> to vector<16xi32>
      %swap3A_211 = vector.shape_cast %get3A_207 : vector<16xi32> to vector<16xi32>
      tpu.vector_store %arg9[%swap3A_208], %swap3A_211 {strides = array<i32>} : memref<128xi32, #tpu.memory_space<vmem>>, vector<16xi32>,
      %get3A_212 = arith.constant 352 : index
      %get3A_213 = tpu.vector_load %arg8[%get3A_212] {strides = array<i32>} : memref<1024xi32, #tpu.memory_space<vmem>>, vector<16xi32>,
      %get3A_214 = vector.shape_cast %get3A_213 : vector<16xi32> to vector<16xi32>
      %swap3A_215 = arith.constant 96 : index
      %swap3A_216 = tpu.vector_load %arg9[%swap3A_215] {strides = array<i32>} : memref<128xi32, #tpu.memory_space<vmem>>, vector<16xi32>,
      %swap3A_217 = vector.shape_cast %swap3A_216 : vector<16xi32> to vector<16xi32>
      %swap3A_218 = vector.shape_cast %get3A_214 : vector<16xi32> to vector<16xi32>
      tpu.vector_store %arg9[%swap3A_215], %swap3A_218 {strides = array<i32>} : memref<128xi32, #tpu.memory_space<vmem>>, vector<16xi32>,
      %get3A_219 = arith.constant 368 : index
      %get3A_220 = tpu.vector_load %arg8[%get3A_219] {strides = array<i32>} : memref<1024xi32, #tpu.memory_space<vmem>>, vector<16xi32>,
      %get3A_221 = vector.shape_cast %get3A_220 : vector<16xi32> to vector<16xi32>
      %swap3A_222 = arith.constant 112 : index
      %swap3A_223 = tpu.vector_load %arg9[%swap3A_222] {strides = array<i32>} : memref<128xi32, #tpu.memory_space<vmem>>, vector<16xi32>,
      %swap3A_224 = vector.shape_cast %swap3A_223 : vector<16xi32> to vector<16xi32>
      %swap3A_225 = vector.shape_cast %get3A_221 : vector<16xi32> to vector<16xi32>
      tpu.vector_store %arg9[%swap3A_222], %swap3A_225 {strides = array<i32>} : memref<128xi32, #tpu.memory_space<vmem>>, vector<16xi32>,
      %dma_start3A_226 = arith.constant 256 : i32
      %dma_start3A_227 = tpu.memref_slice %arg7[%dma_start3A_226] : memref<1024xi32, #tpu.memory_space<vmem>> -> memref<128xi32, #tpu.memory_space<vmem>>
      %dma_start3A_228 = arith.constant 0 : i32
      %dma_start3A_229 = arith.constant 0 : i32
      %dma_start3A_230 = tpu.memref_slice %arg2[%dma_start3A_228, %dma_start3A_229] : memref<20480x64xf32, #tpu.memory_space<hbm>> -> memref<20480x64xf32, #tpu.memory_space<hbm>>
      tpu.enqueue_indirect_dma source(%dma_start3A_230 : memref<20480x64xf32, #tpu.memory_space<hbm>>) target(%arg11 : memref<128x64xf32, #tpu.memory_space<vmem>>) offsets(%dma_start3A_227 : memref<128xi32, #tpu.memory_space<vmem>>) semaphore(%arg14 : memref<!tpu.dma_semaphore, #tpu.memory_space<semaphore_mem>>)
      %get3A_231 = arith.constant 384 : index
      %get3A_232 = tpu.vector_load %arg8[%get3A_231] {strides = array<i32>} : memref<1024xi32, #tpu.memory_space<vmem>>, vector<16xi32>,
      %get3A_233 = vector.shape_cast %get3A_232 : vector<16xi32> to vector<16xi32>
      %swap3A_234 = arith.constant 0 : index
      %swap3A_235 = tpu.vector_load %arg10[%swap3A_234] {strides = array<i32>} : memref<128xi32, #tpu.memory_space<vmem>>, vector<16xi32>,
      %swap3A_236 = vector.shape_cast %swap3A_235 : vector<16xi32> to vector<16xi32>
      %swap3A_237 = vector.shape_cast %get3A_233 : vector<16xi32> to vector<16xi32>
      tpu.vector_store %arg10[%swap3A_234], %swap3A_237 {strides = array<i32>} : memref<128xi32, #tpu.memory_space<vmem>>, vector<16xi32>,
      %get3A_238 = arith.constant 400 : index
      %get3A_239 = tpu.vector_load %arg8[%get3A_238] {strides = array<i32>} : memref<1024xi32, #tpu.memory_space<vmem>>, vector<16xi32>,
      %get3A_240 = vector.shape_cast %get3A_239 : vector<16xi32> to vector<16xi32>
      %swap3A_241 = arith.constant 16 : index
      %swap3A_242 = tpu.vector_load %arg10[%swap3A_241] {strides = array<i32>} : memref<128xi32, #tpu.memory_space<vmem>>, vector<16xi32>,
      %swap3A_243 = vector.shape_cast %swap3A_242 : vector<16xi32> to vector<16xi32>
      %swap3A_244 = vector.shape_cast %get3A_240 : vector<16xi32> to vector<16xi32>
      tpu.vector_store %arg10[%swap3A_241], %swap3A_244 {strides = array<i32>} : memref<128xi32, #tpu.memory_space<vmem>>, vector<16xi32>,
      %get3A_245 = arith.constant 416 : index
      %get3A_246 = tpu.vector_load %arg8[%get3A_245] {strides = array<i32>} : memref<1024xi32, #tpu.memory_space<vmem>>, vector<16xi32>,
      %get3A_247 = vector.shape_cast %get3A_246 : vector<16xi32> to vector<16xi32>
      %swap3A_248 = arith.constant 32 : index
      %swap3A_249 = tpu.vector_load %arg10[%swap3A_248] {strides = array<i32>} : memref<128xi32, #tpu.memory_space<vmem>>, vector<16xi32>,
      %swap3A_250 = vector.shape_cast %swap3A_249 : vector<16xi32> to vector<16xi32>
      %swap3A_251 = vector.shape_cast %get3A_247 : vector<16xi32> to vector<16xi32>
      tpu.vector_store %arg10[%swap3A_248], %swap3A_251 {strides = array<i32>} : memref<128xi32, #tpu.memory_space<vmem>>, vector<16xi32>,
      %get3A_252 = arith.constant 432 : index
      %get3A_253 = tpu.vector_load %arg8[%get3A_252] {strides = array<i32>} : memref<1024xi32, #tpu.memory_space<vmem>>, vector<16xi32>,
      %get3A_254 = vector.shape_cast %get3A_253 : vector<16xi32> to vector<16xi32>
      %swap3A_255 = arith.constant 48 : index
      %swap3A_256 = tpu.vector_load %arg10[%swap3A_255] {strides = array<i32>} : memref<128xi32, #tpu.memory_space<vmem>>, vector<16xi32>,
      %swap3A_257 = vector.shape_cast %swap3A_256 : vector<16xi32> to vector<16xi32>
      %swap3A_258 = vector.shape_cast %get3A_254 : vector<16xi32> to vector<16xi32>
      tpu.vector_store %arg10[%swap3A_255], %swap3A_258 {strides = array<i32>} : memref<128xi32, #tpu.memory_space<vmem>>, vector<16xi32>,
      %get3A_259 = arith.constant 448 : index
      %get3A_260 = tpu.vector_load %arg8[%get3A_259] {strides = array<i32>} : memref<1024xi32, #tpu.memory_space<vmem>>, vector<16xi32>,
      %get3A_261 = vector.shape_cast %get3A_260 : vector<16xi32> to vector<16xi32>
      %swap3A_262 = arith.constant 64 : index
      %swap3A_263 = tpu.vector_load %arg10[%swap3A_262] {strides = array<i32>} : memref<128xi32, #tpu.memory_space<vmem>>, vector<16xi32>,
      %swap3A_264 = vector.shape_cast %swap3A_263 : vector<16xi32> to vector<16xi32>
      %swap3A_265 = vector.shape_cast %get3A_261 : vector<16xi32> to vector<16xi32>
      tpu.vector_store %arg10[%swap3A_262], %swap3A_265 {strides = array<i32>} : memref<128xi32, #tpu.memory_space<vmem>>, vector<16xi32>,
      %get3A_266 = arith.constant 464 : index
      %get3A_267 = tpu.vector_load %arg8[%get3A_266] {strides = array<i32>} : memref<1024xi32, #tpu.memory_space<vmem>>, vector<16xi32>,
      %get3A_268 = vector.shape_cast %get3A_267 : vector<16xi32> to vector<16xi32>
      %swap3A_269 = arith.constant 80 : index
      %swap3A_270 = tpu.vector_load %arg10[%swap3A_269] {strides = array<i32>} : memref<128xi32, #tpu.memory_space<vmem>>, vector<16xi32>,
      %swap3A_271 = vector.shape_cast %swap3A_270 : vector<16xi32> to vector<16xi32>
      %swap3A_272 = vector.shape_cast %get3A_268 : vector<16xi32> to vector<16xi32>
      tpu.vector_store %arg10[%swap3A_269], %swap3A_272 {strides = array<i32>} : memref<128xi32, #tpu.memory_space<vmem>>, vector<16xi32>,
      %get3A_273 = arith.constant 480 : index
      %get3A_274 = tpu.vector_load %arg8[%get3A_273] {strides = array<i32>} : memref<1024xi32, #tpu.memory_space<vmem>>, vector<16xi32>,
      %get3A_275 = vector.shape_cast %get3A_274 : vector<16xi32> to vector<16xi32>
      %swap3A_276 = arith.constant 96 : index
      %swap3A_277 = tpu.vector_load %arg10[%swap3A_276] {strides = array<i32>} : memref<128xi32, #tpu.memory_space<vmem>>, vector<16xi32>,
      %swap3A_278 = vector.shape_cast %swap3A_277 : vector<16xi32> to vector<16xi32>
      %swap3A_279 = vector.shape_cast %get3A_275 : vector<16xi32> to vector<16xi32>
      tpu.vector_store %arg10[%swap3A_276], %swap3A_279 {strides = array<i32>} : memref<128xi32, #tpu.memory_space<vmem>>, vector<16xi32>,
      %get3A_280 = arith.constant 496 : index
      %get3A_281 = tpu.vector_load %arg8[%get3A_280] {strides = array<i32>} : memref<1024xi32, #tpu.memory_space<vmem>>, vector<16xi32>,
      %get3A_282 = vector.shape_cast %get3A_281 : vector<16xi32> to vector<16xi32>
      %swap3A_283 = arith.constant 112 : index
      %swap3A_284 = tpu.vector_load %arg10[%swap3A_283] {strides = array<i32>} : memref<128xi32, #tpu.memory_space<vmem>>, vector<16xi32>,
      %swap3A_285 = vector.shape_cast %swap3A_284 : vector<16xi32> to vector<16xi32>
      %swap3A_286 = vector.shape_cast %get3A_282 : vector<16xi32> to vector<16xi32>
      tpu.vector_store %arg10[%swap3A_283], %swap3A_286 {strides = array<i32>} : memref<128xi32, #tpu.memory_space<vmem>>, vector<16xi32>,
      %dma_start3A_287 = arith.constant 384 : i32
      %dma_start3A_288 = tpu.memref_slice %arg7[%dma_start3A_287] : memref<1024xi32, #tpu.memory_space<vmem>> -> memref<128xi32, #tpu.memory_space<vmem>>
      %dma_start3A_289 = arith.constant 0 : i32
      %dma_start3A_290 = arith.constant 0 : i32
      %dma_start3A_291 = tpu.memref_slice %arg2[%dma_start3A_289, %dma_start3A_290] : memref<20480x64xf32, #tpu.memory_space<hbm>> -> memref<20480x64xf32, #tpu.memory_space<hbm>>
      tpu.enqueue_indirect_dma source(%dma_start3A_291 : memref<20480x64xf32, #tpu.memory_space<hbm>>) target(%arg12 : memref<128x64xf32, #tpu.memory_space<vmem>>) offsets(%dma_start3A_288 : memref<128xi32, #tpu.memory_space<vmem>>) semaphore(%arg15 : memref<!tpu.dma_semaphore, #tpu.memory_space<semaphore_mem>>)
      %dma_wait3A_292 = arith.constant 256 : i32
      %dma_wait3A_293 = tpu.memref_slice %arg7[%dma_wait3A_292] : memref<1024xi32, #tpu.memory_space<vmem>> -> memref<128xi32, #tpu.memory_space<vmem>>
      %dma_wait3A_294 = arith.constant 0 : i32
      %dma_wait3A_295 = arith.constant 0 : i32
      %dma_wait3A_296 = tpu.memref_slice %arg2[%dma_wait3A_294, %dma_wait3A_295] : memref<20480x64xf32, #tpu.memory_space<hbm>> -> memref<20480x64xf32, #tpu.memory_space<hbm>>
      tpu.wait_indirect_dma semaphore(%arg14 : memref<!tpu.dma_semaphore, #tpu.memory_space<semaphore_mem>>) src(%dma_wait3A_296 : memref<20480x64xf32, #tpu.memory_space<hbm>>) dst(%arg11 : memref<128x64xf32, #tpu.memory_space<vmem>>)
      %dma_start3A_297 = arith.constant 0 : i32
      %dma_start3A_298 = arith.constant 0 : i32
      %dma_start3A_299 = tpu.memref_slice %arg6[%dma_start3A_297, %dma_start3A_298] : memref<10240x64xf32, #tpu.memory_space<vmem_shared>> -> memref<10240x64xf32, #tpu.memory_space<vmem_shared>>
      tpu.enqueue_indirect_dma source(%arg11 : memref<128x64xf32, #tpu.memory_space<vmem>>) target(%dma_start3A_299 : memref<10240x64xf32, #tpu.memory_space<vmem_shared>>) offsets(%arg9 : memref<128xi32, #tpu.memory_space<vmem>>) semaphore(%arg16 : memref<!tpu.dma_semaphore, #tpu.memory_space<semaphore_mem>>) {add = true}
      %dma_wait3A_300 = arith.constant 384 : i32
      %dma_wait3A_301 = tpu.memref_slice %arg7[%dma_wait3A_300] : memref<1024xi32, #tpu.memory_space<vmem>> -> memref<128xi32, #tpu.memory_space<vmem>>
      %dma_wait3A_302 = arith.constant 0 : i32
      %dma_wait3A_303 = arith.constant 0 : i32
      %dma_wait3A_304 = tpu.memref_slice %arg2[%dma_wait3A_302, %dma_wait3A_303] : memref<20480x64xf32, #tpu.memory_space<hbm>> -> memref<20480x64xf32, #tpu.memory_space<hbm>>
      tpu.wait_indirect_dma semaphore(%arg15 : memref<!tpu.dma_semaphore, #tpu.memory_space<semaphore_mem>>) src(%dma_wait3A_304 : memref<20480x64xf32, #tpu.memory_space<hbm>>) dst(%arg12 : memref<128x64xf32, #tpu.memory_space<vmem>>)
      %dma_wait3A_305 = arith.constant 0 : i32
      %dma_wait3A_306 = arith.constant 0 : i32
      %dma_wait3A_307 = tpu.memref_slice %arg6[%dma_wait3A_305, %dma_wait3A_306] : memref<10240x64xf32, #tpu.memory_space<vmem_shared>> -> memref<10240x64xf32, #tpu.memory_space<vmem_shared>>
      tpu.wait_indirect_dma semaphore(%arg16 : memref<!tpu.dma_semaphore, #tpu.memory_space<semaphore_mem>>) src(%arg11 : memref<128x64xf32, #tpu.memory_space<vmem>>) dst(%dma_wait3A_307 : memref<10240x64xf32, #tpu.memory_space<vmem_shared>>)
      "tpu.region"() ({
        %run_scoped3A = tpu.sem_alloc : memref<!tpu.dma_semaphore, #tpu.memory_space<semaphore_mem>>
        %dma_start3A_584 = arith.constant 0 : i32
        %dma_start3A_585 = arith.constant 0 : i32
        %dma_start3A_586 = tpu.memref_slice %arg6[%dma_start3A_584, %dma_start3A_585] : memref<10240x64xf32, #tpu.memory_space<vmem_shared>> -> memref<10240x64xf32, #tpu.memory_space<vmem_shared>>
        tpu.enqueue_indirect_dma source(%arg12 : memref<128x64xf32, #tpu.memory_space<vmem>>) target(%dma_start3A_586 : memref<10240x64xf32, #tpu.memory_space<vmem_shared>>) offsets(%arg10 : memref<128xi32, #tpu.memory_space<vmem>>) semaphore(%run_scoped3A : memref<!tpu.dma_semaphore, #tpu.memory_space<semaphore_mem>>) {add = true}
        %dma_wait3A_587 = arith.constant 0 : i32
        %dma_wait3A_588 = arith.constant 0 : i32
        %dma_wait3A_589 = tpu.memref_slice %arg6[%dma_wait3A_587, %dma_wait3A_588] : memref<10240x64xf32, #tpu.memory_space<vmem_shared>> -> memref<10240x64xf32, #tpu.memory_space<vmem_shared>>
        tpu.wait_indirect_dma semaphore(%run_scoped3A : memref<!tpu.dma_semaphore, #tpu.memory_space<semaphore_mem>>) src(%arg12 : memref<128x64xf32, #tpu.memory_space<vmem>>) dst(%dma_wait3A_589 : memref<10240x64xf32, #tpu.memory_space<vmem_shared>>)
        tpu.yield
      }) : () -> ()
      %get3A_308 = arith.constant 512 : index
      %get3A_309 = tpu.vector_load %arg8[%get3A_308] {strides = array<i32>} : memref<1024xi32, #tpu.memory_space<vmem>>, vector<16xi32>,
      %get3A_310 = vector.shape_cast %get3A_309 : vector<16xi32> to vector<16xi32>
      %swap3A_311 = arith.constant 0 : index
      %swap3A_312 = tpu.vector_load %arg9[%swap3A_311] {strides = array<i32>} : memref<128xi32, #tpu.memory_space<vmem>>, vector<16xi32>,
      %swap3A_313 = vector.shape_cast %swap3A_312 : vector<16xi32> to vector<16xi32>
      %swap3A_314 = vector.shape_cast %get3A_310 : vector<16xi32> to vector<16xi32>
      tpu.vector_store %arg9[%swap3A_311], %swap3A_314 {strides = array<i32>} : memref<128xi32, #tpu.memory_space<vmem>>, vector<16xi32>,
      %get3A_315 = arith.constant 528 : index
      %get3A_316 = tpu.vector_load %arg8[%get3A_315] {strides = array<i32>} : memref<1024xi32, #tpu.memory_space<vmem>>, vector<16xi32>,
      %get3A_317 = vector.shape_cast %get3A_316 : vector<16xi32> to vector<16xi32>
      %swap3A_318 = arith.constant 16 : index
      %swap3A_319 = tpu.vector_load %arg9[%swap3A_318] {strides = array<i32>} : memref<128xi32, #tpu.memory_space<vmem>>, vector<16xi32>,
      %swap3A_320 = vector.shape_cast %swap3A_319 : vector<16xi32> to vector<16xi32>
      %swap3A_321 = vector.shape_cast %get3A_317 : vector<16xi32> to vector<16xi32>
      tpu.vector_store %arg9[%swap3A_318], %swap3A_321 {strides = array<i32>} : memref<128xi32, #tpu.memory_space<vmem>>, vector<16xi32>,
      %get3A_322 = arith.constant 544 : index
      %get3A_323 = tpu.vector_load %arg8[%get3A_322] {strides = array<i32>} : memref<1024xi32, #tpu.memory_space<vmem>>, vector<16xi32>,
      %get3A_324 = vector.shape_cast %get3A_323 : vector<16xi32> to vector<16xi32>
      %swap3A_325 = arith.constant 32 : index
      %swap3A_326 = tpu.vector_load %arg9[%swap3A_325] {strides = array<i32>} : memref<128xi32, #tpu.memory_space<vmem>>, vector<16xi32>,
      %swap3A_327 = vector.shape_cast %swap3A_326 : vector<16xi32> to vector<16xi32>
      %swap3A_328 = vector.shape_cast %get3A_324 : vector<16xi32> to vector<16xi32>
      tpu.vector_store %arg9[%swap3A_325], %swap3A_328 {strides = array<i32>} : memref<128xi32, #tpu.memory_space<vmem>>, vector<16xi32>,
      %get3A_329 = arith.constant 560 : index
      %get3A_330 = tpu.vector_load %arg8[%get3A_329] {strides = array<i32>} : memref<1024xi32, #tpu.memory_space<vmem>>, vector<16xi32>,
      %get3A_331 = vector.shape_cast %get3A_330 : vector<16xi32> to vector<16xi32>
      %swap3A_332 = arith.constant 48 : index
      %swap3A_333 = tpu.vector_load %arg9[%swap3A_332] {strides = array<i32>} : memref<128xi32, #tpu.memory_space<vmem>>, vector<16xi32>,
      %swap3A_334 = vector.shape_cast %swap3A_333 : vector<16xi32> to vector<16xi32>
      %swap3A_335 = vector.shape_cast %get3A_331 : vector<16xi32> to vector<16xi32>
      tpu.vector_store %arg9[%swap3A_332], %swap3A_335 {strides = array<i32>} : memref<128xi32, #tpu.memory_space<vmem>>, vector<16xi32>,
      %get3A_336 = arith.constant 576 : index
      %get3A_337 = tpu.vector_load %arg8[%get3A_336] {strides = array<i32>} : memref<1024xi32, #tpu.memory_space<vmem>>, vector<16xi32>,
      %get3A_338 = vector.shape_cast %get3A_337 : vector<16xi32> to vector<16xi32>
      %swap3A_339 = arith.constant 64 : index
      %swap3A_340 = tpu.vector_load %arg9[%swap3A_339] {strides = array<i32>} : memref<128xi32, #tpu.memory_space<vmem>>, vector<16xi32>,
      %swap3A_341 = vector.shape_cast %swap3A_340 : vector<16xi32> to vector<16xi32>
      %swap3A_342 = vector.shape_cast %get3A_338 : vector<16xi32> to vector<16xi32>
      tpu.vector_store %arg9[%swap3A_339], %swap3A_342 {strides = array<i32>} : memref<128xi32, #tpu.memory_space<vmem>>, vector<16xi32>,
      %get3A_343 = arith.constant 592 : index
      %get3A_344 = tpu.vector_load %arg8[%get3A_343] {strides = array<i32>} : memref<1024xi32, #tpu.memory_space<vmem>>, vector<16xi32>,
      %get3A_345 = vector.shape_cast %get3A_344 : vector<16xi32> to vector<16xi32>
      %swap3A_346 = arith.constant 80 : index
      %swap3A_347 = tpu.vector_load %arg9[%swap3A_346] {strides = array<i32>} : memref<128xi32, #tpu.memory_space<vmem>>, vector<16xi32>,
      %swap3A_348 = vector.shape_cast %swap3A_347 : vector<16xi32> to vector<16xi32>
      %swap3A_349 = vector.shape_cast %get3A_345 : vector<16xi32> to vector<16xi32>
      tpu.vector_store %arg9[%swap3A_346], %swap3A_349 {strides = array<i32>} : memref<128xi32, #tpu.memory_space<vmem>>, vector<16xi32>,
      %get3A_350 = arith.constant 608 : index
      %get3A_351 = tpu.vector_load %arg8[%get3A_350] {strides = array<i32>} : memref<1024xi32, #tpu.memory_space<vmem>>, vector<16xi32>,
      %get3A_352 = vector.shape_cast %get3A_351 : vector<16xi32> to vector<16xi32>
      %swap3A_353 = arith.constant 96 : index
      %swap3A_354 = tpu.vector_load %arg9[%swap3A_353] {strides = array<i32>} : memref<128xi32, #tpu.memory_space<vmem>>, vector<16xi32>,
      %swap3A_355 = vector.shape_cast %swap3A_354 : vector<16xi32> to vector<16xi32>
      %swap3A_356 = vector.shape_cast %get3A_352 : vector<16xi32> to vector<16xi32>
      tpu.vector_store %arg9[%swap3A_353], %swap3A_356 {strides = array<i32>} : memref<128xi32, #tpu.memory_space<vmem>>, vector<16xi32>,
      %get3A_357 = arith.constant 624 : index
      %get3A_358 = tpu.vector_load %arg8[%get3A_357] {strides = array<i32>} : memref<1024xi32, #tpu.memory_space<vmem>>, vector<16xi32>,
      %get3A_359 = vector.shape_cast %get3A_358 : vector<16xi32> to vector<16xi32>
      %swap3A_360 = arith.constant 112 : index
      %swap3A_361 = tpu.vector_load %arg9[%swap3A_360] {strides = array<i32>} : memref<128xi32, #tpu.memory_space<vmem>>, vector<16xi32>,
      %swap3A_362 = vector.shape_cast %swap3A_361 : vector<16xi32> to vector<16xi32>
      %swap3A_363 = vector.shape_cast %get3A_359 : vector<16xi32> to vector<16xi32>
      tpu.vector_store %arg9[%swap3A_360], %swap3A_363 {strides = array<i32>} : memref<128xi32, #tpu.memory_space<vmem>>, vector<16xi32>,
      %dma_start3A_364 = arith.constant 512 : i32
      %dma_start3A_365 = tpu.memref_slice %arg7[%dma_start3A_364] : memref<1024xi32, #tpu.memory_space<vmem>> -> memref<128xi32, #tpu.memory_space<vmem>>
      %dma_start3A_366 = arith.constant 0 : i32
      %dma_start3A_367 = arith.constant 0 : i32
      %dma_start3A_368 = tpu.memref_slice %arg2[%dma_start3A_366, %dma_start3A_367] : memref<20480x64xf32, #tpu.memory_space<hbm>> -> memref<20480x64xf32, #tpu.memory_space<hbm>>
      tpu.enqueue_indirect_dma source(%dma_start3A_368 : memref<20480x64xf32, #tpu.memory_space<hbm>>) target(%arg11 : memref<128x64xf32, #tpu.memory_space<vmem>>) offsets(%dma_start3A_365 : memref<128xi32, #tpu.memory_space<vmem>>) semaphore(%arg14 : memref<!tpu.dma_semaphore, #tpu.memory_space<semaphore_mem>>)
      %get3A_369 = arith.constant 640 : index
      %get3A_370 = tpu.vector_load %arg8[%get3A_369] {strides = array<i32>} : memref<1024xi32, #tpu.memory_space<vmem>>, vector<16xi32>,
      %get3A_371 = vector.shape_cast %get3A_370 : vector<16xi32> to vector<16xi32>
      %swap3A_372 = arith.constant 0 : index
      %swap3A_373 = tpu.vector_load %arg10[%swap3A_372] {strides = array<i32>} : memref<128xi32, #tpu.memory_space<vmem>>, vector<16xi32>,
      %swap3A_374 = vector.shape_cast %swap3A_373 : vector<16xi32> to vector<16xi32>
      %swap3A_375 = vector.shape_cast %get3A_371 : vector<16xi32> to vector<16xi32>
      tpu.vector_store %arg10[%swap3A_372], %swap3A_375 {strides = array<i32>} : memref<128xi32, #tpu.memory_space<vmem>>, vector<16xi32>,
      %get3A_376 = arith.constant 656 : index
      %get3A_377 = tpu.vector_load %arg8[%get3A_376] {strides = array<i32>} : memref<1024xi32, #tpu.memory_space<vmem>>, vector<16xi32>,
      %get3A_378 = vector.shape_cast %get3A_377 : vector<16xi32> to vector<16xi32>
      %swap3A_379 = arith.constant 16 : index
      %swap3A_380 = tpu.vector_load %arg10[%swap3A_379] {strides = array<i32>} : memref<128xi32, #tpu.memory_space<vmem>>, vector<16xi32>,
      %swap3A_381 = vector.shape_cast %swap3A_380 : vector<16xi32> to vector<16xi32>
      %swap3A_382 = vector.shape_cast %get3A_378 : vector<16xi32> to vector<16xi32>
      tpu.vector_store %arg10[%swap3A_379], %swap3A_382 {strides = array<i32>} : memref<128xi32, #tpu.memory_space<vmem>>, vector<16xi32>,
      %get3A_383 = arith.constant 672 : index
      %get3A_384 = tpu.vector_load %arg8[%get3A_383] {strides = array<i32>} : memref<1024xi32, #tpu.memory_space<vmem>>, vector<16xi32>,
      %get3A_385 = vector.shape_cast %get3A_384 : vector<16xi32> to vector<16xi32>
      %swap3A_386 = arith.constant 32 : index
      %swap3A_387 = tpu.vector_load %arg10[%swap3A_386] {strides = array<i32>} : memref<128xi32, #tpu.memory_space<vmem>>, vector<16xi32>,
      %swap3A_388 = vector.shape_cast %swap3A_387 : vector<16xi32> to vector<16xi32>
      %swap3A_389 = vector.shape_cast %get3A_385 : vector<16xi32> to vector<16xi32>
      tpu.vector_store %arg10[%swap3A_386], %swap3A_389 {strides = array<i32>} : memref<128xi32, #tpu.memory_space<vmem>>, vector<16xi32>,
      %get3A_390 = arith.constant 688 : index
      %get3A_391 = tpu.vector_load %arg8[%get3A_390] {strides = array<i32>} : memref<1024xi32, #tpu.memory_space<vmem>>, vector<16xi32>,
      %get3A_392 = vector.shape_cast %get3A_391 : vector<16xi32> to vector<16xi32>
      %swap3A_393 = arith.constant 48 : index
      %swap3A_394 = tpu.vector_load %arg10[%swap3A_393] {strides = array<i32>} : memref<128xi32, #tpu.memory_space<vmem>>, vector<16xi32>,
      %swap3A_395 = vector.shape_cast %swap3A_394 : vector<16xi32> to vector<16xi32>
      %swap3A_396 = vector.shape_cast %get3A_392 : vector<16xi32> to vector<16xi32>
      tpu.vector_store %arg10[%swap3A_393], %swap3A_396 {strides = array<i32>} : memref<128xi32, #tpu.memory_space<vmem>>, vector<16xi32>,
      %get3A_397 = arith.constant 704 : index
      %get3A_398 = tpu.vector_load %arg8[%get3A_397] {strides = array<i32>} : memref<1024xi32, #tpu.memory_space<vmem>>, vector<16xi32>,
      %get3A_399 = vector.shape_cast %get3A_398 : vector<16xi32> to vector<16xi32>
      %swap3A_400 = arith.constant 64 : index
      %swap3A_401 = tpu.vector_load %arg10[%swap3A_400] {strides = array<i32>} : memref<128xi32, #tpu.memory_space<vmem>>, vector<16xi32>,
      %swap3A_402 = vector.shape_cast %swap3A_401 : vector<16xi32> to vector<16xi32>
      %swap3A_403 = vector.shape_cast %get3A_399 : vector<16xi32> to vector<16xi32>
      tpu.vector_store %arg10[%swap3A_400], %swap3A_403 {strides = array<i32>} : memref<128xi32, #tpu.memory_space<vmem>>, vector<16xi32>,
      %get3A_404 = arith.constant 720 : index
      %get3A_405 = tpu.vector_load %arg8[%get3A_404] {strides = array<i32>} : memref<1024xi32, #tpu.memory_space<vmem>>, vector<16xi32>,
      %get3A_406 = vector.shape_cast %get3A_405 : vector<16xi32> to vector<16xi32>
      %swap3A_407 = arith.constant 80 : index
      %swap3A_408 = tpu.vector_load %arg10[%swap3A_407] {strides = array<i32>} : memref<128xi32, #tpu.memory_space<vmem>>, vector<16xi32>,
      %swap3A_409 = vector.shape_cast %swap3A_408 : vector<16xi32> to vector<16xi32>
      %swap3A_410 = vector.shape_cast %get3A_406 : vector<16xi32> to vector<16xi32>
      tpu.vector_store %arg10[%swap3A_407], %swap3A_410 {strides = array<i32>} : memref<128xi32, #tpu.memory_space<vmem>>, vector<16xi32>,
      %get3A_411 = arith.constant 736 : index
      %get3A_412 = tpu.vector_load %arg8[%get3A_411] {strides = array<i32>} : memref<1024xi32, #tpu.memory_space<vmem>>, vector<16xi32>,
      %get3A_413 = vector.shape_cast %get3A_412 : vector<16xi32> to vector<16xi32>
      %swap3A_414 = arith.constant 96 : index
      %swap3A_415 = tpu.vector_load %arg10[%swap3A_414] {strides = array<i32>} : memref<128xi32, #tpu.memory_space<vmem>>, vector<16xi32>,
      %swap3A_416 = vector.shape_cast %swap3A_415 : vector<16xi32> to vector<16xi32>
      %swap3A_417 = vector.shape_cast %get3A_413 : vector<16xi32> to vector<16xi32>
      tpu.vector_store %arg10[%swap3A_414], %swap3A_417 {strides = array<i32>} : memref<128xi32, #tpu.memory_space<vmem>>, vector<16xi32>,
      %get3A_418 = arith.constant 752 : index
      %get3A_419 = tpu.vector_load %arg8[%get3A_418] {strides = array<i32>} : memref<1024xi32, #tpu.memory_space<vmem>>, vector<16xi32>,
      %get3A_420 = vector.shape_cast %get3A_419 : vector<16xi32> to vector<16xi32>
      %swap3A_421 = arith.constant 112 : index
      %swap3A_422 = tpu.vector_load %arg10[%swap3A_421] {strides = array<i32>} : memref<128xi32, #tpu.memory_space<vmem>>, vector<16xi32>,
      %swap3A_423 = vector.shape_cast %swap3A_422 : vector<16xi32> to vector<16xi32>
      %swap3A_424 = vector.shape_cast %get3A_420 : vector<16xi32> to vector<16xi32>
      tpu.vector_store %arg10[%swap3A_421], %swap3A_424 {strides = array<i32>} : memref<128xi32, #tpu.memory_space<vmem>>, vector<16xi32>,
      %dma_start3A_425 = arith.constant 640 : i32
      %dma_start3A_426 = tpu.memref_slice %arg7[%dma_start3A_425] : memref<1024xi32, #tpu.memory_space<vmem>> -> memref<128xi32, #tpu.memory_space<vmem>>
      %dma_start3A_427 = arith.constant 0 : i32
      %dma_start3A_428 = arith.constant 0 : i32
      %dma_start3A_429 = tpu.memref_slice %arg2[%dma_start3A_427, %dma_start3A_428] : memref<20480x64xf32, #tpu.memory_space<hbm>> -> memref<20480x64xf32, #tpu.memory_space<hbm>>
      tpu.enqueue_indirect_dma source(%dma_start3A_429 : memref<20480x64xf32, #tpu.memory_space<hbm>>) target(%arg12 : memref<128x64xf32, #tpu.memory_space<vmem>>) offsets(%dma_start3A_426 : memref<128xi32, #tpu.memory_space<vmem>>) semaphore(%arg15 : memref<!tpu.dma_semaphore, #tpu.memory_space<semaphore_mem>>)
      %dma_wait3A_430 = arith.constant 512 : i32
      %dma_wait3A_431 = tpu.memref_slice %arg7[%dma_wait3A_430] : memref<1024xi32, #tpu.memory_space<vmem>> -> memref<128xi32, #tpu.memory_space<vmem>>
      %dma_wait3A_432 = arith.constant 0 : i32
      %dma_wait3A_433 = arith.constant 0 : i32
      %dma_wait3A_434 = tpu.memref_slice %arg2[%dma_wait3A_432, %dma_wait3A_433] : memref<20480x64xf32, #tpu.memory_space<hbm>> -> memref<20480x64xf32, #tpu.memory_space<hbm>>
      tpu.wait_indirect_dma semaphore(%arg14 : memref<!tpu.dma_semaphore, #tpu.memory_space<semaphore_mem>>) src(%dma_wait3A_434 : memref<20480x64xf32, #tpu.memory_space<hbm>>) dst(%arg11 : memref<128x64xf32, #tpu.memory_space<vmem>>)
      %dma_start3A_435 = arith.constant 0 : i32
      %dma_start3A_436 = arith.constant 0 : i32
      %dma_start3A_437 = tpu.memref_slice %arg6[%dma_start3A_435, %dma_start3A_436] : memref<10240x64xf32, #tpu.memory_space<vmem_shared>> -> memref<10240x64xf32, #tpu.memory_space<vmem_shared>>
      tpu.enqueue_indirect_dma source(%arg11 : memref<128x64xf32, #tpu.memory_space<vmem>>) target(%dma_start3A_437 : memref<10240x64xf32, #tpu.memory_space<vmem_shared>>) offsets(%arg9 : memref<128xi32, #tpu.memory_space<vmem>>) semaphore(%arg16 : memref<!tpu.dma_semaphore, #tpu.memory_space<semaphore_mem>>) {add = true}
      %dma_wait3A_438 = arith.constant 640 : i32
      %dma_wait3A_439 = tpu.memref_slice %arg7[%dma_wait3A_438] : memref<1024xi32, #tpu.memory_space<vmem>> -> memref<128xi32, #tpu.memory_space<vmem>>
      %dma_wait3A_440 = arith.constant 0 : i32
      %dma_wait3A_441 = arith.constant 0 : i32
      %dma_wait3A_442 = tpu.memref_slice %arg2[%dma_wait3A_440, %dma_wait3A_441] : memref<20480x64xf32, #tpu.memory_space<hbm>> -> memref<20480x64xf32, #tpu.memory_space<hbm>>
      tpu.wait_indirect_dma semaphore(%arg15 : memref<!tpu.dma_semaphore, #tpu.memory_space<semaphore_mem>>) src(%dma_wait3A_442 : memref<20480x64xf32, #tpu.memory_space<hbm>>) dst(%arg12 : memref<128x64xf32, #tpu.memory_space<vmem>>)
      %dma_wait3A_443 = arith.constant 0 : i32
      %dma_wait3A_444 = arith.constant 0 : i32
      %dma_wait3A_445 = tpu.memref_slice %arg6[%dma_wait3A_443, %dma_wait3A_444] : memref<10240x64xf32, #tpu.memory_space<vmem_shared>> -> memref<10240x64xf32, #tpu.memory_space<vmem_shared>>
      tpu.wait_indirect_dma semaphore(%arg16 : memref<!tpu.dma_semaphore, #tpu.memory_space<semaphore_mem>>) src(%arg11 : memref<128x64xf32, #tpu.memory_space<vmem>>) dst(%dma_wait3A_445 : memref<10240x64xf32, #tpu.memory_space<vmem_shared>>)
      "tpu.region"() ({
        %run_scoped3A = tpu.sem_alloc : memref<!tpu.dma_semaphore, #tpu.memory_space<semaphore_mem>>
        %dma_start3A_584 = arith.constant 0 : i32
        %dma_start3A_585 = arith.constant 0 : i32
        %dma_start3A_586 = tpu.memref_slice %arg6[%dma_start3A_584, %dma_start3A_585] : memref<10240x64xf32, #tpu.memory_space<vmem_shared>> -> memref<10240x64xf32, #tpu.memory_space<vmem_shared>>
        tpu.enqueue_indirect_dma source(%arg12 : memref<128x64xf32, #tpu.memory_space<vmem>>) target(%dma_start3A_586 : memref<10240x64xf32, #tpu.memory_space<vmem_shared>>) offsets(%arg10 : memref<128xi32, #tpu.memory_space<vmem>>) semaphore(%run_scoped3A : memref<!tpu.dma_semaphore, #tpu.memory_space<semaphore_mem>>) {add = true}
        %dma_wait3A_587 = arith.constant 0 : i32
        %dma_wait3A_588 = arith.constant 0 : i32
        %dma_wait3A_589 = tpu.memref_slice %arg6[%dma_wait3A_587, %dma_wait3A_588] : memref<10240x64xf32, #tpu.memory_space<vmem_shared>> -> memref<10240x64xf32, #tpu.memory_space<vmem_shared>>
        tpu.wait_indirect_dma semaphore(%run_scoped3A : memref<!tpu.dma_semaphore, #tpu.memory_space<semaphore_mem>>) src(%arg12 : memref<128x64xf32, #tpu.memory_space<vmem>>) dst(%dma_wait3A_589 : memref<10240x64xf32, #tpu.memory_space<vmem_shared>>)
        tpu.yield
      }) : () -> ()
      %get3A_446 = arith.constant 768 : index
      %get3A_447 = tpu.vector_load %arg8[%get3A_446] {strides = array<i32>} : memref<1024xi32, #tpu.memory_space<vmem>>, vector<16xi32>,
      %get3A_448 = vector.shape_cast %get3A_447 : vector<16xi32> to vector<16xi32>
      %swap3A_449 = arith.constant 0 : index
      %swap3A_450 = tpu.vector_load %arg9[%swap3A_449] {strides = array<i32>} : memref<128xi32, #tpu.memory_space<vmem>>, vector<16xi32>,
      %swap3A_451 = vector.shape_cast %swap3A_450 : vector<16xi32> to vector<16xi32>
      %swap3A_452 = vector.shape_cast %get3A_448 : vector<16xi32> to vector<16xi32>
      tpu.vector_store %arg9[%swap3A_449], %swap3A_452 {strides = array<i32>} : memref<128xi32, #tpu.memory_space<vmem>>, vector<16xi32>,
      %get3A_453 = arith.constant 784 : index
      %get3A_454 = tpu.vector_load %arg8[%get3A_453] {strides = array<i32>} : memref<1024xi32, #tpu.memory_space<vmem>>, vector<16xi32>,
      %get3A_455 = vector.shape_cast %get3A_454 : vector<16xi32> to vector<16xi32>
      %swap3A_456 = arith.constant 16 : index
      %swap3A_457 = tpu.vector_load %arg9[%swap3A_456] {strides = array<i32>} : memref<128xi32, #tpu.memory_space<vmem>>, vector<16xi32>,
      %swap3A_458 = vector.shape_cast %swap3A_457 : vector<16xi32> to vector<16xi32>
      %swap3A_459 = vector.shape_cast %get3A_455 : vector<16xi32> to vector<16xi32>
      tpu.vector_store %arg9[%swap3A_456], %swap3A_459 {strides = array<i32>} : memref<128xi32, #tpu.memory_space<vmem>>, vector<16xi32>,
      %get3A_460 = arith.constant 800 : index
      %get3A_461 = tpu.vector_load %arg8[%get3A_460] {strides = array<i32>} : memref<1024xi32, #tpu.memory_space<vmem>>, vector<16xi32>,
      %get3A_462 = vector.shape_cast %get3A_461 : vector<16xi32> to vector<16xi32>
      %swap3A_463 = arith.constant 32 : index
      %swap3A_464 = tpu.vector_load %arg9[%swap3A_463] {strides = array<i32>} : memref<128xi32, #tpu.memory_space<vmem>>, vector<16xi32>,
      %swap3A_465 = vector.shape_cast %swap3A_464 : vector<16xi32> to vector<16xi32>
      %swap3A_466 = vector.shape_cast %get3A_462 : vector<16xi32> to vector<16xi32>
      tpu.vector_store %arg9[%swap3A_463], %swap3A_466 {strides = array<i32>} : memref<128xi32, #tpu.memory_space<vmem>>, vector<16xi32>,
      %get3A_467 = arith.constant 816 : index
      %get3A_468 = tpu.vector_load %arg8[%get3A_467] {strides = array<i32>} : memref<1024xi32, #tpu.memory_space<vmem>>, vector<16xi32>,
      %get3A_469 = vector.shape_cast %get3A_468 : vector<16xi32> to vector<16xi32>
      %swap3A_470 = arith.constant 48 : index
      %swap3A_471 = tpu.vector_load %arg9[%swap3A_470] {strides = array<i32>} : memref<128xi32, #tpu.memory_space<vmem>>, vector<16xi32>,
      %swap3A_472 = vector.shape_cast %swap3A_471 : vector<16xi32> to vector<16xi32>
      %swap3A_473 = vector.shape_cast %get3A_469 : vector<16xi32> to vector<16xi32>
      tpu.vector_store %arg9[%swap3A_470], %swap3A_473 {strides = array<i32>} : memref<128xi32, #tpu.memory_space<vmem>>, vector<16xi32>,
      %get3A_474 = arith.constant 832 : index
      %get3A_475 = tpu.vector_load %arg8[%get3A_474] {strides = array<i32>} : memref<1024xi32, #tpu.memory_space<vmem>>, vector<16xi32>,
      %get3A_476 = vector.shape_cast %get3A_475 : vector<16xi32> to vector<16xi32>
      %swap3A_477 = arith.constant 64 : index
      %swap3A_478 = tpu.vector_load %arg9[%swap3A_477] {strides = array<i32>} : memref<128xi32, #tpu.memory_space<vmem>>, vector<16xi32>,
      %swap3A_479 = vector.shape_cast %swap3A_478 : vector<16xi32> to vector<16xi32>
      %swap3A_480 = vector.shape_cast %get3A_476 : vector<16xi32> to vector<16xi32>
      tpu.vector_store %arg9[%swap3A_477], %swap3A_480 {strides = array<i32>} : memref<128xi32, #tpu.memory_space<vmem>>, vector<16xi32>,
      %get3A_481 = arith.constant 848 : index
      %get3A_482 = tpu.vector_load %arg8[%get3A_481] {strides = array<i32>} : memref<1024xi32, #tpu.memory_space<vmem>>, vector<16xi32>,
      %get3A_483 = vector.shape_cast %get3A_482 : vector<16xi32> to vector<16xi32>
      %swap3A_484 = arith.constant 80 : index
      %swap3A_485 = tpu.vector_load %arg9[%swap3A_484] {strides = array<i32>} : memref<128xi32, #tpu.memory_space<vmem>>, vector<16xi32>,
      %swap3A_486 = vector.shape_cast %swap3A_485 : vector<16xi32> to vector<16xi32>
      %swap3A_487 = vector.shape_cast %get3A_483 : vector<16xi32> to vector<16xi32>
      tpu.vector_store %arg9[%swap3A_484], %swap3A_487 {strides = array<i32>} : memref<128xi32, #tpu.memory_space<vmem>>, vector<16xi32>,
      %get3A_488 = arith.constant 864 : index
      %get3A_489 = tpu.vector_load %arg8[%get3A_488] {strides = array<i32>} : memref<1024xi32, #tpu.memory_space<vmem>>, vector<16xi32>,
      %get3A_490 = vector.shape_cast %get3A_489 : vector<16xi32> to vector<16xi32>
      %swap3A_491 = arith.constant 96 : index
      %swap3A_492 = tpu.vector_load %arg9[%swap3A_491] {strides = array<i32>} : memref<128xi32, #tpu.memory_space<vmem>>, vector<16xi32>,
      %swap3A_493 = vector.shape_cast %swap3A_492 : vector<16xi32> to vector<16xi32>
      %swap3A_494 = vector.shape_cast %get3A_490 : vector<16xi32> to vector<16xi32>
      tpu.vector_store %arg9[%swap3A_491], %swap3A_494 {strides = array<i32>} : memref<128xi32, #tpu.memory_space<vmem>>, vector<16xi32>,
      %get3A_495 = arith.constant 880 : index
      %get3A_496 = tpu.vector_load %arg8[%get3A_495] {strides = array<i32>} : memref<1024xi32, #tpu.memory_space<vmem>>, vector<16xi32>,
      %get3A_497 = vector.shape_cast %get3A_496 : vector<16xi32> to vector<16xi32>
      %swap3A_498 = arith.constant 112 : index
      %swap3A_499 = tpu.vector_load %arg9[%swap3A_498] {strides = array<i32>} : memref<128xi32, #tpu.memory_space<vmem>>, vector<16xi32>,
      %swap3A_500 = vector.shape_cast %swap3A_499 : vector<16xi32> to vector<16xi32>
      %swap3A_501 = vector.shape_cast %get3A_497 : vector<16xi32> to vector<16xi32>
      tpu.vector_store %arg9[%swap3A_498], %swap3A_501 {strides = array<i32>} : memref<128xi32, #tpu.memory_space<vmem>>, vector<16xi32>,
      %dma_start3A_502 = arith.constant 768 : i32
      %dma_start3A_503 = tpu.memref_slice %arg7[%dma_start3A_502] : memref<1024xi32, #tpu.memory_space<vmem>> -> memref<128xi32, #tpu.memory_space<vmem>>
      %dma_start3A_504 = arith.constant 0 : i32
      %dma_start3A_505 = arith.constant 0 : i32
      %dma_start3A_506 = tpu.memref_slice %arg2[%dma_start3A_504, %dma_start3A_505] : memref<20480x64xf32, #tpu.memory_space<hbm>> -> memref<20480x64xf32, #tpu.memory_space<hbm>>
      tpu.enqueue_indirect_dma source(%dma_start3A_506 : memref<20480x64xf32, #tpu.memory_space<hbm>>) target(%arg11 : memref<128x64xf32, #tpu.memory_space<vmem>>) offsets(%dma_start3A_503 : memref<128xi32, #tpu.memory_space<vmem>>) semaphore(%arg14 : memref<!tpu.dma_semaphore, #tpu.memory_space<semaphore_mem>>)
      %get3A_507 = arith.constant 896 : index
      %get3A_508 = tpu.vector_load %arg8[%get3A_507] {strides = array<i32>} : memref<1024xi32, #tpu.memory_space<vmem>>, vector<16xi32>,
      %get3A_509 = vector.shape_cast %get3A_508 : vector<16xi32> to vector<16xi32>
      %swap3A_510 = arith.constant 0 : index
      %swap3A_511 = tpu.vector_load %arg10[%swap3A_510] {strides = array<i32>} : memref<128xi32, #tpu.memory_space<vmem>>, vector<16xi32>,
      %swap3A_512 = vector.shape_cast %swap3A_511 : vector<16xi32> to vector<16xi32>
      %swap3A_513 = vector.shape_cast %get3A_509 : vector<16xi32> to vector<16xi32>
      tpu.vector_store %arg10[%swap3A_510], %swap3A_513 {strides = array<i32>} : memref<128xi32, #tpu.memory_space<vmem>>, vector<16xi32>,
      %get3A_514 = arith.constant 912 : index
      %get3A_515 = tpu.vector_load %arg8[%get3A_514] {strides = array<i32>} : memref<1024xi32, #tpu.memory_space<vmem>>, vector<16xi32>,
      %get3A_516 = vector.shape_cast %get3A_515 : vector<16xi32> to vector<16xi32>
      %swap3A_517 = arith.constant 16 : index
      %swap3A_518 = tpu.vector_load %arg10[%swap3A_517] {strides = array<i32>} : memref<128xi32, #tpu.memory_space<vmem>>, vector<16xi32>,
      %swap3A_519 = vector.shape_cast %swap3A_518 : vector<16xi32> to vector<16xi32>
      %swap3A_520 = vector.shape_cast %get3A_516 : vector<16xi32> to vector<16xi32>
      tpu.vector_store %arg10[%swap3A_517], %swap3A_520 {strides = array<i32>} : memref<128xi32, #tpu.memory_space<vmem>>, vector<16xi32>,
      %get3A_521 = arith.constant 928 : index
      %get3A_522 = tpu.vector_load %arg8[%get3A_521] {strides = array<i32>} : memref<1024xi32, #tpu.memory_space<vmem>>, vector<16xi32>,
      %get3A_523 = vector.shape_cast %get3A_522 : vector<16xi32> to vector<16xi32>
      %swap3A_524 = arith.constant 32 : index
      %swap3A_525 = tpu.vector_load %arg10[%swap3A_524] {strides = array<i32>} : memref<128xi32, #tpu.memory_space<vmem>>, vector<16xi32>,
      %swap3A_526 = vector.shape_cast %swap3A_525 : vector<16xi32> to vector<16xi32>
      %swap3A_527 = vector.shape_cast %get3A_523 : vector<16xi32> to vector<16xi32>
      tpu.vector_store %arg10[%swap3A_524], %swap3A_527 {strides = array<i32>} : memref<128xi32, #tpu.memory_space<vmem>>, vector<16xi32>,
      %get3A_528 = arith.constant 944 : index
      %get3A_529 = tpu.vector_load %arg8[%get3A_528] {strides = array<i32>} : memref<1024xi32, #tpu.memory_space<vmem>>, vector<16xi32>,
      %get3A_530 = vector.shape_cast %get3A_529 : vector<16xi32> to vector<16xi32>
      %swap3A_531 = arith.constant 48 : index
      %swap3A_532 = tpu.vector_load %arg10[%swap3A_531] {strides = array<i32>} : memref<128xi32, #tpu.memory_space<vmem>>, vector<16xi32>,
      %swap3A_533 = vector.shape_cast %swap3A_532 : vector<16xi32> to vector<16xi32>
      %swap3A_534 = vector.shape_cast %get3A_530 : vector<16xi32> to vector<16xi32>
      tpu.vector_store %arg10[%swap3A_531], %swap3A_534 {strides = array<i32>} : memref<128xi32, #tpu.memory_space<vmem>>, vector<16xi32>,
      %get3A_535 = arith.constant 960 : index
      %get3A_536 = tpu.vector_load %arg8[%get3A_535] {strides = array<i32>} : memref<1024xi32, #tpu.memory_space<vmem>>, vector<16xi32>,
      %get3A_537 = vector.shape_cast %get3A_536 : vector<16xi32> to vector<16xi32>
      %swap3A_538 = arith.constant 64 : index
      %swap3A_539 = tpu.vector_load %arg10[%swap3A_538] {strides = array<i32>} : memref<128xi32, #tpu.memory_space<vmem>>, vector<16xi32>,
      %swap3A_540 = vector.shape_cast %swap3A_539 : vector<16xi32> to vector<16xi32>
      %swap3A_541 = vector.shape_cast %get3A_537 : vector<16xi32> to vector<16xi32>
      tpu.vector_store %arg10[%swap3A_538], %swap3A_541 {strides = array<i32>} : memref<128xi32, #tpu.memory_space<vmem>>, vector<16xi32>,
      %get3A_542 = arith.constant 976 : index
      %get3A_543 = tpu.vector_load %arg8[%get3A_542] {strides = array<i32>} : memref<1024xi32, #tpu.memory_space<vmem>>, vector<16xi32>,
      %get3A_544 = vector.shape_cast %get3A_543 : vector<16xi32> to vector<16xi32>
      %swap3A_545 = arith.constant 80 : index
      %swap3A_546 = tpu.vector_load %arg10[%swap3A_545] {strides = array<i32>} : memref<128xi32, #tpu.memory_space<vmem>>, vector<16xi32>,
      %swap3A_547 = vector.shape_cast %swap3A_546 : vector<16xi32> to vector<16xi32>
      %swap3A_548 = vector.shape_cast %get3A_544 : vector<16xi32> to vector<16xi32>
      tpu.vector_store %arg10[%swap3A_545], %swap3A_548 {strides = array<i32>} : memref<128xi32, #tpu.memory_space<vmem>>, vector<16xi32>,
      %get3A_549 = arith.constant 992 : index
      %get3A_550 = tpu.vector_load %arg8[%get3A_549] {strides = array<i32>} : memref<1024xi32, #tpu.memory_space<vmem>>, vector<16xi32>,
      %get3A_551 = vector.shape_cast %get3A_550 : vector<16xi32> to vector<16xi32>
      %swap3A_552 = arith.constant 96 : index
      %swap3A_553 = tpu.vector_load %arg10[%swap3A_552] {strides = array<i32>} : memref<128xi32, #tpu.memory_space<vmem>>, vector<16xi32>,
      %swap3A_554 = vector.shape_cast %swap3A_553 : vector<16xi32> to vector<16xi32>
      %swap3A_555 = vector.shape_cast %get3A_551 : vector<16xi32> to vector<16xi32>
      tpu.vector_store %arg10[%swap3A_552], %swap3A_555 {strides = array<i32>} : memref<128xi32, #tpu.memory_space<vmem>>, vector<16xi32>,
      %get3A_556 = arith.constant 1008 : index
      %get3A_557 = tpu.vector_load %arg8[%get3A_556] {strides = array<i32>} : memref<1024xi32, #tpu.memory_space<vmem>>, vector<16xi32>,
      %get3A_558 = vector.shape_cast %get3A_557 : vector<16xi32> to vector<16xi32>
      %swap3A_559 = arith.constant 112 : index
      %swap3A_560 = tpu.vector_load %arg10[%swap3A_559] {strides = array<i32>} : memref<128xi32, #tpu.memory_space<vmem>>, vector<16xi32>,
      %swap3A_561 = vector.shape_cast %swap3A_560 : vector<16xi32> to vector<16xi32>
      %swap3A_562 = vector.shape_cast %get3A_558 : vector<16xi32> to vector<16xi32>
      tpu.vector_store %arg10[%swap3A_559], %swap3A_562 {strides = array<i32>} : memref<128xi32, #tpu.memory_space<vmem>>, vector<16xi32>,
      %dma_start3A_563 = arith.constant 896 : i32
      %dma_start3A_564 = tpu.memref_slice %arg7[%dma_start3A_563] : memref<1024xi32, #tpu.memory_space<vmem>> -> memref<128xi32, #tpu.memory_space<vmem>>
      %dma_start3A_565 = arith.constant 0 : i32
      %dma_start3A_566 = arith.constant 0 : i32
      %dma_start3A_567 = tpu.memref_slice %arg2[%dma_start3A_565, %dma_start3A_566] : memref<20480x64xf32, #tpu.memory_space<hbm>> -> memref<20480x64xf32, #tpu.memory_space<hbm>>
      tpu.enqueue_indirect_dma source(%dma_start3A_567 : memref<20480x64xf32, #tpu.memory_space<hbm>>) target(%arg12 : memref<128x64xf32, #tpu.memory_space<vmem>>) offsets(%dma_start3A_564 : memref<128xi32, #tpu.memory_space<vmem>>) semaphore(%arg15 : memref<!tpu.dma_semaphore, #tpu.memory_space<semaphore_mem>>)
      %dma_wait3A_568 = arith.constant 768 : i32
      %dma_wait3A_569 = tpu.memref_slice %arg7[%dma_wait3A_568] : memref<1024xi32, #tpu.memory_space<vmem>> -> memref<128xi32, #tpu.memory_space<vmem>>
      %dma_wait3A_570 = arith.constant 0 : i32
      %dma_wait3A_571 = arith.constant 0 : i32
      %dma_wait3A_572 = tpu.memref_slice %arg2[%dma_wait3A_570, %dma_wait3A_571] : memref<20480x64xf32, #tpu.memory_space<hbm>> -> memref<20480x64xf32, #tpu.memory_space<hbm>>
      tpu.wait_indirect_dma semaphore(%arg14 : memref<!tpu.dma_semaphore, #tpu.memory_space<semaphore_mem>>) src(%dma_wait3A_572 : memref<20480x64xf32, #tpu.memory_space<hbm>>) dst(%arg11 : memref<128x64xf32, #tpu.memory_space<vmem>>)
      %dma_start3A_573 = arith.constant 0 : i32
      %dma_start3A_574 = arith.constant 0 : i32
      %dma_start3A_575 = tpu.memref_slice %arg6[%dma_start3A_573, %dma_start3A_574] : memref<10240x64xf32, #tpu.memory_space<vmem_shared>> -> memref<10240x64xf32, #tpu.memory_space<vmem_shared>>
      tpu.enqueue_indirect_dma source(%arg11 : memref<128x64xf32, #tpu.memory_space<vmem>>) target(%dma_start3A_575 : memref<10240x64xf32, #tpu.memory_space<vmem_shared>>) offsets(%arg9 : memref<128xi32, #tpu.memory_space<vmem>>) semaphore(%arg16 : memref<!tpu.dma_semaphore, #tpu.memory_space<semaphore_mem>>) {add = true}
      %dma_wait3A_576 = arith.constant 896 : i32
      %dma_wait3A_577 = tpu.memref_slice %arg7[%dma_wait3A_576] : memref<1024xi32, #tpu.memory_space<vmem>> -> memref<128xi32, #tpu.memory_space<vmem>>
      %dma_wait3A_578 = arith.constant 0 : i32
      %dma_wait3A_579 = arith.constant 0 : i32
      %dma_wait3A_580 = tpu.memref_slice %arg2[%dma_wait3A_578, %dma_wait3A_579] : memref<20480x64xf32, #tpu.memory_space<hbm>> -> memref<20480x64xf32, #tpu.memory_space<hbm>>
      tpu.wait_indirect_dma semaphore(%arg15 : memref<!tpu.dma_semaphore, #tpu.memory_space<semaphore_mem>>) src(%dma_wait3A_580 : memref<20480x64xf32, #tpu.memory_space<hbm>>) dst(%arg12 : memref<128x64xf32, #tpu.memory_space<vmem>>)
      %dma_wait3A_581 = arith.constant 0 : i32
      %dma_wait3A_582 = arith.constant 0 : i32
      %dma_wait3A_583 = tpu.memref_slice %arg6[%dma_wait3A_581, %dma_wait3A_582] : memref<10240x64xf32, #tpu.memory_space<vmem_shared>> -> memref<10240x64xf32, #tpu.memory_space<vmem_shared>>
      tpu.wait_indirect_dma semaphore(%arg16 : memref<!tpu.dma_semaphore, #tpu.memory_space<semaphore_mem>>) src(%arg11 : memref<128x64xf32, #tpu.memory_space<vmem>>) dst(%dma_wait3A_583 : memref<10240x64xf32, #tpu.memory_space<vmem_shared>>)
      "tpu.region"() ({
        %run_scoped3A = tpu.sem_alloc : memref<!tpu.dma_semaphore, #tpu.memory_space<semaphore_mem>>
        %dma_start3A_584 = arith.constant 0 : i32
        %dma_start3A_585 = arith.constant 0 : i32
        %dma_start3A_586 = tpu.memref_slice %arg6[%dma_start3A_584, %dma_start3A_585] : memref<10240x64xf32, #tpu.memory_space<vmem_shared>> -> memref<10240x64xf32, #tpu.memory_space<vmem_shared>>
        tpu.enqueue_indirect_dma source(%arg12 : memref<128x64xf32, #tpu.memory_space<vmem>>) target(%dma_start3A_586 : memref<10240x64xf32, #tpu.memory_space<vmem_shared>>) offsets(%arg10 : memref<128xi32, #tpu.memory_space<vmem>>) semaphore(%run_scoped3A : memref<!tpu.dma_semaphore, #tpu.memory_space<semaphore_mem>>) {add = true}
        %dma_wait3A_587 = arith.constant 0 : i32
        %dma_wait3A_588 = arith.constant 0 : i32
        %dma_wait3A_589 = tpu.memref_slice %arg6[%dma_wait3A_587, %dma_wait3A_588] : memref<10240x64xf32, #tpu.memory_space<vmem_shared>> -> memref<10240x64xf32, #tpu.memory_space<vmem_shared>>
        tpu.wait_indirect_dma semaphore(%run_scoped3A : memref<!tpu.dma_semaphore, #tpu.memory_space<semaphore_mem>>) src(%arg12 : memref<128x64xf32, #tpu.memory_space<vmem>>) dst(%dma_wait3A_589 : memref<10240x64xf32, #tpu.memory_space<vmem_shared>>)
        tpu.yield
      }) : () -> ()
    }
    %scan3A_18 = arith.constant 20 : i32
    %barrier3A_19 = arith.constant 0 : index
    tpu.barrier barrier_id(%barrier3A_19)
    %scan3A_20 = arith.constant 0 : i32
    %scan3A_21 = arith.constant 5 : i32
    %scan3A_22 = arith.addi %scan3A_20, %scan3A_21 : i32
    %scan3A_23 = arith.constant 1 : i32
    scf.for %scan3A_25 = %scan3A_20 to %scan3A_22 step %scan3A_23  : i32 {
      %mul3A_26 = arith.constant 1 : i32
      %mul3A_27 = arith.muli %scan3A_25, %mul3A_26 : i32
      %add3A_28 = arith.constant 0 : i32
      %add3A_29 = arith.addi %add3A_28, %mul3A_27 : i32
      %mul3A_30 = arith.constant 640 : i32
      %mul3A_31 = arith.muli %arg1, %mul3A_30 : i32
      %mul3A_32 = arith.constant 128 : i32
      %mul3A_33 = arith.muli %add3A_29, %mul3A_32 : i32
      %add3A_34 = arith.addi %mul3A_31, %mul3A_33 : i32
      %mul3A_35 = arith.constant 10240 : i32
      %mul3A_36 = arith.muli %arg0, %mul3A_35 : i32
      %mul3A_37 = arith.constant 640 : i32
      %mul3A_38 = arith.muli %arg1, %mul3A_37 : i32
      %add3A_39 = arith.addi %mul3A_36, %mul3A_38 : i32
      %mul3A_40 = arith.constant 128 : i32
      %mul3A_41 = arith.muli %add3A_29, %mul3A_40 : i32
      %add3A_42 = arith.addi %add3A_39, %mul3A_41 : i32
      "tpu.region"() ({
        %run_scoped3A = tpu.sem_alloc : memref<!tpu.dma_semaphore, #tpu.memory_space<semaphore_mem>>
        %dma_start3A = arith.constant 0 : i32
        %dma_start3A_43 = tpu.memref_slice %arg6[%add3A_34, %dma_start3A] : memref<10240x64xf32, #tpu.memory_space<vmem_shared>> -> memref<128x64xf32, #tpu.memory_space<vmem_shared>>
        %dma_start3A_44 = arith.constant 0 : i32
        %dma_start3A_45 = tpu.memref_slice %arg6[%add3A_34, %dma_start3A_44] : memref<10240x64xf32, #tpu.memory_space<vmem_shared>> -> memref<128x64xf32, #tpu.memory_space<vmem_shared>>
        tpu.enqueue_dma source(%dma_start3A_45 : memref<128x64xf32, #tpu.memory_space<vmem_shared>>) target(%arg13 : memref<128x64xf32, #tpu.memory_space<vmem>>) target_semaphore(%run_scoped3A : memref<!tpu.dma_semaphore, #tpu.memory_space<semaphore_mem>>)
        %dma_wait3A = arith.constant 0 : i32
        %dma_wait3A_46 = tpu.memref_slice %arg6[%add3A_34, %dma_wait3A] : memref<10240x64xf32, #tpu.memory_space<vmem_shared>> -> memref<128x64xf32, #tpu.memory_space<vmem_shared>>
        %dma_wait3A_47 = arith.constant 0 : i32
        %dma_wait3A_48 = tpu.memref_slice %arg6[%add3A_34, %dma_wait3A_47] : memref<10240x64xf32, #tpu.memory_space<vmem_shared>> -> memref<128x64xf32, #tpu.memory_space<vmem_shared>>
        tpu.wait_dma2 semaphore(%run_scoped3A : memref<!tpu.dma_semaphore, #tpu.memory_space<semaphore_mem>>) src(%dma_wait3A_48 : memref<128x64xf32, #tpu.memory_space<vmem_shared>>) dst(%arg13 : memref<128x64xf32, #tpu.memory_space<vmem>>)
        tpu.yield
      }) : () -> ()
      "tpu.region"() ({
        %run_scoped3A = tpu.sem_alloc : memref<!tpu.dma_semaphore, #tpu.memory_space<semaphore_mem>>
        %dma_start3A = arith.constant 0 : i32
        %dma_start3A_43 = tpu.memref_slice %arg5[%add3A_42, %dma_start3A] : memref<20480x64xf32, #tpu.memory_space<hbm>> -> memref<128x64xf32, #tpu.memory_space<hbm>>
        %dma_start3A_44 = arith.constant 0 : i32
        %dma_start3A_45 = tpu.memref_slice %arg5[%add3A_42, %dma_start3A_44] : memref<20480x64xf32, #tpu.memory_space<hbm>> -> memref<128x64xf32, #tpu.memory_space<hbm>>
        tpu.enqueue_dma source(%arg13 : memref<128x64xf32, #tpu.memory_space<vmem>>) target(%dma_start3A_45 : memref<128x64xf32, #tpu.memory_space<hbm>>) target_semaphore(%run_scoped3A : memref<!tpu.dma_semaphore, #tpu.memory_space<semaphore_mem>>)
        %dma_wait3A = arith.constant 0 : i32
        %dma_wait3A_46 = tpu.memref_slice %arg5[%add3A_42, %dma_wait3A] : memref<20480x64xf32, #tpu.memory_space<hbm>> -> memref<128x64xf32, #tpu.memory_space<hbm>>
        %dma_wait3A_47 = arith.constant 0 : i32
        %dma_wait3A_48 = tpu.memref_slice %arg5[%add3A_42, %dma_wait3A_47] : memref<20480x64xf32, #tpu.memory_space<hbm>> -> memref<128x64xf32, #tpu.memory_space<hbm>>
        tpu.wait_dma2 semaphore(%run_scoped3A : memref<!tpu.dma_semaphore, #tpu.memory_space<semaphore_mem>>) src(%arg13 : memref<128x64xf32, #tpu.memory_space<vmem>>) dst(%dma_wait3A_48 : memref<128x64xf32, #tpu.memory_space<hbm>>)
        tpu.yield
      }) : () -> ()
    }
    %scan3A_24 = arith.constant 5 : i32
    return
  }
}

#map = affine_map<(d0, d1) -> (0, 0)>
#map1 = affine_map<(d0, d1) -> (0)>
module attributes {stable_mosaic.version = 14 : i64} {
  func.func @k(%arg0: i32, %arg1: i32, %arg2: memref<20480x64xf32, #tpu.memory_space<hbm>>, %arg3: memref<655360xi32, #tpu.memory_space<hbm>>, %arg4: memref<327680xi32, #tpu.memory_space<hbm>>, %arg5: memref<20480x64xf32, #tpu.memory_space<hbm>>, %arg6: memref<10240x16xf32, #tpu.memory_space<hbm>>, %arg7: memref<10240x64xf32, #tpu.memory_space<vmem_shared>>, %arg8: memref<1024xi32, #tpu.memory_space<vmem>>, %arg9: memref<1024xi32, #tpu.memory_space<vmem>>, %arg10: memref<128xi32, #tpu.memory_space<vmem>>, %arg11: memref<128xi32, #tpu.memory_space<vmem>>, %arg12: memref<128x64xf32, #tpu.memory_space<vmem>>, %arg13: memref<128x64xf32, #tpu.memory_space<vmem>>, %arg14: memref<128x64xf32, #tpu.memory_space<vmem>>, %arg15: memref<!tpu.dma_semaphore, #tpu.memory_space<semaphore_mem>>, %arg16: memref<!tpu.dma_semaphore, #tpu.memory_space<semaphore_mem>>, %arg17: memref<!tpu.dma_semaphore, #tpu.memory_space<semaphore_mem>>, %arg18: memref<10240x16xf32, #tpu.memory_space<vmem_shared>>, %arg19: memref<128x16xf32, #tpu.memory_space<vmem>>, %arg20: memref<128x16xf32, #tpu.memory_space<vmem>>) attributes {dimension_semantics = [#tpu.dimension_semantics<core_parallel>, #tpu.dimension_semantics<subcore_parallel>], iteration_bounds = array<i64: 2, 16>, scalar_prefetch = 0 : i64, scratch_operands = 14 : i64, tpu.core_type = #tpu.core_type<sc_vector_subcore>, window_params = [{transform_indices = #map}, {transform_indices = #map1}, {transform_indices = #map1}, {transform_indices = #map}, {transform_indices = #map}]} {
    %scan3A = arith.constant 0 : i32
    %scan3A_0 = arith.constant 128 : i32
    %scan3A_1 = arith.addi %scan3A, %scan3A_0 : i32
    %scan3A_2 = arith.constant 1 : i32
    scf.for %scan3A_40 = %scan3A to %scan3A_1 step %scan3A_2  : i32 {
      %mul3A_41 = arith.constant 1 : i32
      %mul3A_42 = arith.muli %scan3A_40, %mul3A_41 : i32
      %add3A_43 = arith.constant 0 : i32
      %add3A_44 = arith.addi %add3A_43, %mul3A_42 : i32
      %scan3A_45 = arith.constant 0 : i32
      %scan3A_46 = arith.constant 4 : i32
      %scan3A_47 = arith.addi %scan3A_45, %scan3A_46 : i32
      %scan3A_48 = arith.constant 1 : i32
      scf.for %scan3A_50 = %scan3A_45 to %scan3A_47 step %scan3A_48  : i32 {
        %mul3A_51 = arith.constant 16 : i32
        %mul3A_52 = arith.muli %scan3A_50, %mul3A_51 : i32
        %add3A_53 = arith.constant 0 : i32
        %add3A_54 = arith.addi %add3A_53, %mul3A_52 : i32
        %broadcast_in_dim3A = arith.constant 0.000000e+00 : f32
        %broadcast_in_dim3A_55 = vector.broadcast %broadcast_in_dim3A : f32 to vector<16xf32>
        %swap3A = arith.index_cast %add3A_44 : i32 to index
        %swap3A_56 = arith.index_cast %add3A_54 : i32 to index
        %swap3A_57 = tpu.vector_load %arg14[%swap3A, %swap3A_56] {strides = array<i32>} : memref<128x64xf32, #tpu.memory_space<vmem>>, vector<1x16xf32>,
        %swap3A_58 = vector.shape_cast %swap3A_57 : vector<1x16xf32> to vector<16xf32>
        %swap3A_59 = vector.shape_cast %broadcast_in_dim3A_55 : vector<16xf32> to vector<1x16xf32>
        tpu.vector_store %arg14[%swap3A, %swap3A_56], %swap3A_59 {strides = array<i32>} : memref<128x64xf32, #tpu.memory_space<vmem>>, vector<1x16xf32>,
      }
      %scan3A_49 = arith.constant 4 : i32
    }
    %scan3A_3 = arith.constant 128 : i32
    %scan3A_4 = arith.constant 0 : i32
    %scan3A_5 = arith.constant 5 : i32
    %scan3A_6 = arith.addi %scan3A_4, %scan3A_5 : i32
    %scan3A_7 = arith.constant 1 : i32
    scf.for %scan3A_40 = %scan3A_4 to %scan3A_6 step %scan3A_7  : i32 {
      %mul3A_41 = arith.constant 1 : i32
      %mul3A_42 = arith.muli %scan3A_40, %mul3A_41 : i32
      %add3A_43 = arith.constant 0 : i32
      %add3A_44 = arith.addi %add3A_43, %mul3A_42 : i32
      %mul3A_45 = arith.constant 640 : i32
      %mul3A_46 = arith.muli %arg1, %mul3A_45 : i32
      %mul3A_47 = arith.constant 128 : i32
      %mul3A_48 = arith.muli %add3A_44, %mul3A_47 : i32
      %add3A_49 = arith.addi %mul3A_46, %mul3A_48 : i32
      "tpu.region"() ({
        %run_scoped3A = tpu.sem_alloc : memref<!tpu.dma_semaphore, #tpu.memory_space<semaphore_mem>>
        %dma_start3A = arith.constant 0 : i32
        %dma_start3A_50 = tpu.memref_slice %arg7[%add3A_49, %dma_start3A] : memref<10240x64xf32, #tpu.memory_space<vmem_shared>> -> memref<128x64xf32, #tpu.memory_space<vmem_shared>>
        %dma_start3A_51 = arith.constant 0 : i32
        %dma_start3A_52 = tpu.memref_slice %arg7[%add3A_49, %dma_start3A_51] : memref<10240x64xf32, #tpu.memory_space<vmem_shared>> -> memref<128x64xf32, #tpu.memory_space<vmem_shared>>
        tpu.enqueue_dma source(%arg14 : memref<128x64xf32, #tpu.memory_space<vmem>>) target(%dma_start3A_52 : memref<128x64xf32, #tpu.memory_space<vmem_shared>>) target_semaphore(%run_scoped3A : memref<!tpu.dma_semaphore, #tpu.memory_space<semaphore_mem>>)
        %dma_wait3A = arith.constant 0 : i32
        %dma_wait3A_53 = tpu.memref_slice %arg7[%add3A_49, %dma_wait3A] : memref<10240x64xf32, #tpu.memory_space<vmem_shared>> -> memref<128x64xf32, #tpu.memory_space<vmem_shared>>
        %dma_wait3A_54 = arith.constant 0 : i32
        %dma_wait3A_55 = tpu.memref_slice %arg7[%add3A_49, %dma_wait3A_54] : memref<10240x64xf32, #tpu.memory_space<vmem_shared>> -> memref<128x64xf32, #tpu.memory_space<vmem_shared>>
        tpu.wait_dma2 semaphore(%run_scoped3A : memref<!tpu.dma_semaphore, #tpu.memory_space<semaphore_mem>>) src(%arg14 : memref<128x64xf32, #tpu.memory_space<vmem>>) dst(%dma_wait3A_55 : memref<128x64xf32, #tpu.memory_space<vmem_shared>>)
        tpu.yield
      }) : () -> ()
    }
    %scan3A_8 = arith.constant 5 : i32
    %scan3A_9 = arith.constant 0 : i32
    %scan3A_10 = arith.constant 128 : i32
    %scan3A_11 = arith.addi %scan3A_9, %scan3A_10 : i32
    %scan3A_12 = arith.constant 1 : i32
    scf.for %scan3A_40 = %scan3A_9 to %scan3A_11 step %scan3A_12  : i32 {
      %mul3A_41 = arith.constant 1 : i32
      %mul3A_42 = arith.muli %scan3A_40, %mul3A_41 : i32
      %add3A_43 = arith.constant 0 : i32
      %add3A_44 = arith.addi %add3A_43, %mul3A_42 : i32
      %broadcast_in_dim3A = arith.constant 0.000000e+00 : f32
      %broadcast_in_dim3A_45 = vector.broadcast %broadcast_in_dim3A : f32 to vector<16xf32>
      %swap3A = arith.index_cast %add3A_44 : i32 to index
      %swap3A_46 = arith.constant 0 : index
      %swap3A_47 = tpu.vector_load %arg20[%swap3A, %swap3A_46] {strides = array<i32>} : memref<128x16xf32, #tpu.memory_space<vmem>>, vector<1x16xf32>,
      %swap3A_48 = vector.shape_cast %swap3A_47 : vector<1x16xf32> to vector<16xf32>
      %swap3A_49 = vector.shape_cast %broadcast_in_dim3A_45 : vector<16xf32> to vector<1x16xf32>
      tpu.vector_store %arg20[%swap3A, %swap3A_46], %swap3A_49 {strides = array<i32>} : memref<128x16xf32, #tpu.memory_space<vmem>>, vector<1x16xf32>,
    }
    %scan3A_13 = arith.constant 128 : i32
    %scan3A_14 = arith.constant 0 : i32
    %scan3A_15 = arith.constant 5 : i32
    %scan3A_16 = arith.addi %scan3A_14, %scan3A_15 : i32
    %scan3A_17 = arith.constant 1 : i32
    scf.for %scan3A_40 = %scan3A_14 to %scan3A_16 step %scan3A_17  : i32 {
      %mul3A_41 = arith.constant 1 : i32
      %mul3A_42 = arith.muli %scan3A_40, %mul3A_41 : i32
      %add3A_43 = arith.constant 0 : i32
      %add3A_44 = arith.addi %add3A_43, %mul3A_42 : i32
      %mul3A_45 = arith.constant 640 : i32
      %mul3A_46 = arith.muli %arg1, %mul3A_45 : i32
      %mul3A_47 = arith.constant 128 : i32
      %mul3A_48 = arith.muli %add3A_44, %mul3A_47 : i32
      %add3A_49 = arith.addi %mul3A_46, %mul3A_48 : i32
      "tpu.region"() ({
        %run_scoped3A = tpu.sem_alloc : memref<!tpu.dma_semaphore, #tpu.memory_space<semaphore_mem>>
        %dma_start3A = arith.constant 0 : i32
        %dma_start3A_50 = tpu.memref_slice %arg18[%add3A_49, %dma_start3A] : memref<10240x16xf32, #tpu.memory_space<vmem_shared>> -> memref<128x16xf32, #tpu.memory_space<vmem_shared>>
        %dma_start3A_51 = arith.constant 0 : i32
        %dma_start3A_52 = tpu.memref_slice %arg18[%add3A_49, %dma_start3A_51] : memref<10240x16xf32, #tpu.memory_space<vmem_shared>> -> memref<128x16xf32, #tpu.memory_space<vmem_shared>>
        tpu.enqueue_dma source(%arg20 : memref<128x16xf32, #tpu.memory_space<vmem>>) target(%dma_start3A_52 : memref<128x16xf32, #tpu.memory_space<vmem_shared>>) target_semaphore(%run_scoped3A : memref<!tpu.dma_semaphore, #tpu.memory_space<semaphore_mem>>)
        %dma_wait3A = arith.constant 0 : i32
        %dma_wait3A_53 = tpu.memref_slice %arg18[%add3A_49, %dma_wait3A] : memref<10240x16xf32, #tpu.memory_space<vmem_shared>> -> memref<128x16xf32, #tpu.memory_space<vmem_shared>>
        %dma_wait3A_54 = arith.constant 0 : i32
        %dma_wait3A_55 = tpu.memref_slice %arg18[%add3A_49, %dma_wait3A_54] : memref<10240x16xf32, #tpu.memory_space<vmem_shared>> -> memref<128x16xf32, #tpu.memory_space<vmem_shared>>
        tpu.wait_dma2 semaphore(%run_scoped3A : memref<!tpu.dma_semaphore, #tpu.memory_space<semaphore_mem>>) src(%arg20 : memref<128x16xf32, #tpu.memory_space<vmem>>) dst(%dma_wait3A_55 : memref<128x16xf32, #tpu.memory_space<vmem_shared>>)
        tpu.yield
      }) : () -> ()
    }
    %scan3A_18 = arith.constant 5 : i32
    %scan3A_19 = arith.constant 0 : i32
    %scan3A_20 = arith.constant 128 : i32
    %scan3A_21 = arith.addi %scan3A_19, %scan3A_20 : i32
    %scan3A_22 = arith.constant 1 : i32
    scf.for %scan3A_40 = %scan3A_19 to %scan3A_21 step %scan3A_22  : i32 {
      %mul3A_41 = arith.constant 1 : i32
      %mul3A_42 = arith.muli %scan3A_40, %mul3A_41 : i32
      %add3A_43 = arith.constant 0 : i32
      %add3A_44 = arith.addi %add3A_43, %mul3A_42 : i32
      %broadcast_in_dim3A = arith.constant 1.000000e+00 : f32
      %broadcast_in_dim3A_45 = vector.broadcast %broadcast_in_dim3A : f32 to vector<16xf32>
      %swap3A = arith.index_cast %add3A_44 : i32 to index
      %swap3A_46 = arith.constant 0 : index
      %swap3A_47 = tpu.vector_load %arg19[%swap3A, %swap3A_46] {strides = array<i32>} : memref<128x16xf32, #tpu.memory_space<vmem>>, vector<1x16xf32>,
      %swap3A_48 = vector.shape_cast %swap3A_47 : vector<1x16xf32> to vector<16xf32>
      %swap3A_49 = vector.shape_cast %broadcast_in_dim3A_45 : vector<16xf32> to vector<1x16xf32>
      tpu.vector_store %arg19[%swap3A, %swap3A_46], %swap3A_49 {strides = array<i32>} : memref<128x16xf32, #tpu.memory_space<vmem>>, vector<1x16xf32>,
    }
    %scan3A_23 = arith.constant 128 : i32
    %barrier3A = arith.constant 0 : index
    tpu.barrier barrier_id(%barrier3A)
    %mul3A = arith.constant 327680 : i32
    %mul3A_24 = arith.muli %arg0, %mul3A : i32
    %mul3A_25 = arith.constant 20480 : i32
    %mul3A_26 = arith.muli %arg1, %mul3A_25 : i32
    %add3A = arith.addi %mul3A_24, %mul3A_26 : i32
    %mul3A_27 = arith.constant 20480 : i32
    %mul3A_28 = arith.muli %arg1, %mul3A_27 : i32
    %scan3A_29 = arith.constant 0 : i32
    %scan3A_30 = arith.constant 20 : i32
    %scan3A_31 = arith.addi %scan3A_29, %scan3A_30 : i32
    %scan3A_32 = arith.constant 1 : i32
    scf.for %scan3A_40 = %scan3A_29 to %scan3A_31 step %scan3A_32  : i32 {
      %mul3A_41 = arith.constant 1 : i32
      %mul3A_42 = arith.muli %scan3A_40, %mul3A_41 : i32
      %add3A_43 = arith.constant 0 : i32
      %add3A_44 = arith.addi %add3A_43, %mul3A_42 : i32
      %mul3A_45 = arith.constant 1024 : i32
      %mul3A_46 = arith.muli %add3A_44, %mul3A_45 : i32
      %add3A_47 = arith.addi %add3A, %mul3A_46 : i32
      "tpu.region"() ({
        %run_scoped3A = tpu.sem_alloc : memref<!tpu.dma_semaphore, #tpu.memory_space<semaphore_mem>>
        %dma_start3A_636 = tpu.memref_slice %arg3[%add3A_47] : memref<655360xi32, #tpu.memory_space<hbm>> -> memref<1024xi32, #tpu.memory_space<hbm>>
        %dma_start3A_637 = tpu.memref_slice %arg3[%add3A_47] : memref<655360xi32, #tpu.memory_space<hbm>> -> memref<1024xi32, #tpu.memory_space<hbm>>
        tpu.enqueue_dma source(%dma_start3A_637 : memref<1024xi32, #tpu.memory_space<hbm>>) target(%arg8 : memref<1024xi32, #tpu.memory_space<vmem>>) target_semaphore(%run_scoped3A : memref<!tpu.dma_semaphore, #tpu.memory_space<semaphore_mem>>)
        %dma_wait3A_638 = tpu.memref_slice %arg3[%add3A_47] : memref<655360xi32, #tpu.memory_space<hbm>> -> memref<1024xi32, #tpu.memory_space<hbm>>
        %dma_wait3A_639 = tpu.memref_slice %arg3[%add3A_47] : memref<655360xi32, #tpu.memory_space<hbm>> -> memref<1024xi32, #tpu.memory_space<hbm>>
        tpu.wait_dma2 semaphore(%run_scoped3A : memref<!tpu.dma_semaphore, #tpu.memory_space<semaphore_mem>>) src(%dma_wait3A_639 : memref<1024xi32, #tpu.memory_space<hbm>>) dst(%arg8 : memref<1024xi32, #tpu.memory_space<vmem>>)
        tpu.yield
      }) : () -> ()
      %mul3A_48 = arith.constant 1024 : i32
      %mul3A_49 = arith.muli %add3A_44, %mul3A_48 : i32
      %add3A_50 = arith.addi %mul3A_28, %mul3A_49 : i32
      "tpu.region"() ({
        %run_scoped3A = tpu.sem_alloc : memref<!tpu.dma_semaphore, #tpu.memory_space<semaphore_mem>>
        %dma_start3A_636 = tpu.memref_slice %arg4[%add3A_50] : memref<327680xi32, #tpu.memory_space<hbm>> -> memref<1024xi32, #tpu.memory_space<hbm>>
        %dma_start3A_637 = tpu.memref_slice %arg4[%add3A_50] : memref<327680xi32, #tpu.memory_space<hbm>> -> memref<1024xi32, #tpu.memory_space<hbm>>
        tpu.enqueue_dma source(%dma_start3A_637 : memref<1024xi32, #tpu.memory_space<hbm>>) target(%arg9 : memref<1024xi32, #tpu.memory_space<vmem>>) target_semaphore(%run_scoped3A : memref<!tpu.dma_semaphore, #tpu.memory_space<semaphore_mem>>)
        %dma_wait3A_638 = tpu.memref_slice %arg4[%add3A_50] : memref<327680xi32, #tpu.memory_space<hbm>> -> memref<1024xi32, #tpu.memory_space<hbm>>
        %dma_wait3A_639 = tpu.memref_slice %arg4[%add3A_50] : memref<327680xi32, #tpu.memory_space<hbm>> -> memref<1024xi32, #tpu.memory_space<hbm>>
        tpu.wait_dma2 semaphore(%run_scoped3A : memref<!tpu.dma_semaphore, #tpu.memory_space<semaphore_mem>>) src(%dma_wait3A_639 : memref<1024xi32, #tpu.memory_space<hbm>>) dst(%arg9 : memref<1024xi32, #tpu.memory_space<vmem>>)
        tpu.yield
      }) : () -> ()
      %get3A = arith.constant 0 : index
      %get3A_51 = tpu.vector_load %arg9[%get3A] {strides = array<i32>} : memref<1024xi32, #tpu.memory_space<vmem>>, vector<16xi32>,
      %get3A_52 = vector.shape_cast %get3A_51 : vector<16xi32> to vector<16xi32>
      %swap3A = arith.constant 0 : index
      %swap3A_53 = tpu.vector_load %arg10[%swap3A] {strides = array<i32>} : memref<128xi32, #tpu.memory_space<vmem>>, vector<16xi32>,
      %swap3A_54 = vector.shape_cast %swap3A_53 : vector<16xi32> to vector<16xi32>
      %swap3A_55 = vector.shape_cast %get3A_52 : vector<16xi32> to vector<16xi32>
      tpu.vector_store %arg10[%swap3A], %swap3A_55 {strides = array<i32>} : memref<128xi32, #tpu.memory_space<vmem>>, vector<16xi32>,
      %get3A_56 = arith.constant 16 : index
      %get3A_57 = tpu.vector_load %arg9[%get3A_56] {strides = array<i32>} : memref<1024xi32, #tpu.memory_space<vmem>>, vector<16xi32>,
      %get3A_58 = vector.shape_cast %get3A_57 : vector<16xi32> to vector<16xi32>
      %swap3A_59 = arith.constant 16 : index
      %swap3A_60 = tpu.vector_load %arg10[%swap3A_59] {strides = array<i32>} : memref<128xi32, #tpu.memory_space<vmem>>, vector<16xi32>,
      %swap3A_61 = vector.shape_cast %swap3A_60 : vector<16xi32> to vector<16xi32>
      %swap3A_62 = vector.shape_cast %get3A_58 : vector<16xi32> to vector<16xi32>
      tpu.vector_store %arg10[%swap3A_59], %swap3A_62 {strides = array<i32>} : memref<128xi32, #tpu.memory_space<vmem>>, vector<16xi32>,
      %get3A_63 = arith.constant 32 : index
      %get3A_64 = tpu.vector_load %arg9[%get3A_63] {strides = array<i32>} : memref<1024xi32, #tpu.memory_space<vmem>>, vector<16xi32>,
      %get3A_65 = vector.shape_cast %get3A_64 : vector<16xi32> to vector<16xi32>
      %swap3A_66 = arith.constant 32 : index
      %swap3A_67 = tpu.vector_load %arg10[%swap3A_66] {strides = array<i32>} : memref<128xi32, #tpu.memory_space<vmem>>, vector<16xi32>,
      %swap3A_68 = vector.shape_cast %swap3A_67 : vector<16xi32> to vector<16xi32>
      %swap3A_69 = vector.shape_cast %get3A_65 : vector<16xi32> to vector<16xi32>
      tpu.vector_store %arg10[%swap3A_66], %swap3A_69 {strides = array<i32>} : memref<128xi32, #tpu.memory_space<vmem>>, vector<16xi32>,
      %get3A_70 = arith.constant 48 : index
      %get3A_71 = tpu.vector_load %arg9[%get3A_70] {strides = array<i32>} : memref<1024xi32, #tpu.memory_space<vmem>>, vector<16xi32>,
      %get3A_72 = vector.shape_cast %get3A_71 : vector<16xi32> to vector<16xi32>
      %swap3A_73 = arith.constant 48 : index
      %swap3A_74 = tpu.vector_load %arg10[%swap3A_73] {strides = array<i32>} : memref<128xi32, #tpu.memory_space<vmem>>, vector<16xi32>,
      %swap3A_75 = vector.shape_cast %swap3A_74 : vector<16xi32> to vector<16xi32>
      %swap3A_76 = vector.shape_cast %get3A_72 : vector<16xi32> to vector<16xi32>
      tpu.vector_store %arg10[%swap3A_73], %swap3A_76 {strides = array<i32>} : memref<128xi32, #tpu.memory_space<vmem>>, vector<16xi32>,
      %get3A_77 = arith.constant 64 : index
      %get3A_78 = tpu.vector_load %arg9[%get3A_77] {strides = array<i32>} : memref<1024xi32, #tpu.memory_space<vmem>>, vector<16xi32>,
      %get3A_79 = vector.shape_cast %get3A_78 : vector<16xi32> to vector<16xi32>
      %swap3A_80 = arith.constant 64 : index
      %swap3A_81 = tpu.vector_load %arg10[%swap3A_80] {strides = array<i32>} : memref<128xi32, #tpu.memory_space<vmem>>, vector<16xi32>,
      %swap3A_82 = vector.shape_cast %swap3A_81 : vector<16xi32> to vector<16xi32>
      %swap3A_83 = vector.shape_cast %get3A_79 : vector<16xi32> to vector<16xi32>
      tpu.vector_store %arg10[%swap3A_80], %swap3A_83 {strides = array<i32>} : memref<128xi32, #tpu.memory_space<vmem>>, vector<16xi32>,
      %get3A_84 = arith.constant 80 : index
      %get3A_85 = tpu.vector_load %arg9[%get3A_84] {strides = array<i32>} : memref<1024xi32, #tpu.memory_space<vmem>>, vector<16xi32>,
      %get3A_86 = vector.shape_cast %get3A_85 : vector<16xi32> to vector<16xi32>
      %swap3A_87 = arith.constant 80 : index
      %swap3A_88 = tpu.vector_load %arg10[%swap3A_87] {strides = array<i32>} : memref<128xi32, #tpu.memory_space<vmem>>, vector<16xi32>,
      %swap3A_89 = vector.shape_cast %swap3A_88 : vector<16xi32> to vector<16xi32>
      %swap3A_90 = vector.shape_cast %get3A_86 : vector<16xi32> to vector<16xi32>
      tpu.vector_store %arg10[%swap3A_87], %swap3A_90 {strides = array<i32>} : memref<128xi32, #tpu.memory_space<vmem>>, vector<16xi32>,
      %get3A_91 = arith.constant 96 : index
      %get3A_92 = tpu.vector_load %arg9[%get3A_91] {strides = array<i32>} : memref<1024xi32, #tpu.memory_space<vmem>>, vector<16xi32>,
      %get3A_93 = vector.shape_cast %get3A_92 : vector<16xi32> to vector<16xi32>
      %swap3A_94 = arith.constant 96 : index
      %swap3A_95 = tpu.vector_load %arg10[%swap3A_94] {strides = array<i32>} : memref<128xi32, #tpu.memory_space<vmem>>, vector<16xi32>,
      %swap3A_96 = vector.shape_cast %swap3A_95 : vector<16xi32> to vector<16xi32>
      %swap3A_97 = vector.shape_cast %get3A_93 : vector<16xi32> to vector<16xi32>
      tpu.vector_store %arg10[%swap3A_94], %swap3A_97 {strides = array<i32>} : memref<128xi32, #tpu.memory_space<vmem>>, vector<16xi32>,
      %get3A_98 = arith.constant 112 : index
      %get3A_99 = tpu.vector_load %arg9[%get3A_98] {strides = array<i32>} : memref<1024xi32, #tpu.memory_space<vmem>>, vector<16xi32>,
      %get3A_100 = vector.shape_cast %get3A_99 : vector<16xi32> to vector<16xi32>
      %swap3A_101 = arith.constant 112 : index
      %swap3A_102 = tpu.vector_load %arg10[%swap3A_101] {strides = array<i32>} : memref<128xi32, #tpu.memory_space<vmem>>, vector<16xi32>,
      %swap3A_103 = vector.shape_cast %swap3A_102 : vector<16xi32> to vector<16xi32>
      %swap3A_104 = vector.shape_cast %get3A_100 : vector<16xi32> to vector<16xi32>
      tpu.vector_store %arg10[%swap3A_101], %swap3A_104 {strides = array<i32>} : memref<128xi32, #tpu.memory_space<vmem>>, vector<16xi32>,
      %dma_start3A = arith.constant 0 : i32
      %dma_start3A_105 = tpu.memref_slice %arg8[%dma_start3A] : memref<1024xi32, #tpu.memory_space<vmem>> -> memref<128xi32, #tpu.memory_space<vmem>>
      %dma_start3A_106 = arith.constant 0 : i32
      %dma_start3A_107 = arith.constant 0 : i32
      %dma_start3A_108 = tpu.memref_slice %arg2[%dma_start3A_106, %dma_start3A_107] : memref<20480x64xf32, #tpu.memory_space<hbm>> -> memref<20480x64xf32, #tpu.memory_space<hbm>>
      tpu.enqueue_indirect_dma source(%dma_start3A_108 : memref<20480x64xf32, #tpu.memory_space<hbm>>) target(%arg12 : memref<128x64xf32, #tpu.memory_space<vmem>>) offsets(%dma_start3A_105 : memref<128xi32, #tpu.memory_space<vmem>>) semaphore(%arg15 : memref<!tpu.dma_semaphore, #tpu.memory_space<semaphore_mem>>)
      %get3A_109 = arith.constant 128 : index
      %get3A_110 = tpu.vector_load %arg9[%get3A_109] {strides = array<i32>} : memref<1024xi32, #tpu.memory_space<vmem>>, vector<16xi32>,
      %get3A_111 = vector.shape_cast %get3A_110 : vector<16xi32> to vector<16xi32>
      %swap3A_112 = arith.constant 0 : index
      %swap3A_113 = tpu.vector_load %arg11[%swap3A_112] {strides = array<i32>} : memref<128xi32, #tpu.memory_space<vmem>>, vector<16xi32>,
      %swap3A_114 = vector.shape_cast %swap3A_113 : vector<16xi32> to vector<16xi32>
      %swap3A_115 = vector.shape_cast %get3A_111 : vector<16xi32> to vector<16xi32>
      tpu.vector_store %arg11[%swap3A_112], %swap3A_115 {strides = array<i32>} : memref<128xi32, #tpu.memory_space<vmem>>, vector<16xi32>,
      %get3A_116 = arith.constant 144 : index
      %get3A_117 = tpu.vector_load %arg9[%get3A_116] {strides = array<i32>} : memref<1024xi32, #tpu.memory_space<vmem>>, vector<16xi32>,
      %get3A_118 = vector.shape_cast %get3A_117 : vector<16xi32> to vector<16xi32>
      %swap3A_119 = arith.constant 16 : index
      %swap3A_120 = tpu.vector_load %arg11[%swap3A_119] {strides = array<i32>} : memref<128xi32, #tpu.memory_space<vmem>>, vector<16xi32>,
      %swap3A_121 = vector.shape_cast %swap3A_120 : vector<16xi32> to vector<16xi32>
      %swap3A_122 = vector.shape_cast %get3A_118 : vector<16xi32> to vector<16xi32>
      tpu.vector_store %arg11[%swap3A_119], %swap3A_122 {strides = array<i32>} : memref<128xi32, #tpu.memory_space<vmem>>, vector<16xi32>,
      %get3A_123 = arith.constant 160 : index
      %get3A_124 = tpu.vector_load %arg9[%get3A_123] {strides = array<i32>} : memref<1024xi32, #tpu.memory_space<vmem>>, vector<16xi32>,
      %get3A_125 = vector.shape_cast %get3A_124 : vector<16xi32> to vector<16xi32>
      %swap3A_126 = arith.constant 32 : index
      %swap3A_127 = tpu.vector_load %arg11[%swap3A_126] {strides = array<i32>} : memref<128xi32, #tpu.memory_space<vmem>>, vector<16xi32>,
      %swap3A_128 = vector.shape_cast %swap3A_127 : vector<16xi32> to vector<16xi32>
      %swap3A_129 = vector.shape_cast %get3A_125 : vector<16xi32> to vector<16xi32>
      tpu.vector_store %arg11[%swap3A_126], %swap3A_129 {strides = array<i32>} : memref<128xi32, #tpu.memory_space<vmem>>, vector<16xi32>,
      %get3A_130 = arith.constant 176 : index
      %get3A_131 = tpu.vector_load %arg9[%get3A_130] {strides = array<i32>} : memref<1024xi32, #tpu.memory_space<vmem>>, vector<16xi32>,
      %get3A_132 = vector.shape_cast %get3A_131 : vector<16xi32> to vector<16xi32>
      %swap3A_133 = arith.constant 48 : index
      %swap3A_134 = tpu.vector_load %arg11[%swap3A_133] {strides = array<i32>} : memref<128xi32, #tpu.memory_space<vmem>>, vector<16xi32>,
      %swap3A_135 = vector.shape_cast %swap3A_134 : vector<16xi32> to vector<16xi32>
      %swap3A_136 = vector.shape_cast %get3A_132 : vector<16xi32> to vector<16xi32>
      tpu.vector_store %arg11[%swap3A_133], %swap3A_136 {strides = array<i32>} : memref<128xi32, #tpu.memory_space<vmem>>, vector<16xi32>,
      %get3A_137 = arith.constant 192 : index
      %get3A_138 = tpu.vector_load %arg9[%get3A_137] {strides = array<i32>} : memref<1024xi32, #tpu.memory_space<vmem>>, vector<16xi32>,
      %get3A_139 = vector.shape_cast %get3A_138 : vector<16xi32> to vector<16xi32>
      %swap3A_140 = arith.constant 64 : index
      %swap3A_141 = tpu.vector_load %arg11[%swap3A_140] {strides = array<i32>} : memref<128xi32, #tpu.memory_space<vmem>>, vector<16xi32>,
      %swap3A_142 = vector.shape_cast %swap3A_141 : vector<16xi32> to vector<16xi32>
      %swap3A_143 = vector.shape_cast %get3A_139 : vector<16xi32> to vector<16xi32>
      tpu.vector_store %arg11[%swap3A_140], %swap3A_143 {strides = array<i32>} : memref<128xi32, #tpu.memory_space<vmem>>, vector<16xi32>,
      %get3A_144 = arith.constant 208 : index
      %get3A_145 = tpu.vector_load %arg9[%get3A_144] {strides = array<i32>} : memref<1024xi32, #tpu.memory_space<vmem>>, vector<16xi32>,
      %get3A_146 = vector.shape_cast %get3A_145 : vector<16xi32> to vector<16xi32>
      %swap3A_147 = arith.constant 80 : index
      %swap3A_148 = tpu.vector_load %arg11[%swap3A_147] {strides = array<i32>} : memref<128xi32, #tpu.memory_space<vmem>>, vector<16xi32>,
      %swap3A_149 = vector.shape_cast %swap3A_148 : vector<16xi32> to vector<16xi32>
      %swap3A_150 = vector.shape_cast %get3A_146 : vector<16xi32> to vector<16xi32>
      tpu.vector_store %arg11[%swap3A_147], %swap3A_150 {strides = array<i32>} : memref<128xi32, #tpu.memory_space<vmem>>, vector<16xi32>,
      %get3A_151 = arith.constant 224 : index
      %get3A_152 = tpu.vector_load %arg9[%get3A_151] {strides = array<i32>} : memref<1024xi32, #tpu.memory_space<vmem>>, vector<16xi32>,
      %get3A_153 = vector.shape_cast %get3A_152 : vector<16xi32> to vector<16xi32>
      %swap3A_154 = arith.constant 96 : index
      %swap3A_155 = tpu.vector_load %arg11[%swap3A_154] {strides = array<i32>} : memref<128xi32, #tpu.memory_space<vmem>>, vector<16xi32>,
      %swap3A_156 = vector.shape_cast %swap3A_155 : vector<16xi32> to vector<16xi32>
      %swap3A_157 = vector.shape_cast %get3A_153 : vector<16xi32> to vector<16xi32>
      tpu.vector_store %arg11[%swap3A_154], %swap3A_157 {strides = array<i32>} : memref<128xi32, #tpu.memory_space<vmem>>, vector<16xi32>,
      %get3A_158 = arith.constant 240 : index
      %get3A_159 = tpu.vector_load %arg9[%get3A_158] {strides = array<i32>} : memref<1024xi32, #tpu.memory_space<vmem>>, vector<16xi32>,
      %get3A_160 = vector.shape_cast %get3A_159 : vector<16xi32> to vector<16xi32>
      %swap3A_161 = arith.constant 112 : index
      %swap3A_162 = tpu.vector_load %arg11[%swap3A_161] {strides = array<i32>} : memref<128xi32, #tpu.memory_space<vmem>>, vector<16xi32>,
      %swap3A_163 = vector.shape_cast %swap3A_162 : vector<16xi32> to vector<16xi32>
      %swap3A_164 = vector.shape_cast %get3A_160 : vector<16xi32> to vector<16xi32>
      tpu.vector_store %arg11[%swap3A_161], %swap3A_164 {strides = array<i32>} : memref<128xi32, #tpu.memory_space<vmem>>, vector<16xi32>,
      %dma_start3A_165 = arith.constant 128 : i32
      %dma_start3A_166 = tpu.memref_slice %arg8[%dma_start3A_165] : memref<1024xi32, #tpu.memory_space<vmem>> -> memref<128xi32, #tpu.memory_space<vmem>>
      %dma_start3A_167 = arith.constant 0 : i32
      %dma_start3A_168 = arith.constant 0 : i32
      %dma_start3A_169 = tpu.memref_slice %arg2[%dma_start3A_167, %dma_start3A_168] : memref<20480x64xf32, #tpu.memory_space<hbm>> -> memref<20480x64xf32, #tpu.memory_space<hbm>>
      tpu.enqueue_indirect_dma source(%dma_start3A_169 : memref<20480x64xf32, #tpu.memory_space<hbm>>) target(%arg13 : memref<128x64xf32, #tpu.memory_space<vmem>>) offsets(%dma_start3A_166 : memref<128xi32, #tpu.memory_space<vmem>>) semaphore(%arg16 : memref<!tpu.dma_semaphore, #tpu.memory_space<semaphore_mem>>)
      %dma_wait3A = arith.constant 0 : i32
      %dma_wait3A_170 = tpu.memref_slice %arg8[%dma_wait3A] : memref<1024xi32, #tpu.memory_space<vmem>> -> memref<128xi32, #tpu.memory_space<vmem>>
      %dma_wait3A_171 = arith.constant 0 : i32
      %dma_wait3A_172 = arith.constant 0 : i32
      %dma_wait3A_173 = tpu.memref_slice %arg2[%dma_wait3A_171, %dma_wait3A_172] : memref<20480x64xf32, #tpu.memory_space<hbm>> -> memref<20480x64xf32, #tpu.memory_space<hbm>>
      tpu.wait_indirect_dma semaphore(%arg15 : memref<!tpu.dma_semaphore, #tpu.memory_space<semaphore_mem>>) src(%dma_wait3A_173 : memref<20480x64xf32, #tpu.memory_space<hbm>>) dst(%arg12 : memref<128x64xf32, #tpu.memory_space<vmem>>)
      %dma_start3A_174 = arith.constant 0 : i32
      %dma_start3A_175 = arith.constant 0 : i32
      %dma_start3A_176 = tpu.memref_slice %arg7[%dma_start3A_174, %dma_start3A_175] : memref<10240x64xf32, #tpu.memory_space<vmem_shared>> -> memref<10240x64xf32, #tpu.memory_space<vmem_shared>>
      tpu.enqueue_indirect_dma source(%arg12 : memref<128x64xf32, #tpu.memory_space<vmem>>) target(%dma_start3A_176 : memref<10240x64xf32, #tpu.memory_space<vmem_shared>>) offsets(%arg10 : memref<128xi32, #tpu.memory_space<vmem>>) semaphore(%arg17 : memref<!tpu.dma_semaphore, #tpu.memory_space<semaphore_mem>>) {add = true}
      %eq3A = arith.constant 0 : i32
      %eq3A_177 = arith.cmpi eq, %arg0, %eq3A : i32
      %convert_element_type3A = arith.extui %eq3A_177 : i1 to i32
      %cond3A = arith.constant 0 : i32
      %cond3A_178 = arith.cmpi ne, %convert_element_type3A, %cond3A : i32
      scf.if %cond3A_178 {
        "tpu.region"() ({
          %run_scoped3A = tpu.sem_alloc : memref<!tpu.dma_semaphore, #tpu.memory_space<semaphore_mem>>
          %dma_start3A_636 = arith.constant 0 : i32
          %dma_start3A_637 = arith.constant 0 : i32
          %dma_start3A_638 = tpu.memref_slice %arg18[%dma_start3A_636, %dma_start3A_637] : memref<10240x16xf32, #tpu.memory_space<vmem_shared>> -> memref<10240x16xf32, #tpu.memory_space<vmem_shared>>
          tpu.enqueue_indirect_dma source(%arg19 : memref<128x16xf32, #tpu.memory_space<vmem>>) target(%dma_start3A_638 : memref<10240x16xf32, #tpu.memory_space<vmem_shared>>) offsets(%arg10 : memref<128xi32, #tpu.memory_space<vmem>>) semaphore(%run_scoped3A : memref<!tpu.dma_semaphore, #tpu.memory_space<semaphore_mem>>) {add = true}
          %dma_wait3A_639 = arith.constant 0 : i32
          %dma_wait3A_640 = arith.constant 0 : i32
          %dma_wait3A_641 = tpu.memref_slice %arg18[%dma_wait3A_639, %dma_wait3A_640] : memref<10240x16xf32, #tpu.memory_space<vmem_shared>> -> memref<10240x16xf32, #tpu.memory_space<vmem_shared>>
          tpu.wait_indirect_dma semaphore(%run_scoped3A : memref<!tpu.dma_semaphore, #tpu.memory_space<semaphore_mem>>) src(%arg19 : memref<128x16xf32, #tpu.memory_space<vmem>>) dst(%dma_wait3A_641 : memref<10240x16xf32, #tpu.memory_space<vmem_shared>>)
          tpu.yield
        }) : () -> ()
      } else {
      }
      %dma_wait3A_179 = arith.constant 128 : i32
      %dma_wait3A_180 = tpu.memref_slice %arg8[%dma_wait3A_179] : memref<1024xi32, #tpu.memory_space<vmem>> -> memref<128xi32, #tpu.memory_space<vmem>>
      %dma_wait3A_181 = arith.constant 0 : i32
      %dma_wait3A_182 = arith.constant 0 : i32
      %dma_wait3A_183 = tpu.memref_slice %arg2[%dma_wait3A_181, %dma_wait3A_182] : memref<20480x64xf32, #tpu.memory_space<hbm>> -> memref<20480x64xf32, #tpu.memory_space<hbm>>
      tpu.wait_indirect_dma semaphore(%arg16 : memref<!tpu.dma_semaphore, #tpu.memory_space<semaphore_mem>>) src(%dma_wait3A_183 : memref<20480x64xf32, #tpu.memory_space<hbm>>) dst(%arg13 : memref<128x64xf32, #tpu.memory_space<vmem>>)
      %dma_wait3A_184 = arith.constant 0 : i32
      %dma_wait3A_185 = arith.constant 0 : i32
      %dma_wait3A_186 = tpu.memref_slice %arg7[%dma_wait3A_184, %dma_wait3A_185] : memref<10240x64xf32, #tpu.memory_space<vmem_shared>> -> memref<10240x64xf32, #tpu.memory_space<vmem_shared>>
      tpu.wait_indirect_dma semaphore(%arg17 : memref<!tpu.dma_semaphore, #tpu.memory_space<semaphore_mem>>) src(%arg12 : memref<128x64xf32, #tpu.memory_space<vmem>>) dst(%dma_wait3A_186 : memref<10240x64xf32, #tpu.memory_space<vmem_shared>>)
      "tpu.region"() ({
        %run_scoped3A = tpu.sem_alloc : memref<!tpu.dma_semaphore, #tpu.memory_space<semaphore_mem>>
        %dma_start3A_636 = arith.constant 0 : i32
        %dma_start3A_637 = arith.constant 0 : i32
        %dma_start3A_638 = tpu.memref_slice %arg7[%dma_start3A_636, %dma_start3A_637] : memref<10240x64xf32, #tpu.memory_space<vmem_shared>> -> memref<10240x64xf32, #tpu.memory_space<vmem_shared>>
        tpu.enqueue_indirect_dma source(%arg13 : memref<128x64xf32, #tpu.memory_space<vmem>>) target(%dma_start3A_638 : memref<10240x64xf32, #tpu.memory_space<vmem_shared>>) offsets(%arg11 : memref<128xi32, #tpu.memory_space<vmem>>) semaphore(%run_scoped3A : memref<!tpu.dma_semaphore, #tpu.memory_space<semaphore_mem>>) {add = true}
        %dma_wait3A_639 = arith.constant 0 : i32
        %dma_wait3A_640 = arith.constant 0 : i32
        %dma_wait3A_641 = tpu.memref_slice %arg7[%dma_wait3A_639, %dma_wait3A_640] : memref<10240x64xf32, #tpu.memory_space<vmem_shared>> -> memref<10240x64xf32, #tpu.memory_space<vmem_shared>>
        tpu.wait_indirect_dma semaphore(%run_scoped3A : memref<!tpu.dma_semaphore, #tpu.memory_space<semaphore_mem>>) src(%arg13 : memref<128x64xf32, #tpu.memory_space<vmem>>) dst(%dma_wait3A_641 : memref<10240x64xf32, #tpu.memory_space<vmem_shared>>)
        tpu.yield
      }) : () -> ()
      %eq3A_187 = arith.constant 0 : i32
      %eq3A_188 = arith.cmpi eq, %arg0, %eq3A_187 : i32
      %convert_element_type3A_189 = arith.extui %eq3A_188 : i1 to i32
      %cond3A_190 = arith.constant 0 : i32
      %cond3A_191 = arith.cmpi ne, %convert_element_type3A_189, %cond3A_190 : i32
      scf.if %cond3A_191 {
        "tpu.region"() ({
          %run_scoped3A = tpu.sem_alloc : memref<!tpu.dma_semaphore, #tpu.memory_space<semaphore_mem>>
          %dma_start3A_636 = arith.constant 0 : i32
          %dma_start3A_637 = arith.constant 0 : i32
          %dma_start3A_638 = tpu.memref_slice %arg18[%dma_start3A_636, %dma_start3A_637] : memref<10240x16xf32, #tpu.memory_space<vmem_shared>> -> memref<10240x16xf32, #tpu.memory_space<vmem_shared>>
          tpu.enqueue_indirect_dma source(%arg19 : memref<128x16xf32, #tpu.memory_space<vmem>>) target(%dma_start3A_638 : memref<10240x16xf32, #tpu.memory_space<vmem_shared>>) offsets(%arg11 : memref<128xi32, #tpu.memory_space<vmem>>) semaphore(%run_scoped3A : memref<!tpu.dma_semaphore, #tpu.memory_space<semaphore_mem>>) {add = true}
          %dma_wait3A_639 = arith.constant 0 : i32
          %dma_wait3A_640 = arith.constant 0 : i32
          %dma_wait3A_641 = tpu.memref_slice %arg18[%dma_wait3A_639, %dma_wait3A_640] : memref<10240x16xf32, #tpu.memory_space<vmem_shared>> -> memref<10240x16xf32, #tpu.memory_space<vmem_shared>>
          tpu.wait_indirect_dma semaphore(%run_scoped3A : memref<!tpu.dma_semaphore, #tpu.memory_space<semaphore_mem>>) src(%arg19 : memref<128x16xf32, #tpu.memory_space<vmem>>) dst(%dma_wait3A_641 : memref<10240x16xf32, #tpu.memory_space<vmem_shared>>)
          tpu.yield
        }) : () -> ()
      } else {
      }
      %get3A_192 = arith.constant 256 : index
      %get3A_193 = tpu.vector_load %arg9[%get3A_192] {strides = array<i32>} : memref<1024xi32, #tpu.memory_space<vmem>>, vector<16xi32>,
      %get3A_194 = vector.shape_cast %get3A_193 : vector<16xi32> to vector<16xi32>
      %swap3A_195 = arith.constant 0 : index
      %swap3A_196 = tpu.vector_load %arg10[%swap3A_195] {strides = array<i32>} : memref<128xi32, #tpu.memory_space<vmem>>, vector<16xi32>,
      %swap3A_197 = vector.shape_cast %swap3A_196 : vector<16xi32> to vector<16xi32>
      %swap3A_198 = vector.shape_cast %get3A_194 : vector<16xi32> to vector<16xi32>
      tpu.vector_store %arg10[%swap3A_195], %swap3A_198 {strides = array<i32>} : memref<128xi32, #tpu.memory_space<vmem>>, vector<16xi32>,
      %get3A_199 = arith.constant 272 : index
      %get3A_200 = tpu.vector_load %arg9[%get3A_199] {strides = array<i32>} : memref<1024xi32, #tpu.memory_space<vmem>>, vector<16xi32>,
      %get3A_201 = vector.shape_cast %get3A_200 : vector<16xi32> to vector<16xi32>
      %swap3A_202 = arith.constant 16 : index
      %swap3A_203 = tpu.vector_load %arg10[%swap3A_202] {strides = array<i32>} : memref<128xi32, #tpu.memory_space<vmem>>, vector<16xi32>,
      %swap3A_204 = vector.shape_cast %swap3A_203 : vector<16xi32> to vector<16xi32>
      %swap3A_205 = vector.shape_cast %get3A_201 : vector<16xi32> to vector<16xi32>
      tpu.vector_store %arg10[%swap3A_202], %swap3A_205 {strides = array<i32>} : memref<128xi32, #tpu.memory_space<vmem>>, vector<16xi32>,
      %get3A_206 = arith.constant 288 : index
      %get3A_207 = tpu.vector_load %arg9[%get3A_206] {strides = array<i32>} : memref<1024xi32, #tpu.memory_space<vmem>>, vector<16xi32>,
      %get3A_208 = vector.shape_cast %get3A_207 : vector<16xi32> to vector<16xi32>
      %swap3A_209 = arith.constant 32 : index
      %swap3A_210 = tpu.vector_load %arg10[%swap3A_209] {strides = array<i32>} : memref<128xi32, #tpu.memory_space<vmem>>, vector<16xi32>,
      %swap3A_211 = vector.shape_cast %swap3A_210 : vector<16xi32> to vector<16xi32>
      %swap3A_212 = vector.shape_cast %get3A_208 : vector<16xi32> to vector<16xi32>
      tpu.vector_store %arg10[%swap3A_209], %swap3A_212 {strides = array<i32>} : memref<128xi32, #tpu.memory_space<vmem>>, vector<16xi32>,
      %get3A_213 = arith.constant 304 : index
      %get3A_214 = tpu.vector_load %arg9[%get3A_213] {strides = array<i32>} : memref<1024xi32, #tpu.memory_space<vmem>>, vector<16xi32>,
      %get3A_215 = vector.shape_cast %get3A_214 : vector<16xi32> to vector<16xi32>
      %swap3A_216 = arith.constant 48 : index
      %swap3A_217 = tpu.vector_load %arg10[%swap3A_216] {strides = array<i32>} : memref<128xi32, #tpu.memory_space<vmem>>, vector<16xi32>,
      %swap3A_218 = vector.shape_cast %swap3A_217 : vector<16xi32> to vector<16xi32>
      %swap3A_219 = vector.shape_cast %get3A_215 : vector<16xi32> to vector<16xi32>
      tpu.vector_store %arg10[%swap3A_216], %swap3A_219 {strides = array<i32>} : memref<128xi32, #tpu.memory_space<vmem>>, vector<16xi32>,
      %get3A_220 = arith.constant 320 : index
      %get3A_221 = tpu.vector_load %arg9[%get3A_220] {strides = array<i32>} : memref<1024xi32, #tpu.memory_space<vmem>>, vector<16xi32>,
      %get3A_222 = vector.shape_cast %get3A_221 : vector<16xi32> to vector<16xi32>
      %swap3A_223 = arith.constant 64 : index
      %swap3A_224 = tpu.vector_load %arg10[%swap3A_223] {strides = array<i32>} : memref<128xi32, #tpu.memory_space<vmem>>, vector<16xi32>,
      %swap3A_225 = vector.shape_cast %swap3A_224 : vector<16xi32> to vector<16xi32>
      %swap3A_226 = vector.shape_cast %get3A_222 : vector<16xi32> to vector<16xi32>
      tpu.vector_store %arg10[%swap3A_223], %swap3A_226 {strides = array<i32>} : memref<128xi32, #tpu.memory_space<vmem>>, vector<16xi32>,
      %get3A_227 = arith.constant 336 : index
      %get3A_228 = tpu.vector_load %arg9[%get3A_227] {strides = array<i32>} : memref<1024xi32, #tpu.memory_space<vmem>>, vector<16xi32>,
      %get3A_229 = vector.shape_cast %get3A_228 : vector<16xi32> to vector<16xi32>
      %swap3A_230 = arith.constant 80 : index
      %swap3A_231 = tpu.vector_load %arg10[%swap3A_230] {strides = array<i32>} : memref<128xi32, #tpu.memory_space<vmem>>, vector<16xi32>,
      %swap3A_232 = vector.shape_cast %swap3A_231 : vector<16xi32> to vector<16xi32>
      %swap3A_233 = vector.shape_cast %get3A_229 : vector<16xi32> to vector<16xi32>
      tpu.vector_store %arg10[%swap3A_230], %swap3A_233 {strides = array<i32>} : memref<128xi32, #tpu.memory_space<vmem>>, vector<16xi32>,
      %get3A_234 = arith.constant 352 : index
      %get3A_235 = tpu.vector_load %arg9[%get3A_234] {strides = array<i32>} : memref<1024xi32, #tpu.memory_space<vmem>>, vector<16xi32>,
      %get3A_236 = vector.shape_cast %get3A_235 : vector<16xi32> to vector<16xi32>
      %swap3A_237 = arith.constant 96 : index
      %swap3A_238 = tpu.vector_load %arg10[%swap3A_237] {strides = array<i32>} : memref<128xi32, #tpu.memory_space<vmem>>, vector<16xi32>,
      %swap3A_239 = vector.shape_cast %swap3A_238 : vector<16xi32> to vector<16xi32>
      %swap3A_240 = vector.shape_cast %get3A_236 : vector<16xi32> to vector<16xi32>
      tpu.vector_store %arg10[%swap3A_237], %swap3A_240 {strides = array<i32>} : memref<128xi32, #tpu.memory_space<vmem>>, vector<16xi32>,
      %get3A_241 = arith.constant 368 : index
      %get3A_242 = tpu.vector_load %arg9[%get3A_241] {strides = array<i32>} : memref<1024xi32, #tpu.memory_space<vmem>>, vector<16xi32>,
      %get3A_243 = vector.shape_cast %get3A_242 : vector<16xi32> to vector<16xi32>
      %swap3A_244 = arith.constant 112 : index
      %swap3A_245 = tpu.vector_load %arg10[%swap3A_244] {strides = array<i32>} : memref<128xi32, #tpu.memory_space<vmem>>, vector<16xi32>,
      %swap3A_246 = vector.shape_cast %swap3A_245 : vector<16xi32> to vector<16xi32>
      %swap3A_247 = vector.shape_cast %get3A_243 : vector<16xi32> to vector<16xi32>
      tpu.vector_store %arg10[%swap3A_244], %swap3A_247 {strides = array<i32>} : memref<128xi32, #tpu.memory_space<vmem>>, vector<16xi32>,
      %dma_start3A_248 = arith.constant 256 : i32
      %dma_start3A_249 = tpu.memref_slice %arg8[%dma_start3A_248] : memref<1024xi32, #tpu.memory_space<vmem>> -> memref<128xi32, #tpu.memory_space<vmem>>
      %dma_start3A_250 = arith.constant 0 : i32
      %dma_start3A_251 = arith.constant 0 : i32
      %dma_start3A_252 = tpu.memref_slice %arg2[%dma_start3A_250, %dma_start3A_251] : memref<20480x64xf32, #tpu.memory_space<hbm>> -> memref<20480x64xf32, #tpu.memory_space<hbm>>
      tpu.enqueue_indirect_dma source(%dma_start3A_252 : memref<20480x64xf32, #tpu.memory_space<hbm>>) target(%arg12 : memref<128x64xf32, #tpu.memory_space<vmem>>) offsets(%dma_start3A_249 : memref<128xi32, #tpu.memory_space<vmem>>) semaphore(%arg15 : memref<!tpu.dma_semaphore, #tpu.memory_space<semaphore_mem>>)
      %get3A_253 = arith.constant 384 : index
      %get3A_254 = tpu.vector_load %arg9[%get3A_253] {strides = array<i32>} : memref<1024xi32, #tpu.memory_space<vmem>>, vector<16xi32>,
      %get3A_255 = vector.shape_cast %get3A_254 : vector<16xi32> to vector<16xi32>
      %swap3A_256 = arith.constant 0 : index
      %swap3A_257 = tpu.vector_load %arg11[%swap3A_256] {strides = array<i32>} : memref<128xi32, #tpu.memory_space<vmem>>, vector<16xi32>,
      %swap3A_258 = vector.shape_cast %swap3A_257 : vector<16xi32> to vector<16xi32>
      %swap3A_259 = vector.shape_cast %get3A_255 : vector<16xi32> to vector<16xi32>
      tpu.vector_store %arg11[%swap3A_256], %swap3A_259 {strides = array<i32>} : memref<128xi32, #tpu.memory_space<vmem>>, vector<16xi32>,
      %get3A_260 = arith.constant 400 : index
      %get3A_261 = tpu.vector_load %arg9[%get3A_260] {strides = array<i32>} : memref<1024xi32, #tpu.memory_space<vmem>>, vector<16xi32>,
      %get3A_262 = vector.shape_cast %get3A_261 : vector<16xi32> to vector<16xi32>
      %swap3A_263 = arith.constant 16 : index
      %swap3A_264 = tpu.vector_load %arg11[%swap3A_263] {strides = array<i32>} : memref<128xi32, #tpu.memory_space<vmem>>, vector<16xi32>,
      %swap3A_265 = vector.shape_cast %swap3A_264 : vector<16xi32> to vector<16xi32>
      %swap3A_266 = vector.shape_cast %get3A_262 : vector<16xi32> to vector<16xi32>
      tpu.vector_store %arg11[%swap3A_263], %swap3A_266 {strides = array<i32>} : memref<128xi32, #tpu.memory_space<vmem>>, vector<16xi32>,
      %get3A_267 = arith.constant 416 : index
      %get3A_268 = tpu.vector_load %arg9[%get3A_267] {strides = array<i32>} : memref<1024xi32, #tpu.memory_space<vmem>>, vector<16xi32>,
      %get3A_269 = vector.shape_cast %get3A_268 : vector<16xi32> to vector<16xi32>
      %swap3A_270 = arith.constant 32 : index
      %swap3A_271 = tpu.vector_load %arg11[%swap3A_270] {strides = array<i32>} : memref<128xi32, #tpu.memory_space<vmem>>, vector<16xi32>,
      %swap3A_272 = vector.shape_cast %swap3A_271 : vector<16xi32> to vector<16xi32>
      %swap3A_273 = vector.shape_cast %get3A_269 : vector<16xi32> to vector<16xi32>
      tpu.vector_store %arg11[%swap3A_270], %swap3A_273 {strides = array<i32>} : memref<128xi32, #tpu.memory_space<vmem>>, vector<16xi32>,
      %get3A_274 = arith.constant 432 : index
      %get3A_275 = tpu.vector_load %arg9[%get3A_274] {strides = array<i32>} : memref<1024xi32, #tpu.memory_space<vmem>>, vector<16xi32>,
      %get3A_276 = vector.shape_cast %get3A_275 : vector<16xi32> to vector<16xi32>
      %swap3A_277 = arith.constant 48 : index
      %swap3A_278 = tpu.vector_load %arg11[%swap3A_277] {strides = array<i32>} : memref<128xi32, #tpu.memory_space<vmem>>, vector<16xi32>,
      %swap3A_279 = vector.shape_cast %swap3A_278 : vector<16xi32> to vector<16xi32>
      %swap3A_280 = vector.shape_cast %get3A_276 : vector<16xi32> to vector<16xi32>
      tpu.vector_store %arg11[%swap3A_277], %swap3A_280 {strides = array<i32>} : memref<128xi32, #tpu.memory_space<vmem>>, vector<16xi32>,
      %get3A_281 = arith.constant 448 : index
      %get3A_282 = tpu.vector_load %arg9[%get3A_281] {strides = array<i32>} : memref<1024xi32, #tpu.memory_space<vmem>>, vector<16xi32>,
      %get3A_283 = vector.shape_cast %get3A_282 : vector<16xi32> to vector<16xi32>
      %swap3A_284 = arith.constant 64 : index
      %swap3A_285 = tpu.vector_load %arg11[%swap3A_284] {strides = array<i32>} : memref<128xi32, #tpu.memory_space<vmem>>, vector<16xi32>,
      %swap3A_286 = vector.shape_cast %swap3A_285 : vector<16xi32> to vector<16xi32>
      %swap3A_287 = vector.shape_cast %get3A_283 : vector<16xi32> to vector<16xi32>
      tpu.vector_store %arg11[%swap3A_284], %swap3A_287 {strides = array<i32>} : memref<128xi32, #tpu.memory_space<vmem>>, vector<16xi32>,
      %get3A_288 = arith.constant 464 : index
      %get3A_289 = tpu.vector_load %arg9[%get3A_288] {strides = array<i32>} : memref<1024xi32, #tpu.memory_space<vmem>>, vector<16xi32>,
      %get3A_290 = vector.shape_cast %get3A_289 : vector<16xi32> to vector<16xi32>
      %swap3A_291 = arith.constant 80 : index
      %swap3A_292 = tpu.vector_load %arg11[%swap3A_291] {strides = array<i32>} : memref<128xi32, #tpu.memory_space<vmem>>, vector<16xi32>,
      %swap3A_293 = vector.shape_cast %swap3A_292 : vector<16xi32> to vector<16xi32>
      %swap3A_294 = vector.shape_cast %get3A_290 : vector<16xi32> to vector<16xi32>
      tpu.vector_store %arg11[%swap3A_291], %swap3A_294 {strides = array<i32>} : memref<128xi32, #tpu.memory_space<vmem>>, vector<16xi32>,
      %get3A_295 = arith.constant 480 : index
      %get3A_296 = tpu.vector_load %arg9[%get3A_295] {strides = array<i32>} : memref<1024xi32, #tpu.memory_space<vmem>>, vector<16xi32>,
      %get3A_297 = vector.shape_cast %get3A_296 : vector<16xi32> to vector<16xi32>
      %swap3A_298 = arith.constant 96 : index
      %swap3A_299 = tpu.vector_load %arg11[%swap3A_298] {strides = array<i32>} : memref<128xi32, #tpu.memory_space<vmem>>, vector<16xi32>,
      %swap3A_300 = vector.shape_cast %swap3A_299 : vector<16xi32> to vector<16xi32>
      %swap3A_301 = vector.shape_cast %get3A_297 : vector<16xi32> to vector<16xi32>
      tpu.vector_store %arg11[%swap3A_298], %swap3A_301 {strides = array<i32>} : memref<128xi32, #tpu.memory_space<vmem>>, vector<16xi32>,
      %get3A_302 = arith.constant 496 : index
      %get3A_303 = tpu.vector_load %arg9[%get3A_302] {strides = array<i32>} : memref<1024xi32, #tpu.memory_space<vmem>>, vector<16xi32>,
      %get3A_304 = vector.shape_cast %get3A_303 : vector<16xi32> to vector<16xi32>
      %swap3A_305 = arith.constant 112 : index
      %swap3A_306 = tpu.vector_load %arg11[%swap3A_305] {strides = array<i32>} : memref<128xi32, #tpu.memory_space<vmem>>, vector<16xi32>,
      %swap3A_307 = vector.shape_cast %swap3A_306 : vector<16xi32> to vector<16xi32>
      %swap3A_308 = vector.shape_cast %get3A_304 : vector<16xi32> to vector<16xi32>
      tpu.vector_store %arg11[%swap3A_305], %swap3A_308 {strides = array<i32>} : memref<128xi32, #tpu.memory_space<vmem>>, vector<16xi32>,
      %dma_start3A_309 = arith.constant 384 : i32
      %dma_start3A_310 = tpu.memref_slice %arg8[%dma_start3A_309] : memref<1024xi32, #tpu.memory_space<vmem>> -> memref<128xi32, #tpu.memory_space<vmem>>
      %dma_start3A_311 = arith.constant 0 : i32
      %dma_start3A_312 = arith.constant 0 : i32
      %dma_start3A_313 = tpu.memref_slice %arg2[%dma_start3A_311, %dma_start3A_312] : memref<20480x64xf32, #tpu.memory_space<hbm>> -> memref<20480x64xf32, #tpu.memory_space<hbm>>
      tpu.enqueue_indirect_dma source(%dma_start3A_313 : memref<20480x64xf32, #tpu.memory_space<hbm>>) target(%arg13 : memref<128x64xf32, #tpu.memory_space<vmem>>) offsets(%dma_start3A_310 : memref<128xi32, #tpu.memory_space<vmem>>) semaphore(%arg16 : memref<!tpu.dma_semaphore, #tpu.memory_space<semaphore_mem>>)
      %dma_wait3A_314 = arith.constant 256 : i32
      %dma_wait3A_315 = tpu.memref_slice %arg8[%dma_wait3A_314] : memref<1024xi32, #tpu.memory_space<vmem>> -> memref<128xi32, #tpu.memory_space<vmem>>
      %dma_wait3A_316 = arith.constant 0 : i32
      %dma_wait3A_317 = arith.constant 0 : i32
      %dma_wait3A_318 = tpu.memref_slice %arg2[%dma_wait3A_316, %dma_wait3A_317] : memref<20480x64xf32, #tpu.memory_space<hbm>> -> memref<20480x64xf32, #tpu.memory_space<hbm>>
      tpu.wait_indirect_dma semaphore(%arg15 : memref<!tpu.dma_semaphore, #tpu.memory_space<semaphore_mem>>) src(%dma_wait3A_318 : memref<20480x64xf32, #tpu.memory_space<hbm>>) dst(%arg12 : memref<128x64xf32, #tpu.memory_space<vmem>>)
      %dma_start3A_319 = arith.constant 0 : i32
      %dma_start3A_320 = arith.constant 0 : i32
      %dma_start3A_321 = tpu.memref_slice %arg7[%dma_start3A_319, %dma_start3A_320] : memref<10240x64xf32, #tpu.memory_space<vmem_shared>> -> memref<10240x64xf32, #tpu.memory_space<vmem_shared>>
      tpu.enqueue_indirect_dma source(%arg12 : memref<128x64xf32, #tpu.memory_space<vmem>>) target(%dma_start3A_321 : memref<10240x64xf32, #tpu.memory_space<vmem_shared>>) offsets(%arg10 : memref<128xi32, #tpu.memory_space<vmem>>) semaphore(%arg17 : memref<!tpu.dma_semaphore, #tpu.memory_space<semaphore_mem>>) {add = true}
      %eq3A_322 = arith.constant 0 : i32
      %eq3A_323 = arith.cmpi eq, %arg0, %eq3A_322 : i32
      %convert_element_type3A_324 = arith.extui %eq3A_323 : i1 to i32
      %cond3A_325 = arith.constant 0 : i32
      %cond3A_326 = arith.cmpi ne, %convert_element_type3A_324, %cond3A_325 : i32
      scf.if %cond3A_326 {
        "tpu.region"() ({
          %run_scoped3A = tpu.sem_alloc : memref<!tpu.dma_semaphore, #tpu.memory_space<semaphore_mem>>
          %dma_start3A_636 = arith.constant 0 : i32
          %dma_start3A_637 = arith.constant 0 : i32
          %dma_start3A_638 = tpu.memref_slice %arg18[%dma_start3A_636, %dma_start3A_637] : memref<10240x16xf32, #tpu.memory_space<vmem_shared>> -> memref<10240x16xf32, #tpu.memory_space<vmem_shared>>
          tpu.enqueue_indirect_dma source(%arg19 : memref<128x16xf32, #tpu.memory_space<vmem>>) target(%dma_start3A_638 : memref<10240x16xf32, #tpu.memory_space<vmem_shared>>) offsets(%arg10 : memref<128xi32, #tpu.memory_space<vmem>>) semaphore(%run_scoped3A : memref<!tpu.dma_semaphore, #tpu.memory_space<semaphore_mem>>) {add = true}
          %dma_wait3A_639 = arith.constant 0 : i32
          %dma_wait3A_640 = arith.constant 0 : i32
          %dma_wait3A_641 = tpu.memref_slice %arg18[%dma_wait3A_639, %dma_wait3A_640] : memref<10240x16xf32, #tpu.memory_space<vmem_shared>> -> memref<10240x16xf32, #tpu.memory_space<vmem_shared>>
          tpu.wait_indirect_dma semaphore(%run_scoped3A : memref<!tpu.dma_semaphore, #tpu.memory_space<semaphore_mem>>) src(%arg19 : memref<128x16xf32, #tpu.memory_space<vmem>>) dst(%dma_wait3A_641 : memref<10240x16xf32, #tpu.memory_space<vmem_shared>>)
          tpu.yield
        }) : () -> ()
      } else {
      }
      %dma_wait3A_327 = arith.constant 384 : i32
      %dma_wait3A_328 = tpu.memref_slice %arg8[%dma_wait3A_327] : memref<1024xi32, #tpu.memory_space<vmem>> -> memref<128xi32, #tpu.memory_space<vmem>>
      %dma_wait3A_329 = arith.constant 0 : i32
      %dma_wait3A_330 = arith.constant 0 : i32
      %dma_wait3A_331 = tpu.memref_slice %arg2[%dma_wait3A_329, %dma_wait3A_330] : memref<20480x64xf32, #tpu.memory_space<hbm>> -> memref<20480x64xf32, #tpu.memory_space<hbm>>
      tpu.wait_indirect_dma semaphore(%arg16 : memref<!tpu.dma_semaphore, #tpu.memory_space<semaphore_mem>>) src(%dma_wait3A_331 : memref<20480x64xf32, #tpu.memory_space<hbm>>) dst(%arg13 : memref<128x64xf32, #tpu.memory_space<vmem>>)
      %dma_wait3A_332 = arith.constant 0 : i32
      %dma_wait3A_333 = arith.constant 0 : i32
      %dma_wait3A_334 = tpu.memref_slice %arg7[%dma_wait3A_332, %dma_wait3A_333] : memref<10240x64xf32, #tpu.memory_space<vmem_shared>> -> memref<10240x64xf32, #tpu.memory_space<vmem_shared>>
      tpu.wait_indirect_dma semaphore(%arg17 : memref<!tpu.dma_semaphore, #tpu.memory_space<semaphore_mem>>) src(%arg12 : memref<128x64xf32, #tpu.memory_space<vmem>>) dst(%dma_wait3A_334 : memref<10240x64xf32, #tpu.memory_space<vmem_shared>>)
      "tpu.region"() ({
        %run_scoped3A = tpu.sem_alloc : memref<!tpu.dma_semaphore, #tpu.memory_space<semaphore_mem>>
        %dma_start3A_636 = arith.constant 0 : i32
        %dma_start3A_637 = arith.constant 0 : i32
        %dma_start3A_638 = tpu.memref_slice %arg7[%dma_start3A_636, %dma_start3A_637] : memref<10240x64xf32, #tpu.memory_space<vmem_shared>> -> memref<10240x64xf32, #tpu.memory_space<vmem_shared>>
        tpu.enqueue_indirect_dma source(%arg13 : memref<128x64xf32, #tpu.memory_space<vmem>>) target(%dma_start3A_638 : memref<10240x64xf32, #tpu.memory_space<vmem_shared>>) offsets(%arg11 : memref<128xi32, #tpu.memory_space<vmem>>) semaphore(%run_scoped3A : memref<!tpu.dma_semaphore, #tpu.memory_space<semaphore_mem>>) {add = true}
        %dma_wait3A_639 = arith.constant 0 : i32
        %dma_wait3A_640 = arith.constant 0 : i32
        %dma_wait3A_641 = tpu.memref_slice %arg7[%dma_wait3A_639, %dma_wait3A_640] : memref<10240x64xf32, #tpu.memory_space<vmem_shared>> -> memref<10240x64xf32, #tpu.memory_space<vmem_shared>>
        tpu.wait_indirect_dma semaphore(%run_scoped3A : memref<!tpu.dma_semaphore, #tpu.memory_space<semaphore_mem>>) src(%arg13 : memref<128x64xf32, #tpu.memory_space<vmem>>) dst(%dma_wait3A_641 : memref<10240x64xf32, #tpu.memory_space<vmem_shared>>)
        tpu.yield
      }) : () -> ()
      %eq3A_335 = arith.constant 0 : i32
      %eq3A_336 = arith.cmpi eq, %arg0, %eq3A_335 : i32
      %convert_element_type3A_337 = arith.extui %eq3A_336 : i1 to i32
      %cond3A_338 = arith.constant 0 : i32
      %cond3A_339 = arith.cmpi ne, %convert_element_type3A_337, %cond3A_338 : i32
      scf.if %cond3A_339 {
        "tpu.region"() ({
          %run_scoped3A = tpu.sem_alloc : memref<!tpu.dma_semaphore, #tpu.memory_space<semaphore_mem>>
          %dma_start3A_636 = arith.constant 0 : i32
          %dma_start3A_637 = arith.constant 0 : i32
          %dma_start3A_638 = tpu.memref_slice %arg18[%dma_start3A_636, %dma_start3A_637] : memref<10240x16xf32, #tpu.memory_space<vmem_shared>> -> memref<10240x16xf32, #tpu.memory_space<vmem_shared>>
          tpu.enqueue_indirect_dma source(%arg19 : memref<128x16xf32, #tpu.memory_space<vmem>>) target(%dma_start3A_638 : memref<10240x16xf32, #tpu.memory_space<vmem_shared>>) offsets(%arg11 : memref<128xi32, #tpu.memory_space<vmem>>) semaphore(%run_scoped3A : memref<!tpu.dma_semaphore, #tpu.memory_space<semaphore_mem>>) {add = true}
          %dma_wait3A_639 = arith.constant 0 : i32
          %dma_wait3A_640 = arith.constant 0 : i32
          %dma_wait3A_641 = tpu.memref_slice %arg18[%dma_wait3A_639, %dma_wait3A_640] : memref<10240x16xf32, #tpu.memory_space<vmem_shared>> -> memref<10240x16xf32, #tpu.memory_space<vmem_shared>>
          tpu.wait_indirect_dma semaphore(%run_scoped3A : memref<!tpu.dma_semaphore, #tpu.memory_space<semaphore_mem>>) src(%arg19 : memref<128x16xf32, #tpu.memory_space<vmem>>) dst(%dma_wait3A_641 : memref<10240x16xf32, #tpu.memory_space<vmem_shared>>)
          tpu.yield
        }) : () -> ()
      } else {
      }
      %get3A_340 = arith.constant 512 : index
      %get3A_341 = tpu.vector_load %arg9[%get3A_340] {strides = array<i32>} : memref<1024xi32, #tpu.memory_space<vmem>>, vector<16xi32>,
      %get3A_342 = vector.shape_cast %get3A_341 : vector<16xi32> to vector<16xi32>
      %swap3A_343 = arith.constant 0 : index
      %swap3A_344 = tpu.vector_load %arg10[%swap3A_343] {strides = array<i32>} : memref<128xi32, #tpu.memory_space<vmem>>, vector<16xi32>,
      %swap3A_345 = vector.shape_cast %swap3A_344 : vector<16xi32> to vector<16xi32>
      %swap3A_346 = vector.shape_cast %get3A_342 : vector<16xi32> to vector<16xi32>
      tpu.vector_store %arg10[%swap3A_343], %swap3A_346 {strides = array<i32>} : memref<128xi32, #tpu.memory_space<vmem>>, vector<16xi32>,
      %get3A_347 = arith.constant 528 : index
      %get3A_348 = tpu.vector_load %arg9[%get3A_347] {strides = array<i32>} : memref<1024xi32, #tpu.memory_space<vmem>>, vector<16xi32>,
      %get3A_349 = vector.shape_cast %get3A_348 : vector<16xi32> to vector<16xi32>
      %swap3A_350 = arith.constant 16 : index
      %swap3A_351 = tpu.vector_load %arg10[%swap3A_350] {strides = array<i32>} : memref<128xi32, #tpu.memory_space<vmem>>, vector<16xi32>,
      %swap3A_352 = vector.shape_cast %swap3A_351 : vector<16xi32> to vector<16xi32>
      %swap3A_353 = vector.shape_cast %get3A_349 : vector<16xi32> to vector<16xi32>
      tpu.vector_store %arg10[%swap3A_350], %swap3A_353 {strides = array<i32>} : memref<128xi32, #tpu.memory_space<vmem>>, vector<16xi32>,
      %get3A_354 = arith.constant 544 : index
      %get3A_355 = tpu.vector_load %arg9[%get3A_354] {strides = array<i32>} : memref<1024xi32, #tpu.memory_space<vmem>>, vector<16xi32>,
      %get3A_356 = vector.shape_cast %get3A_355 : vector<16xi32> to vector<16xi32>
      %swap3A_357 = arith.constant 32 : index
      %swap3A_358 = tpu.vector_load %arg10[%swap3A_357] {strides = array<i32>} : memref<128xi32, #tpu.memory_space<vmem>>, vector<16xi32>,
      %swap3A_359 = vector.shape_cast %swap3A_358 : vector<16xi32> to vector<16xi32>
      %swap3A_360 = vector.shape_cast %get3A_356 : vector<16xi32> to vector<16xi32>
      tpu.vector_store %arg10[%swap3A_357], %swap3A_360 {strides = array<i32>} : memref<128xi32, #tpu.memory_space<vmem>>, vector<16xi32>,
      %get3A_361 = arith.constant 560 : index
      %get3A_362 = tpu.vector_load %arg9[%get3A_361] {strides = array<i32>} : memref<1024xi32, #tpu.memory_space<vmem>>, vector<16xi32>,
      %get3A_363 = vector.shape_cast %get3A_362 : vector<16xi32> to vector<16xi32>
      %swap3A_364 = arith.constant 48 : index
      %swap3A_365 = tpu.vector_load %arg10[%swap3A_364] {strides = array<i32>} : memref<128xi32, #tpu.memory_space<vmem>>, vector<16xi32>,
      %swap3A_366 = vector.shape_cast %swap3A_365 : vector<16xi32> to vector<16xi32>
      %swap3A_367 = vector.shape_cast %get3A_363 : vector<16xi32> to vector<16xi32>
      tpu.vector_store %arg10[%swap3A_364], %swap3A_367 {strides = array<i32>} : memref<128xi32, #tpu.memory_space<vmem>>, vector<16xi32>,
      %get3A_368 = arith.constant 576 : index
      %get3A_369 = tpu.vector_load %arg9[%get3A_368] {strides = array<i32>} : memref<1024xi32, #tpu.memory_space<vmem>>, vector<16xi32>,
      %get3A_370 = vector.shape_cast %get3A_369 : vector<16xi32> to vector<16xi32>
      %swap3A_371 = arith.constant 64 : index
      %swap3A_372 = tpu.vector_load %arg10[%swap3A_371] {strides = array<i32>} : memref<128xi32, #tpu.memory_space<vmem>>, vector<16xi32>,
      %swap3A_373 = vector.shape_cast %swap3A_372 : vector<16xi32> to vector<16xi32>
      %swap3A_374 = vector.shape_cast %get3A_370 : vector<16xi32> to vector<16xi32>
      tpu.vector_store %arg10[%swap3A_371], %swap3A_374 {strides = array<i32>} : memref<128xi32, #tpu.memory_space<vmem>>, vector<16xi32>,
      %get3A_375 = arith.constant 592 : index
      %get3A_376 = tpu.vector_load %arg9[%get3A_375] {strides = array<i32>} : memref<1024xi32, #tpu.memory_space<vmem>>, vector<16xi32>,
      %get3A_377 = vector.shape_cast %get3A_376 : vector<16xi32> to vector<16xi32>
      %swap3A_378 = arith.constant 80 : index
      %swap3A_379 = tpu.vector_load %arg10[%swap3A_378] {strides = array<i32>} : memref<128xi32, #tpu.memory_space<vmem>>, vector<16xi32>,
      %swap3A_380 = vector.shape_cast %swap3A_379 : vector<16xi32> to vector<16xi32>
      %swap3A_381 = vector.shape_cast %get3A_377 : vector<16xi32> to vector<16xi32>
      tpu.vector_store %arg10[%swap3A_378], %swap3A_381 {strides = array<i32>} : memref<128xi32, #tpu.memory_space<vmem>>, vector<16xi32>,
      %get3A_382 = arith.constant 608 : index
      %get3A_383 = tpu.vector_load %arg9[%get3A_382] {strides = array<i32>} : memref<1024xi32, #tpu.memory_space<vmem>>, vector<16xi32>,
      %get3A_384 = vector.shape_cast %get3A_383 : vector<16xi32> to vector<16xi32>
      %swap3A_385 = arith.constant 96 : index
      %swap3A_386 = tpu.vector_load %arg10[%swap3A_385] {strides = array<i32>} : memref<128xi32, #tpu.memory_space<vmem>>, vector<16xi32>,
      %swap3A_387 = vector.shape_cast %swap3A_386 : vector<16xi32> to vector<16xi32>
      %swap3A_388 = vector.shape_cast %get3A_384 : vector<16xi32> to vector<16xi32>
      tpu.vector_store %arg10[%swap3A_385], %swap3A_388 {strides = array<i32>} : memref<128xi32, #tpu.memory_space<vmem>>, vector<16xi32>,
      %get3A_389 = arith.constant 624 : index
      %get3A_390 = tpu.vector_load %arg9[%get3A_389] {strides = array<i32>} : memref<1024xi32, #tpu.memory_space<vmem>>, vector<16xi32>,
      %get3A_391 = vector.shape_cast %get3A_390 : vector<16xi32> to vector<16xi32>
      %swap3A_392 = arith.constant 112 : index
      %swap3A_393 = tpu.vector_load %arg10[%swap3A_392] {strides = array<i32>} : memref<128xi32, #tpu.memory_space<vmem>>, vector<16xi32>,
      %swap3A_394 = vector.shape_cast %swap3A_393 : vector<16xi32> to vector<16xi32>
      %swap3A_395 = vector.shape_cast %get3A_391 : vector<16xi32> to vector<16xi32>
      tpu.vector_store %arg10[%swap3A_392], %swap3A_395 {strides = array<i32>} : memref<128xi32, #tpu.memory_space<vmem>>, vector<16xi32>,
      %dma_start3A_396 = arith.constant 512 : i32
      %dma_start3A_397 = tpu.memref_slice %arg8[%dma_start3A_396] : memref<1024xi32, #tpu.memory_space<vmem>> -> memref<128xi32, #tpu.memory_space<vmem>>
      %dma_start3A_398 = arith.constant 0 : i32
      %dma_start3A_399 = arith.constant 0 : i32
      %dma_start3A_400 = tpu.memref_slice %arg2[%dma_start3A_398, %dma_start3A_399] : memref<20480x64xf32, #tpu.memory_space<hbm>> -> memref<20480x64xf32, #tpu.memory_space<hbm>>
      tpu.enqueue_indirect_dma source(%dma_start3A_400 : memref<20480x64xf32, #tpu.memory_space<hbm>>) target(%arg12 : memref<128x64xf32, #tpu.memory_space<vmem>>) offsets(%dma_start3A_397 : memref<128xi32, #tpu.memory_space<vmem>>) semaphore(%arg15 : memref<!tpu.dma_semaphore, #tpu.memory_space<semaphore_mem>>)
      %get3A_401 = arith.constant 640 : index
      %get3A_402 = tpu.vector_load %arg9[%get3A_401] {strides = array<i32>} : memref<1024xi32, #tpu.memory_space<vmem>>, vector<16xi32>,
      %get3A_403 = vector.shape_cast %get3A_402 : vector<16xi32> to vector<16xi32>
      %swap3A_404 = arith.constant 0 : index
      %swap3A_405 = tpu.vector_load %arg11[%swap3A_404] {strides = array<i32>} : memref<128xi32, #tpu.memory_space<vmem>>, vector<16xi32>,
      %swap3A_406 = vector.shape_cast %swap3A_405 : vector<16xi32> to vector<16xi32>
      %swap3A_407 = vector.shape_cast %get3A_403 : vector<16xi32> to vector<16xi32>
      tpu.vector_store %arg11[%swap3A_404], %swap3A_407 {strides = array<i32>} : memref<128xi32, #tpu.memory_space<vmem>>, vector<16xi32>,
      %get3A_408 = arith.constant 656 : index
      %get3A_409 = tpu.vector_load %arg9[%get3A_408] {strides = array<i32>} : memref<1024xi32, #tpu.memory_space<vmem>>, vector<16xi32>,
      %get3A_410 = vector.shape_cast %get3A_409 : vector<16xi32> to vector<16xi32>
      %swap3A_411 = arith.constant 16 : index
      %swap3A_412 = tpu.vector_load %arg11[%swap3A_411] {strides = array<i32>} : memref<128xi32, #tpu.memory_space<vmem>>, vector<16xi32>,
      %swap3A_413 = vector.shape_cast %swap3A_412 : vector<16xi32> to vector<16xi32>
      %swap3A_414 = vector.shape_cast %get3A_410 : vector<16xi32> to vector<16xi32>
      tpu.vector_store %arg11[%swap3A_411], %swap3A_414 {strides = array<i32>} : memref<128xi32, #tpu.memory_space<vmem>>, vector<16xi32>,
      %get3A_415 = arith.constant 672 : index
      %get3A_416 = tpu.vector_load %arg9[%get3A_415] {strides = array<i32>} : memref<1024xi32, #tpu.memory_space<vmem>>, vector<16xi32>,
      %get3A_417 = vector.shape_cast %get3A_416 : vector<16xi32> to vector<16xi32>
      %swap3A_418 = arith.constant 32 : index
      %swap3A_419 = tpu.vector_load %arg11[%swap3A_418] {strides = array<i32>} : memref<128xi32, #tpu.memory_space<vmem>>, vector<16xi32>,
      %swap3A_420 = vector.shape_cast %swap3A_419 : vector<16xi32> to vector<16xi32>
      %swap3A_421 = vector.shape_cast %get3A_417 : vector<16xi32> to vector<16xi32>
      tpu.vector_store %arg11[%swap3A_418], %swap3A_421 {strides = array<i32>} : memref<128xi32, #tpu.memory_space<vmem>>, vector<16xi32>,
      %get3A_422 = arith.constant 688 : index
      %get3A_423 = tpu.vector_load %arg9[%get3A_422] {strides = array<i32>} : memref<1024xi32, #tpu.memory_space<vmem>>, vector<16xi32>,
      %get3A_424 = vector.shape_cast %get3A_423 : vector<16xi32> to vector<16xi32>
      %swap3A_425 = arith.constant 48 : index
      %swap3A_426 = tpu.vector_load %arg11[%swap3A_425] {strides = array<i32>} : memref<128xi32, #tpu.memory_space<vmem>>, vector<16xi32>,
      %swap3A_427 = vector.shape_cast %swap3A_426 : vector<16xi32> to vector<16xi32>
      %swap3A_428 = vector.shape_cast %get3A_424 : vector<16xi32> to vector<16xi32>
      tpu.vector_store %arg11[%swap3A_425], %swap3A_428 {strides = array<i32>} : memref<128xi32, #tpu.memory_space<vmem>>, vector<16xi32>,
      %get3A_429 = arith.constant 704 : index
      %get3A_430 = tpu.vector_load %arg9[%get3A_429] {strides = array<i32>} : memref<1024xi32, #tpu.memory_space<vmem>>, vector<16xi32>,
      %get3A_431 = vector.shape_cast %get3A_430 : vector<16xi32> to vector<16xi32>
      %swap3A_432 = arith.constant 64 : index
      %swap3A_433 = tpu.vector_load %arg11[%swap3A_432] {strides = array<i32>} : memref<128xi32, #tpu.memory_space<vmem>>, vector<16xi32>,
      %swap3A_434 = vector.shape_cast %swap3A_433 : vector<16xi32> to vector<16xi32>
      %swap3A_435 = vector.shape_cast %get3A_431 : vector<16xi32> to vector<16xi32>
      tpu.vector_store %arg11[%swap3A_432], %swap3A_435 {strides = array<i32>} : memref<128xi32, #tpu.memory_space<vmem>>, vector<16xi32>,
      %get3A_436 = arith.constant 720 : index
      %get3A_437 = tpu.vector_load %arg9[%get3A_436] {strides = array<i32>} : memref<1024xi32, #tpu.memory_space<vmem>>, vector<16xi32>,
      %get3A_438 = vector.shape_cast %get3A_437 : vector<16xi32> to vector<16xi32>
      %swap3A_439 = arith.constant 80 : index
      %swap3A_440 = tpu.vector_load %arg11[%swap3A_439] {strides = array<i32>} : memref<128xi32, #tpu.memory_space<vmem>>, vector<16xi32>,
      %swap3A_441 = vector.shape_cast %swap3A_440 : vector<16xi32> to vector<16xi32>
      %swap3A_442 = vector.shape_cast %get3A_438 : vector<16xi32> to vector<16xi32>
      tpu.vector_store %arg11[%swap3A_439], %swap3A_442 {strides = array<i32>} : memref<128xi32, #tpu.memory_space<vmem>>, vector<16xi32>,
      %get3A_443 = arith.constant 736 : index
      %get3A_444 = tpu.vector_load %arg9[%get3A_443] {strides = array<i32>} : memref<1024xi32, #tpu.memory_space<vmem>>, vector<16xi32>,
      %get3A_445 = vector.shape_cast %get3A_444 : vector<16xi32> to vector<16xi32>
      %swap3A_446 = arith.constant 96 : index
      %swap3A_447 = tpu.vector_load %arg11[%swap3A_446] {strides = array<i32>} : memref<128xi32, #tpu.memory_space<vmem>>, vector<16xi32>,
      %swap3A_448 = vector.shape_cast %swap3A_447 : vector<16xi32> to vector<16xi32>
      %swap3A_449 = vector.shape_cast %get3A_445 : vector<16xi32> to vector<16xi32>
      tpu.vector_store %arg11[%swap3A_446], %swap3A_449 {strides = array<i32>} : memref<128xi32, #tpu.memory_space<vmem>>, vector<16xi32>,
      %get3A_450 = arith.constant 752 : index
      %get3A_451 = tpu.vector_load %arg9[%get3A_450] {strides = array<i32>} : memref<1024xi32, #tpu.memory_space<vmem>>, vector<16xi32>,
      %get3A_452 = vector.shape_cast %get3A_451 : vector<16xi32> to vector<16xi32>
      %swap3A_453 = arith.constant 112 : index
      %swap3A_454 = tpu.vector_load %arg11[%swap3A_453] {strides = array<i32>} : memref<128xi32, #tpu.memory_space<vmem>>, vector<16xi32>,
      %swap3A_455 = vector.shape_cast %swap3A_454 : vector<16xi32> to vector<16xi32>
      %swap3A_456 = vector.shape_cast %get3A_452 : vector<16xi32> to vector<16xi32>
      tpu.vector_store %arg11[%swap3A_453], %swap3A_456 {strides = array<i32>} : memref<128xi32, #tpu.memory_space<vmem>>, vector<16xi32>,
      %dma_start3A_457 = arith.constant 640 : i32
      %dma_start3A_458 = tpu.memref_slice %arg8[%dma_start3A_457] : memref<1024xi32, #tpu.memory_space<vmem>> -> memref<128xi32, #tpu.memory_space<vmem>>
      %dma_start3A_459 = arith.constant 0 : i32
      %dma_start3A_460 = arith.constant 0 : i32
      %dma_start3A_461 = tpu.memref_slice %arg2[%dma_start3A_459, %dma_start3A_460] : memref<20480x64xf32, #tpu.memory_space<hbm>> -> memref<20480x64xf32, #tpu.memory_space<hbm>>
      tpu.enqueue_indirect_dma source(%dma_start3A_461 : memref<20480x64xf32, #tpu.memory_space<hbm>>) target(%arg13 : memref<128x64xf32, #tpu.memory_space<vmem>>) offsets(%dma_start3A_458 : memref<128xi32, #tpu.memory_space<vmem>>) semaphore(%arg16 : memref<!tpu.dma_semaphore, #tpu.memory_space<semaphore_mem>>)
      %dma_wait3A_462 = arith.constant 512 : i32
      %dma_wait3A_463 = tpu.memref_slice %arg8[%dma_wait3A_462] : memref<1024xi32, #tpu.memory_space<vmem>> -> memref<128xi32, #tpu.memory_space<vmem>>
      %dma_wait3A_464 = arith.constant 0 : i32
      %dma_wait3A_465 = arith.constant 0 : i32
      %dma_wait3A_466 = tpu.memref_slice %arg2[%dma_wait3A_464, %dma_wait3A_465] : memref<20480x64xf32, #tpu.memory_space<hbm>> -> memref<20480x64xf32, #tpu.memory_space<hbm>>
      tpu.wait_indirect_dma semaphore(%arg15 : memref<!tpu.dma_semaphore, #tpu.memory_space<semaphore_mem>>) src(%dma_wait3A_466 : memref<20480x64xf32, #tpu.memory_space<hbm>>) dst(%arg12 : memref<128x64xf32, #tpu.memory_space<vmem>>)
      %dma_start3A_467 = arith.constant 0 : i32
      %dma_start3A_468 = arith.constant 0 : i32
      %dma_start3A_469 = tpu.memref_slice %arg7[%dma_start3A_467, %dma_start3A_468] : memref<10240x64xf32, #tpu.memory_space<vmem_shared>> -> memref<10240x64xf32, #tpu.memory_space<vmem_shared>>
      tpu.enqueue_indirect_dma source(%arg12 : memref<128x64xf32, #tpu.memory_space<vmem>>) target(%dma_start3A_469 : memref<10240x64xf32, #tpu.memory_space<vmem_shared>>) offsets(%arg10 : memref<128xi32, #tpu.memory_space<vmem>>) semaphore(%arg17 : memref<!tpu.dma_semaphore, #tpu.memory_space<semaphore_mem>>) {add = true}
      %eq3A_470 = arith.constant 0 : i32
      %eq3A_471 = arith.cmpi eq, %arg0, %eq3A_470 : i32
      %convert_element_type3A_472 = arith.extui %eq3A_471 : i1 to i32
      %cond3A_473 = arith.constant 0 : i32
      %cond3A_474 = arith.cmpi ne, %convert_element_type3A_472, %cond3A_473 : i32
      scf.if %cond3A_474 {
        "tpu.region"() ({
          %run_scoped3A = tpu.sem_alloc : memref<!tpu.dma_semaphore, #tpu.memory_space<semaphore_mem>>
          %dma_start3A_636 = arith.constant 0 : i32
          %dma_start3A_637 = arith.constant 0 : i32
          %dma_start3A_638 = tpu.memref_slice %arg18[%dma_start3A_636, %dma_start3A_637] : memref<10240x16xf32, #tpu.memory_space<vmem_shared>> -> memref<10240x16xf32, #tpu.memory_space<vmem_shared>>
          tpu.enqueue_indirect_dma source(%arg19 : memref<128x16xf32, #tpu.memory_space<vmem>>) target(%dma_start3A_638 : memref<10240x16xf32, #tpu.memory_space<vmem_shared>>) offsets(%arg10 : memref<128xi32, #tpu.memory_space<vmem>>) semaphore(%run_scoped3A : memref<!tpu.dma_semaphore, #tpu.memory_space<semaphore_mem>>) {add = true}
          %dma_wait3A_639 = arith.constant 0 : i32
          %dma_wait3A_640 = arith.constant 0 : i32
          %dma_wait3A_641 = tpu.memref_slice %arg18[%dma_wait3A_639, %dma_wait3A_640] : memref<10240x16xf32, #tpu.memory_space<vmem_shared>> -> memref<10240x16xf32, #tpu.memory_space<vmem_shared>>
          tpu.wait_indirect_dma semaphore(%run_scoped3A : memref<!tpu.dma_semaphore, #tpu.memory_space<semaphore_mem>>) src(%arg19 : memref<128x16xf32, #tpu.memory_space<vmem>>) dst(%dma_wait3A_641 : memref<10240x16xf32, #tpu.memory_space<vmem_shared>>)
          tpu.yield
        }) : () -> ()
      } else {
      }
      %dma_wait3A_475 = arith.constant 640 : i32
      %dma_wait3A_476 = tpu.memref_slice %arg8[%dma_wait3A_475] : memref<1024xi32, #tpu.memory_space<vmem>> -> memref<128xi32, #tpu.memory_space<vmem>>
      %dma_wait3A_477 = arith.constant 0 : i32
      %dma_wait3A_478 = arith.constant 0 : i32
      %dma_wait3A_479 = tpu.memref_slice %arg2[%dma_wait3A_477, %dma_wait3A_478] : memref<20480x64xf32, #tpu.memory_space<hbm>> -> memref<20480x64xf32, #tpu.memory_space<hbm>>
      tpu.wait_indirect_dma semaphore(%arg16 : memref<!tpu.dma_semaphore, #tpu.memory_space<semaphore_mem>>) src(%dma_wait3A_479 : memref<20480x64xf32, #tpu.memory_space<hbm>>) dst(%arg13 : memref<128x64xf32, #tpu.memory_space<vmem>>)
      %dma_wait3A_480 = arith.constant 0 : i32
      %dma_wait3A_481 = arith.constant 0 : i32
      %dma_wait3A_482 = tpu.memref_slice %arg7[%dma_wait3A_480, %dma_wait3A_481] : memref<10240x64xf32, #tpu.memory_space<vmem_shared>> -> memref<10240x64xf32, #tpu.memory_space<vmem_shared>>
      tpu.wait_indirect_dma semaphore(%arg17 : memref<!tpu.dma_semaphore, #tpu.memory_space<semaphore_mem>>) src(%arg12 : memref<128x64xf32, #tpu.memory_space<vmem>>) dst(%dma_wait3A_482 : memref<10240x64xf32, #tpu.memory_space<vmem_shared>>)
      "tpu.region"() ({
        %run_scoped3A = tpu.sem_alloc : memref<!tpu.dma_semaphore, #tpu.memory_space<semaphore_mem>>
        %dma_start3A_636 = arith.constant 0 : i32
        %dma_start3A_637 = arith.constant 0 : i32
        %dma_start3A_638 = tpu.memref_slice %arg7[%dma_start3A_636, %dma_start3A_637] : memref<10240x64xf32, #tpu.memory_space<vmem_shared>> -> memref<10240x64xf32, #tpu.memory_space<vmem_shared>>
        tpu.enqueue_indirect_dma source(%arg13 : memref<128x64xf32, #tpu.memory_space<vmem>>) target(%dma_start3A_638 : memref<10240x64xf32, #tpu.memory_space<vmem_shared>>) offsets(%arg11 : memref<128xi32, #tpu.memory_space<vmem>>) semaphore(%run_scoped3A : memref<!tpu.dma_semaphore, #tpu.memory_space<semaphore_mem>>) {add = true}
        %dma_wait3A_639 = arith.constant 0 : i32
        %dma_wait3A_640 = arith.constant 0 : i32
        %dma_wait3A_641 = tpu.memref_slice %arg7[%dma_wait3A_639, %dma_wait3A_640] : memref<10240x64xf32, #tpu.memory_space<vmem_shared>> -> memref<10240x64xf32, #tpu.memory_space<vmem_shared>>
        tpu.wait_indirect_dma semaphore(%run_scoped3A : memref<!tpu.dma_semaphore, #tpu.memory_space<semaphore_mem>>) src(%arg13 : memref<128x64xf32, #tpu.memory_space<vmem>>) dst(%dma_wait3A_641 : memref<10240x64xf32, #tpu.memory_space<vmem_shared>>)
        tpu.yield
      }) : () -> ()
      %eq3A_483 = arith.constant 0 : i32
      %eq3A_484 = arith.cmpi eq, %arg0, %eq3A_483 : i32
      %convert_element_type3A_485 = arith.extui %eq3A_484 : i1 to i32
      %cond3A_486 = arith.constant 0 : i32
      %cond3A_487 = arith.cmpi ne, %convert_element_type3A_485, %cond3A_486 : i32
      scf.if %cond3A_487 {
        "tpu.region"() ({
          %run_scoped3A = tpu.sem_alloc : memref<!tpu.dma_semaphore, #tpu.memory_space<semaphore_mem>>
          %dma_start3A_636 = arith.constant 0 : i32
          %dma_start3A_637 = arith.constant 0 : i32
          %dma_start3A_638 = tpu.memref_slice %arg18[%dma_start3A_636, %dma_start3A_637] : memref<10240x16xf32, #tpu.memory_space<vmem_shared>> -> memref<10240x16xf32, #tpu.memory_space<vmem_shared>>
          tpu.enqueue_indirect_dma source(%arg19 : memref<128x16xf32, #tpu.memory_space<vmem>>) target(%dma_start3A_638 : memref<10240x16xf32, #tpu.memory_space<vmem_shared>>) offsets(%arg11 : memref<128xi32, #tpu.memory_space<vmem>>) semaphore(%run_scoped3A : memref<!tpu.dma_semaphore, #tpu.memory_space<semaphore_mem>>) {add = true}
          %dma_wait3A_639 = arith.constant 0 : i32
          %dma_wait3A_640 = arith.constant 0 : i32
          %dma_wait3A_641 = tpu.memref_slice %arg18[%dma_wait3A_639, %dma_wait3A_640] : memref<10240x16xf32, #tpu.memory_space<vmem_shared>> -> memref<10240x16xf32, #tpu.memory_space<vmem_shared>>
          tpu.wait_indirect_dma semaphore(%run_scoped3A : memref<!tpu.dma_semaphore, #tpu.memory_space<semaphore_mem>>) src(%arg19 : memref<128x16xf32, #tpu.memory_space<vmem>>) dst(%dma_wait3A_641 : memref<10240x16xf32, #tpu.memory_space<vmem_shared>>)
          tpu.yield
        }) : () -> ()
      } else {
      }
      %get3A_488 = arith.constant 768 : index
      %get3A_489 = tpu.vector_load %arg9[%get3A_488] {strides = array<i32>} : memref<1024xi32, #tpu.memory_space<vmem>>, vector<16xi32>,
      %get3A_490 = vector.shape_cast %get3A_489 : vector<16xi32> to vector<16xi32>
      %swap3A_491 = arith.constant 0 : index
      %swap3A_492 = tpu.vector_load %arg10[%swap3A_491] {strides = array<i32>} : memref<128xi32, #tpu.memory_space<vmem>>, vector<16xi32>,
      %swap3A_493 = vector.shape_cast %swap3A_492 : vector<16xi32> to vector<16xi32>
      %swap3A_494 = vector.shape_cast %get3A_490 : vector<16xi32> to vector<16xi32>
      tpu.vector_store %arg10[%swap3A_491], %swap3A_494 {strides = array<i32>} : memref<128xi32, #tpu.memory_space<vmem>>, vector<16xi32>,
      %get3A_495 = arith.constant 784 : index
      %get3A_496 = tpu.vector_load %arg9[%get3A_495] {strides = array<i32>} : memref<1024xi32, #tpu.memory_space<vmem>>, vector<16xi32>,
      %get3A_497 = vector.shape_cast %get3A_496 : vector<16xi32> to vector<16xi32>
      %swap3A_498 = arith.constant 16 : index
      %swap3A_499 = tpu.vector_load %arg10[%swap3A_498] {strides = array<i32>} : memref<128xi32, #tpu.memory_space<vmem>>, vector<16xi32>,
      %swap3A_500 = vector.shape_cast %swap3A_499 : vector<16xi32> to vector<16xi32>
      %swap3A_501 = vector.shape_cast %get3A_497 : vector<16xi32> to vector<16xi32>
      tpu.vector_store %arg10[%swap3A_498], %swap3A_501 {strides = array<i32>} : memref<128xi32, #tpu.memory_space<vmem>>, vector<16xi32>,
      %get3A_502 = arith.constant 800 : index
      %get3A_503 = tpu.vector_load %arg9[%get3A_502] {strides = array<i32>} : memref<1024xi32, #tpu.memory_space<vmem>>, vector<16xi32>,
      %get3A_504 = vector.shape_cast %get3A_503 : vector<16xi32> to vector<16xi32>
      %swap3A_505 = arith.constant 32 : index
      %swap3A_506 = tpu.vector_load %arg10[%swap3A_505] {strides = array<i32>} : memref<128xi32, #tpu.memory_space<vmem>>, vector<16xi32>,
      %swap3A_507 = vector.shape_cast %swap3A_506 : vector<16xi32> to vector<16xi32>
      %swap3A_508 = vector.shape_cast %get3A_504 : vector<16xi32> to vector<16xi32>
      tpu.vector_store %arg10[%swap3A_505], %swap3A_508 {strides = array<i32>} : memref<128xi32, #tpu.memory_space<vmem>>, vector<16xi32>,
      %get3A_509 = arith.constant 816 : index
      %get3A_510 = tpu.vector_load %arg9[%get3A_509] {strides = array<i32>} : memref<1024xi32, #tpu.memory_space<vmem>>, vector<16xi32>,
      %get3A_511 = vector.shape_cast %get3A_510 : vector<16xi32> to vector<16xi32>
      %swap3A_512 = arith.constant 48 : index
      %swap3A_513 = tpu.vector_load %arg10[%swap3A_512] {strides = array<i32>} : memref<128xi32, #tpu.memory_space<vmem>>, vector<16xi32>,
      %swap3A_514 = vector.shape_cast %swap3A_513 : vector<16xi32> to vector<16xi32>
      %swap3A_515 = vector.shape_cast %get3A_511 : vector<16xi32> to vector<16xi32>
      tpu.vector_store %arg10[%swap3A_512], %swap3A_515 {strides = array<i32>} : memref<128xi32, #tpu.memory_space<vmem>>, vector<16xi32>,
      %get3A_516 = arith.constant 832 : index
      %get3A_517 = tpu.vector_load %arg9[%get3A_516] {strides = array<i32>} : memref<1024xi32, #tpu.memory_space<vmem>>, vector<16xi32>,
      %get3A_518 = vector.shape_cast %get3A_517 : vector<16xi32> to vector<16xi32>
      %swap3A_519 = arith.constant 64 : index
      %swap3A_520 = tpu.vector_load %arg10[%swap3A_519] {strides = array<i32>} : memref<128xi32, #tpu.memory_space<vmem>>, vector<16xi32>,
      %swap3A_521 = vector.shape_cast %swap3A_520 : vector<16xi32> to vector<16xi32>
      %swap3A_522 = vector.shape_cast %get3A_518 : vector<16xi32> to vector<16xi32>
      tpu.vector_store %arg10[%swap3A_519], %swap3A_522 {strides = array<i32>} : memref<128xi32, #tpu.memory_space<vmem>>, vector<16xi32>,
      %get3A_523 = arith.constant 848 : index
      %get3A_524 = tpu.vector_load %arg9[%get3A_523] {strides = array<i32>} : memref<1024xi32, #tpu.memory_space<vmem>>, vector<16xi32>,
      %get3A_525 = vector.shape_cast %get3A_524 : vector<16xi32> to vector<16xi32>
      %swap3A_526 = arith.constant 80 : index
      %swap3A_527 = tpu.vector_load %arg10[%swap3A_526] {strides = array<i32>} : memref<128xi32, #tpu.memory_space<vmem>>, vector<16xi32>,
      %swap3A_528 = vector.shape_cast %swap3A_527 : vector<16xi32> to vector<16xi32>
      %swap3A_529 = vector.shape_cast %get3A_525 : vector<16xi32> to vector<16xi32>
      tpu.vector_store %arg10[%swap3A_526], %swap3A_529 {strides = array<i32>} : memref<128xi32, #tpu.memory_space<vmem>>, vector<16xi32>,
      %get3A_530 = arith.constant 864 : index
      %get3A_531 = tpu.vector_load %arg9[%get3A_530] {strides = array<i32>} : memref<1024xi32, #tpu.memory_space<vmem>>, vector<16xi32>,
      %get3A_532 = vector.shape_cast %get3A_531 : vector<16xi32> to vector<16xi32>
      %swap3A_533 = arith.constant 96 : index
      %swap3A_534 = tpu.vector_load %arg10[%swap3A_533] {strides = array<i32>} : memref<128xi32, #tpu.memory_space<vmem>>, vector<16xi32>,
      %swap3A_535 = vector.shape_cast %swap3A_534 : vector<16xi32> to vector<16xi32>
      %swap3A_536 = vector.shape_cast %get3A_532 : vector<16xi32> to vector<16xi32>
      tpu.vector_store %arg10[%swap3A_533], %swap3A_536 {strides = array<i32>} : memref<128xi32, #tpu.memory_space<vmem>>, vector<16xi32>,
      %get3A_537 = arith.constant 880 : index
      %get3A_538 = tpu.vector_load %arg9[%get3A_537] {strides = array<i32>} : memref<1024xi32, #tpu.memory_space<vmem>>, vector<16xi32>,
      %get3A_539 = vector.shape_cast %get3A_538 : vector<16xi32> to vector<16xi32>
      %swap3A_540 = arith.constant 112 : index
      %swap3A_541 = tpu.vector_load %arg10[%swap3A_540] {strides = array<i32>} : memref<128xi32, #tpu.memory_space<vmem>>, vector<16xi32>,
      %swap3A_542 = vector.shape_cast %swap3A_541 : vector<16xi32> to vector<16xi32>
      %swap3A_543 = vector.shape_cast %get3A_539 : vector<16xi32> to vector<16xi32>
      tpu.vector_store %arg10[%swap3A_540], %swap3A_543 {strides = array<i32>} : memref<128xi32, #tpu.memory_space<vmem>>, vector<16xi32>,
      %dma_start3A_544 = arith.constant 768 : i32
      %dma_start3A_545 = tpu.memref_slice %arg8[%dma_start3A_544] : memref<1024xi32, #tpu.memory_space<vmem>> -> memref<128xi32, #tpu.memory_space<vmem>>
      %dma_start3A_546 = arith.constant 0 : i32
      %dma_start3A_547 = arith.constant 0 : i32
      %dma_start3A_548 = tpu.memref_slice %arg2[%dma_start3A_546, %dma_start3A_547] : memref<20480x64xf32, #tpu.memory_space<hbm>> -> memref<20480x64xf32, #tpu.memory_space<hbm>>
      tpu.enqueue_indirect_dma source(%dma_start3A_548 : memref<20480x64xf32, #tpu.memory_space<hbm>>) target(%arg12 : memref<128x64xf32, #tpu.memory_space<vmem>>) offsets(%dma_start3A_545 : memref<128xi32, #tpu.memory_space<vmem>>) semaphore(%arg15 : memref<!tpu.dma_semaphore, #tpu.memory_space<semaphore_mem>>)
      %get3A_549 = arith.constant 896 : index
      %get3A_550 = tpu.vector_load %arg9[%get3A_549] {strides = array<i32>} : memref<1024xi32, #tpu.memory_space<vmem>>, vector<16xi32>,
      %get3A_551 = vector.shape_cast %get3A_550 : vector<16xi32> to vector<16xi32>
      %swap3A_552 = arith.constant 0 : index
      %swap3A_553 = tpu.vector_load %arg11[%swap3A_552] {strides = array<i32>} : memref<128xi32, #tpu.memory_space<vmem>>, vector<16xi32>,
      %swap3A_554 = vector.shape_cast %swap3A_553 : vector<16xi32> to vector<16xi32>
      %swap3A_555 = vector.shape_cast %get3A_551 : vector<16xi32> to vector<16xi32>
      tpu.vector_store %arg11[%swap3A_552], %swap3A_555 {strides = array<i32>} : memref<128xi32, #tpu.memory_space<vmem>>, vector<16xi32>,
      %get3A_556 = arith.constant 912 : index
      %get3A_557 = tpu.vector_load %arg9[%get3A_556] {strides = array<i32>} : memref<1024xi32, #tpu.memory_space<vmem>>, vector<16xi32>,
      %get3A_558 = vector.shape_cast %get3A_557 : vector<16xi32> to vector<16xi32>
      %swap3A_559 = arith.constant 16 : index
      %swap3A_560 = tpu.vector_load %arg11[%swap3A_559] {strides = array<i32>} : memref<128xi32, #tpu.memory_space<vmem>>, vector<16xi32>,
      %swap3A_561 = vector.shape_cast %swap3A_560 : vector<16xi32> to vector<16xi32>
      %swap3A_562 = vector.shape_cast %get3A_558 : vector<16xi32> to vector<16xi32>
      tpu.vector_store %arg11[%swap3A_559], %swap3A_562 {strides = array<i32>} : memref<128xi32, #tpu.memory_space<vmem>>, vector<16xi32>,
      %get3A_563 = arith.constant 928 : index
      %get3A_564 = tpu.vector_load %arg9[%get3A_563] {strides = array<i32>} : memref<1024xi32, #tpu.memory_space<vmem>>, vector<16xi32>,
      %get3A_565 = vector.shape_cast %get3A_564 : vector<16xi32> to vector<16xi32>
      %swap3A_566 = arith.constant 32 : index
      %swap3A_567 = tpu.vector_load %arg11[%swap3A_566] {strides = array<i32>} : memref<128xi32, #tpu.memory_space<vmem>>, vector<16xi32>,
      %swap3A_568 = vector.shape_cast %swap3A_567 : vector<16xi32> to vector<16xi32>
      %swap3A_569 = vector.shape_cast %get3A_565 : vector<16xi32> to vector<16xi32>
      tpu.vector_store %arg11[%swap3A_566], %swap3A_569 {strides = array<i32>} : memref<128xi32, #tpu.memory_space<vmem>>, vector<16xi32>,
      %get3A_570 = arith.constant 944 : index
      %get3A_571 = tpu.vector_load %arg9[%get3A_570] {strides = array<i32>} : memref<1024xi32, #tpu.memory_space<vmem>>, vector<16xi32>,
      %get3A_572 = vector.shape_cast %get3A_571 : vector<16xi32> to vector<16xi32>
      %swap3A_573 = arith.constant 48 : index
      %swap3A_574 = tpu.vector_load %arg11[%swap3A_573] {strides = array<i32>} : memref<128xi32, #tpu.memory_space<vmem>>, vector<16xi32>,
      %swap3A_575 = vector.shape_cast %swap3A_574 : vector<16xi32> to vector<16xi32>
      %swap3A_576 = vector.shape_cast %get3A_572 : vector<16xi32> to vector<16xi32>
      tpu.vector_store %arg11[%swap3A_573], %swap3A_576 {strides = array<i32>} : memref<128xi32, #tpu.memory_space<vmem>>, vector<16xi32>,
      %get3A_577 = arith.constant 960 : index
      %get3A_578 = tpu.vector_load %arg9[%get3A_577] {strides = array<i32>} : memref<1024xi32, #tpu.memory_space<vmem>>, vector<16xi32>,
      %get3A_579 = vector.shape_cast %get3A_578 : vector<16xi32> to vector<16xi32>
      %swap3A_580 = arith.constant 64 : index
      %swap3A_581 = tpu.vector_load %arg11[%swap3A_580] {strides = array<i32>} : memref<128xi32, #tpu.memory_space<vmem>>, vector<16xi32>,
      %swap3A_582 = vector.shape_cast %swap3A_581 : vector<16xi32> to vector<16xi32>
      %swap3A_583 = vector.shape_cast %get3A_579 : vector<16xi32> to vector<16xi32>
      tpu.vector_store %arg11[%swap3A_580], %swap3A_583 {strides = array<i32>} : memref<128xi32, #tpu.memory_space<vmem>>, vector<16xi32>,
      %get3A_584 = arith.constant 976 : index
      %get3A_585 = tpu.vector_load %arg9[%get3A_584] {strides = array<i32>} : memref<1024xi32, #tpu.memory_space<vmem>>, vector<16xi32>,
      %get3A_586 = vector.shape_cast %get3A_585 : vector<16xi32> to vector<16xi32>
      %swap3A_587 = arith.constant 80 : index
      %swap3A_588 = tpu.vector_load %arg11[%swap3A_587] {strides = array<i32>} : memref<128xi32, #tpu.memory_space<vmem>>, vector<16xi32>,
      %swap3A_589 = vector.shape_cast %swap3A_588 : vector<16xi32> to vector<16xi32>
      %swap3A_590 = vector.shape_cast %get3A_586 : vector<16xi32> to vector<16xi32>
      tpu.vector_store %arg11[%swap3A_587], %swap3A_590 {strides = array<i32>} : memref<128xi32, #tpu.memory_space<vmem>>, vector<16xi32>,
      %get3A_591 = arith.constant 992 : index
      %get3A_592 = tpu.vector_load %arg9[%get3A_591] {strides = array<i32>} : memref<1024xi32, #tpu.memory_space<vmem>>, vector<16xi32>,
      %get3A_593 = vector.shape_cast %get3A_592 : vector<16xi32> to vector<16xi32>
      %swap3A_594 = arith.constant 96 : index
      %swap3A_595 = tpu.vector_load %arg11[%swap3A_594] {strides = array<i32>} : memref<128xi32, #tpu.memory_space<vmem>>, vector<16xi32>,
      %swap3A_596 = vector.shape_cast %swap3A_595 : vector<16xi32> to vector<16xi32>
      %swap3A_597 = vector.shape_cast %get3A_593 : vector<16xi32> to vector<16xi32>
      tpu.vector_store %arg11[%swap3A_594], %swap3A_597 {strides = array<i32>} : memref<128xi32, #tpu.memory_space<vmem>>, vector<16xi32>,
      %get3A_598 = arith.constant 1008 : index
      %get3A_599 = tpu.vector_load %arg9[%get3A_598] {strides = array<i32>} : memref<1024xi32, #tpu.memory_space<vmem>>, vector<16xi32>,
      %get3A_600 = vector.shape_cast %get3A_599 : vector<16xi32> to vector<16xi32>
      %swap3A_601 = arith.constant 112 : index
      %swap3A_602 = tpu.vector_load %arg11[%swap3A_601] {strides = array<i32>} : memref<128xi32, #tpu.memory_space<vmem>>, vector<16xi32>,
      %swap3A_603 = vector.shape_cast %swap3A_602 : vector<16xi32> to vector<16xi32>
      %swap3A_604 = vector.shape_cast %get3A_600 : vector<16xi32> to vector<16xi32>
      tpu.vector_store %arg11[%swap3A_601], %swap3A_604 {strides = array<i32>} : memref<128xi32, #tpu.memory_space<vmem>>, vector<16xi32>,
      %dma_start3A_605 = arith.constant 896 : i32
      %dma_start3A_606 = tpu.memref_slice %arg8[%dma_start3A_605] : memref<1024xi32, #tpu.memory_space<vmem>> -> memref<128xi32, #tpu.memory_space<vmem>>
      %dma_start3A_607 = arith.constant 0 : i32
      %dma_start3A_608 = arith.constant 0 : i32
      %dma_start3A_609 = tpu.memref_slice %arg2[%dma_start3A_607, %dma_start3A_608] : memref<20480x64xf32, #tpu.memory_space<hbm>> -> memref<20480x64xf32, #tpu.memory_space<hbm>>
      tpu.enqueue_indirect_dma source(%dma_start3A_609 : memref<20480x64xf32, #tpu.memory_space<hbm>>) target(%arg13 : memref<128x64xf32, #tpu.memory_space<vmem>>) offsets(%dma_start3A_606 : memref<128xi32, #tpu.memory_space<vmem>>) semaphore(%arg16 : memref<!tpu.dma_semaphore, #tpu.memory_space<semaphore_mem>>)
      %dma_wait3A_610 = arith.constant 768 : i32
      %dma_wait3A_611 = tpu.memref_slice %arg8[%dma_wait3A_610] : memref<1024xi32, #tpu.memory_space<vmem>> -> memref<128xi32, #tpu.memory_space<vmem>>
      %dma_wait3A_612 = arith.constant 0 : i32
      %dma_wait3A_613 = arith.constant 0 : i32
      %dma_wait3A_614 = tpu.memref_slice %arg2[%dma_wait3A_612, %dma_wait3A_613] : memref<20480x64xf32, #tpu.memory_space<hbm>> -> memref<20480x64xf32, #tpu.memory_space<hbm>>
      tpu.wait_indirect_dma semaphore(%arg15 : memref<!tpu.dma_semaphore, #tpu.memory_space<semaphore_mem>>) src(%dma_wait3A_614 : memref<20480x64xf32, #tpu.memory_space<hbm>>) dst(%arg12 : memref<128x64xf32, #tpu.memory_space<vmem>>)
      %dma_start3A_615 = arith.constant 0 : i32
      %dma_start3A_616 = arith.constant 0 : i32
      %dma_start3A_617 = tpu.memref_slice %arg7[%dma_start3A_615, %dma_start3A_616] : memref<10240x64xf32, #tpu.memory_space<vmem_shared>> -> memref<10240x64xf32, #tpu.memory_space<vmem_shared>>
      tpu.enqueue_indirect_dma source(%arg12 : memref<128x64xf32, #tpu.memory_space<vmem>>) target(%dma_start3A_617 : memref<10240x64xf32, #tpu.memory_space<vmem_shared>>) offsets(%arg10 : memref<128xi32, #tpu.memory_space<vmem>>) semaphore(%arg17 : memref<!tpu.dma_semaphore, #tpu.memory_space<semaphore_mem>>) {add = true}
      %eq3A_618 = arith.constant 0 : i32
      %eq3A_619 = arith.cmpi eq, %arg0, %eq3A_618 : i32
      %convert_element_type3A_620 = arith.extui %eq3A_619 : i1 to i32
      %cond3A_621 = arith.constant 0 : i32
      %cond3A_622 = arith.cmpi ne, %convert_element_type3A_620, %cond3A_621 : i32
      scf.if %cond3A_622 {
        "tpu.region"() ({
          %run_scoped3A = tpu.sem_alloc : memref<!tpu.dma_semaphore, #tpu.memory_space<semaphore_mem>>
          %dma_start3A_636 = arith.constant 0 : i32
          %dma_start3A_637 = arith.constant 0 : i32
          %dma_start3A_638 = tpu.memref_slice %arg18[%dma_start3A_636, %dma_start3A_637] : memref<10240x16xf32, #tpu.memory_space<vmem_shared>> -> memref<10240x16xf32, #tpu.memory_space<vmem_shared>>
          tpu.enqueue_indirect_dma source(%arg19 : memref<128x16xf32, #tpu.memory_space<vmem>>) target(%dma_start3A_638 : memref<10240x16xf32, #tpu.memory_space<vmem_shared>>) offsets(%arg10 : memref<128xi32, #tpu.memory_space<vmem>>) semaphore(%run_scoped3A : memref<!tpu.dma_semaphore, #tpu.memory_space<semaphore_mem>>) {add = true}
          %dma_wait3A_639 = arith.constant 0 : i32
          %dma_wait3A_640 = arith.constant 0 : i32
          %dma_wait3A_641 = tpu.memref_slice %arg18[%dma_wait3A_639, %dma_wait3A_640] : memref<10240x16xf32, #tpu.memory_space<vmem_shared>> -> memref<10240x16xf32, #tpu.memory_space<vmem_shared>>
          tpu.wait_indirect_dma semaphore(%run_scoped3A : memref<!tpu.dma_semaphore, #tpu.memory_space<semaphore_mem>>) src(%arg19 : memref<128x16xf32, #tpu.memory_space<vmem>>) dst(%dma_wait3A_641 : memref<10240x16xf32, #tpu.memory_space<vmem_shared>>)
          tpu.yield
        }) : () -> ()
      } else {
      }
      %dma_wait3A_623 = arith.constant 896 : i32
      %dma_wait3A_624 = tpu.memref_slice %arg8[%dma_wait3A_623] : memref<1024xi32, #tpu.memory_space<vmem>> -> memref<128xi32, #tpu.memory_space<vmem>>
      %dma_wait3A_625 = arith.constant 0 : i32
      %dma_wait3A_626 = arith.constant 0 : i32
      %dma_wait3A_627 = tpu.memref_slice %arg2[%dma_wait3A_625, %dma_wait3A_626] : memref<20480x64xf32, #tpu.memory_space<hbm>> -> memref<20480x64xf32, #tpu.memory_space<hbm>>
      tpu.wait_indirect_dma semaphore(%arg16 : memref<!tpu.dma_semaphore, #tpu.memory_space<semaphore_mem>>) src(%dma_wait3A_627 : memref<20480x64xf32, #tpu.memory_space<hbm>>) dst(%arg13 : memref<128x64xf32, #tpu.memory_space<vmem>>)
      %dma_wait3A_628 = arith.constant 0 : i32
      %dma_wait3A_629 = arith.constant 0 : i32
      %dma_wait3A_630 = tpu.memref_slice %arg7[%dma_wait3A_628, %dma_wait3A_629] : memref<10240x64xf32, #tpu.memory_space<vmem_shared>> -> memref<10240x64xf32, #tpu.memory_space<vmem_shared>>
      tpu.wait_indirect_dma semaphore(%arg17 : memref<!tpu.dma_semaphore, #tpu.memory_space<semaphore_mem>>) src(%arg12 : memref<128x64xf32, #tpu.memory_space<vmem>>) dst(%dma_wait3A_630 : memref<10240x64xf32, #tpu.memory_space<vmem_shared>>)
      "tpu.region"() ({
        %run_scoped3A = tpu.sem_alloc : memref<!tpu.dma_semaphore, #tpu.memory_space<semaphore_mem>>
        %dma_start3A_636 = arith.constant 0 : i32
        %dma_start3A_637 = arith.constant 0 : i32
        %dma_start3A_638 = tpu.memref_slice %arg7[%dma_start3A_636, %dma_start3A_637] : memref<10240x64xf32, #tpu.memory_space<vmem_shared>> -> memref<10240x64xf32, #tpu.memory_space<vmem_shared>>
        tpu.enqueue_indirect_dma source(%arg13 : memref<128x64xf32, #tpu.memory_space<vmem>>) target(%dma_start3A_638 : memref<10240x64xf32, #tpu.memory_space<vmem_shared>>) offsets(%arg11 : memref<128xi32, #tpu.memory_space<vmem>>) semaphore(%run_scoped3A : memref<!tpu.dma_semaphore, #tpu.memory_space<semaphore_mem>>) {add = true}
        %dma_wait3A_639 = arith.constant 0 : i32
        %dma_wait3A_640 = arith.constant 0 : i32
        %dma_wait3A_641 = tpu.memref_slice %arg7[%dma_wait3A_639, %dma_wait3A_640] : memref<10240x64xf32, #tpu.memory_space<vmem_shared>> -> memref<10240x64xf32, #tpu.memory_space<vmem_shared>>
        tpu.wait_indirect_dma semaphore(%run_scoped3A : memref<!tpu.dma_semaphore, #tpu.memory_space<semaphore_mem>>) src(%arg13 : memref<128x64xf32, #tpu.memory_space<vmem>>) dst(%dma_wait3A_641 : memref<10240x64xf32, #tpu.memory_space<vmem_shared>>)
        tpu.yield
      }) : () -> ()
      %eq3A_631 = arith.constant 0 : i32
      %eq3A_632 = arith.cmpi eq, %arg0, %eq3A_631 : i32
      %convert_element_type3A_633 = arith.extui %eq3A_632 : i1 to i32
      %cond3A_634 = arith.constant 0 : i32
      %cond3A_635 = arith.cmpi ne, %convert_element_type3A_633, %cond3A_634 : i32
      scf.if %cond3A_635 {
        "tpu.region"() ({
          %run_scoped3A = tpu.sem_alloc : memref<!tpu.dma_semaphore, #tpu.memory_space<semaphore_mem>>
          %dma_start3A_636 = arith.constant 0 : i32
          %dma_start3A_637 = arith.constant 0 : i32
          %dma_start3A_638 = tpu.memref_slice %arg18[%dma_start3A_636, %dma_start3A_637] : memref<10240x16xf32, #tpu.memory_space<vmem_shared>> -> memref<10240x16xf32, #tpu.memory_space<vmem_shared>>
          tpu.enqueue_indirect_dma source(%arg19 : memref<128x16xf32, #tpu.memory_space<vmem>>) target(%dma_start3A_638 : memref<10240x16xf32, #tpu.memory_space<vmem_shared>>) offsets(%arg11 : memref<128xi32, #tpu.memory_space<vmem>>) semaphore(%run_scoped3A : memref<!tpu.dma_semaphore, #tpu.memory_space<semaphore_mem>>) {add = true}
          %dma_wait3A_639 = arith.constant 0 : i32
          %dma_wait3A_640 = arith.constant 0 : i32
          %dma_wait3A_641 = tpu.memref_slice %arg18[%dma_wait3A_639, %dma_wait3A_640] : memref<10240x16xf32, #tpu.memory_space<vmem_shared>> -> memref<10240x16xf32, #tpu.memory_space<vmem_shared>>
          tpu.wait_indirect_dma semaphore(%run_scoped3A : memref<!tpu.dma_semaphore, #tpu.memory_space<semaphore_mem>>) src(%arg19 : memref<128x16xf32, #tpu.memory_space<vmem>>) dst(%dma_wait3A_641 : memref<10240x16xf32, #tpu.memory_space<vmem_shared>>)
          tpu.yield
        }) : () -> ()
      } else {
      }
    }
    %scan3A_33 = arith.constant 20 : i32
    %barrier3A_34 = arith.constant 0 : index
    tpu.barrier barrier_id(%barrier3A_34)
    %scan3A_35 = arith.constant 0 : i32
    %scan3A_36 = arith.constant 5 : i32
    %scan3A_37 = arith.addi %scan3A_35, %scan3A_36 : i32
    %scan3A_38 = arith.constant 1 : i32
    scf.for %scan3A_40 = %scan3A_35 to %scan3A_37 step %scan3A_38  : i32 {
      %mul3A_41 = arith.constant 1 : i32
      %mul3A_42 = arith.muli %scan3A_40, %mul3A_41 : i32
      %add3A_43 = arith.constant 0 : i32
      %add3A_44 = arith.addi %add3A_43, %mul3A_42 : i32
      %mul3A_45 = arith.constant 640 : i32
      %mul3A_46 = arith.muli %arg1, %mul3A_45 : i32
      %mul3A_47 = arith.constant 128 : i32
      %mul3A_48 = arith.muli %add3A_44, %mul3A_47 : i32
      %add3A_49 = arith.addi %mul3A_46, %mul3A_48 : i32
      %mul3A_50 = arith.constant 10240 : i32
      %mul3A_51 = arith.muli %arg0, %mul3A_50 : i32
      %mul3A_52 = arith.constant 640 : i32
      %mul3A_53 = arith.muli %arg1, %mul3A_52 : i32
      %add3A_54 = arith.addi %mul3A_51, %mul3A_53 : i32
      %mul3A_55 = arith.constant 128 : i32
      %mul3A_56 = arith.muli %add3A_44, %mul3A_55 : i32
      %add3A_57 = arith.addi %add3A_54, %mul3A_56 : i32
      "tpu.region"() ({
        %run_scoped3A = tpu.sem_alloc : memref<!tpu.dma_semaphore, #tpu.memory_space<semaphore_mem>>
        %dma_start3A = arith.constant 0 : i32
        %dma_start3A_60 = tpu.memref_slice %arg7[%add3A_49, %dma_start3A] : memref<10240x64xf32, #tpu.memory_space<vmem_shared>> -> memref<128x64xf32, #tpu.memory_space<vmem_shared>>
        %dma_start3A_61 = arith.constant 0 : i32
        %dma_start3A_62 = tpu.memref_slice %arg7[%add3A_49, %dma_start3A_61] : memref<10240x64xf32, #tpu.memory_space<vmem_shared>> -> memref<128x64xf32, #tpu.memory_space<vmem_shared>>
        tpu.enqueue_dma source(%dma_start3A_62 : memref<128x64xf32, #tpu.memory_space<vmem_shared>>) target(%arg14 : memref<128x64xf32, #tpu.memory_space<vmem>>) target_semaphore(%run_scoped3A : memref<!tpu.dma_semaphore, #tpu.memory_space<semaphore_mem>>)
        %dma_wait3A = arith.constant 0 : i32
        %dma_wait3A_63 = tpu.memref_slice %arg7[%add3A_49, %dma_wait3A] : memref<10240x64xf32, #tpu.memory_space<vmem_shared>> -> memref<128x64xf32, #tpu.memory_space<vmem_shared>>
        %dma_wait3A_64 = arith.constant 0 : i32
        %dma_wait3A_65 = tpu.memref_slice %arg7[%add3A_49, %dma_wait3A_64] : memref<10240x64xf32, #tpu.memory_space<vmem_shared>> -> memref<128x64xf32, #tpu.memory_space<vmem_shared>>
        tpu.wait_dma2 semaphore(%run_scoped3A : memref<!tpu.dma_semaphore, #tpu.memory_space<semaphore_mem>>) src(%dma_wait3A_65 : memref<128x64xf32, #tpu.memory_space<vmem_shared>>) dst(%arg14 : memref<128x64xf32, #tpu.memory_space<vmem>>)
        tpu.yield
      }) : () -> ()
      "tpu.region"() ({
        %run_scoped3A = tpu.sem_alloc : memref<!tpu.dma_semaphore, #tpu.memory_space<semaphore_mem>>
        %dma_start3A = arith.constant 0 : i32
        %dma_start3A_60 = tpu.memref_slice %arg5[%add3A_57, %dma_start3A] : memref<20480x64xf32, #tpu.memory_space<hbm>> -> memref<128x64xf32, #tpu.memory_space<hbm>>
        %dma_start3A_61 = arith.constant 0 : i32
        %dma_start3A_62 = tpu.memref_slice %arg5[%add3A_57, %dma_start3A_61] : memref<20480x64xf32, #tpu.memory_space<hbm>> -> memref<128x64xf32, #tpu.memory_space<hbm>>
        tpu.enqueue_dma source(%arg14 : memref<128x64xf32, #tpu.memory_space<vmem>>) target(%dma_start3A_62 : memref<128x64xf32, #tpu.memory_space<hbm>>) target_semaphore(%run_scoped3A : memref<!tpu.dma_semaphore, #tpu.memory_space<semaphore_mem>>)
        %dma_wait3A = arith.constant 0 : i32
        %dma_wait3A_63 = tpu.memref_slice %arg5[%add3A_57, %dma_wait3A] : memref<20480x64xf32, #tpu.memory_space<hbm>> -> memref<128x64xf32, #tpu.memory_space<hbm>>
        %dma_wait3A_64 = arith.constant 0 : i32
        %dma_wait3A_65 = tpu.memref_slice %arg5[%add3A_57, %dma_wait3A_64] : memref<20480x64xf32, #tpu.memory_space<hbm>> -> memref<128x64xf32, #tpu.memory_space<hbm>>
        tpu.wait_dma2 semaphore(%run_scoped3A : memref<!tpu.dma_semaphore, #tpu.memory_space<semaphore_mem>>) src(%arg14 : memref<128x64xf32, #tpu.memory_space<vmem>>) dst(%dma_wait3A_65 : memref<128x64xf32, #tpu.memory_space<hbm>>)
        tpu.yield
      }) : () -> ()
      %eq3A = arith.constant 0 : i32
      %eq3A_58 = arith.cmpi eq, %arg0, %eq3A : i32
      %convert_element_type3A = arith.extui %eq3A_58 : i1 to i32
      %cond3A = arith.constant 0 : i32
      %cond3A_59 = arith.cmpi ne, %convert_element_type3A, %cond3A : i32
      scf.if %cond3A_59 {
        "tpu.region"() ({
          %run_scoped3A = tpu.sem_alloc : memref<!tpu.dma_semaphore, #tpu.memory_space<semaphore_mem>>
          %dma_start3A = arith.constant 0 : i32
          %dma_start3A_60 = tpu.memref_slice %arg18[%add3A_49, %dma_start3A] : memref<10240x16xf32, #tpu.memory_space<vmem_shared>> -> memref<128x16xf32, #tpu.memory_space<vmem_shared>>
          %dma_start3A_61 = arith.constant 0 : i32
          %dma_start3A_62 = tpu.memref_slice %arg18[%add3A_49, %dma_start3A_61] : memref<10240x16xf32, #tpu.memory_space<vmem_shared>> -> memref<128x16xf32, #tpu.memory_space<vmem_shared>>
          tpu.enqueue_dma source(%dma_start3A_62 : memref<128x16xf32, #tpu.memory_space<vmem_shared>>) target(%arg20 : memref<128x16xf32, #tpu.memory_space<vmem>>) target_semaphore(%run_scoped3A : memref<!tpu.dma_semaphore, #tpu.memory_space<semaphore_mem>>)
          %dma_wait3A = arith.constant 0 : i32
          %dma_wait3A_63 = tpu.memref_slice %arg18[%add3A_49, %dma_wait3A] : memref<10240x16xf32, #tpu.memory_space<vmem_shared>> -> memref<128x16xf32, #tpu.memory_space<vmem_shared>>
          %dma_wait3A_64 = arith.constant 0 : i32
          %dma_wait3A_65 = tpu.memref_slice %arg18[%add3A_49, %dma_wait3A_64] : memref<10240x16xf32, #tpu.memory_space<vmem_shared>> -> memref<128x16xf32, #tpu.memory_space<vmem_shared>>
          tpu.wait_dma2 semaphore(%run_scoped3A : memref<!tpu.dma_semaphore, #tpu.memory_space<semaphore_mem>>) src(%dma_wait3A_65 : memref<128x16xf32, #tpu.memory_space<vmem_shared>>) dst(%arg20 : memref<128x16xf32, #tpu.memory_space<vmem>>)
          tpu.yield
        }) : () -> ()
        "tpu.region"() ({
          %run_scoped3A = tpu.sem_alloc : memref<!tpu.dma_semaphore, #tpu.memory_space<semaphore_mem>>
          %dma_start3A = arith.constant 0 : i32
          %dma_start3A_60 = tpu.memref_slice %arg6[%add3A_49, %dma_start3A] : memref<10240x16xf32, #tpu.memory_space<hbm>> -> memref<128x16xf32, #tpu.memory_space<hbm>>
          %dma_start3A_61 = arith.constant 0 : i32
          %dma_start3A_62 = tpu.memref_slice %arg6[%add3A_49, %dma_start3A_61] : memref<10240x16xf32, #tpu.memory_space<hbm>> -> memref<128x16xf32, #tpu.memory_space<hbm>>
          tpu.enqueue_dma source(%arg20 : memref<128x16xf32, #tpu.memory_space<vmem>>) target(%dma_start3A_62 : memref<128x16xf32, #tpu.memory_space<hbm>>) target_semaphore(%run_scoped3A : memref<!tpu.dma_semaphore, #tpu.memory_space<semaphore_mem>>)
          %dma_wait3A = arith.constant 0 : i32
          %dma_wait3A_63 = tpu.memref_slice %arg6[%add3A_49, %dma_wait3A] : memref<10240x16xf32, #tpu.memory_space<hbm>> -> memref<128x16xf32, #tpu.memory_space<hbm>>
          %dma_wait3A_64 = arith.constant 0 : i32
          %dma_wait3A_65 = tpu.memref_slice %arg6[%add3A_49, %dma_wait3A_64] : memref<10240x16xf32, #tpu.memory_space<hbm>> -> memref<128x16xf32, #tpu.memory_space<hbm>>
          tpu.wait_dma2 semaphore(%run_scoped3A : memref<!tpu.dma_semaphore, #tpu.memory_space<semaphore_mem>>) src(%arg20 : memref<128x16xf32, #tpu.memory_space<vmem>>) dst(%dma_wait3A_65 : memref<128x16xf32, #tpu.memory_space<hbm>>)
          tpu.yield
        }) : () -> ()
      } else {
      }
    }
    %scan3A_39 = arith.constant 5 : i32
    return
  }
}

module attributes {stable_mosaic.version = 14 : i64} {
  func.func @_combine_body(%arg0: i32, %arg1: memref<512x64xf32, #tpu.memory_space<vmem>>, %arg2: memref<512x64xf32, #tpu.memory_space<vmem>>, %arg3: memref<512x16xf32, #tpu.memory_space<vmem>>, %arg4: memref<512x128xf32, #tpu.memory_space<vmem>>, %arg5: memref<128x128xf32, #tpu.memory_space<vmem>>, %arg6: memref<1x128xf32, #tpu.memory_space<vmem>>, %arg7: memref<128x128xf32, #tpu.memory_space<vmem>>, %arg8: memref<512x128xf32, #tpu.memory_space<vmem>>) attributes {dimension_semantics = [#tpu.dimension_semantics<arbitrary>], iteration_bounds = array<i64: 20>, scalar_prefetch = 0 : i64, scratch_operands = 0 : i64, tpu.core_type = #tpu.core_type<tc>, window_params = [{transform_indices = @transform_0, window_bounds = array<i64: 512, 64>}, {transform_indices = @transform_1, window_bounds = array<i64: 512, 64>}, {transform_indices = @transform_2, window_bounds = array<i64: 512, 16>}, {transform_indices = @transform_3, window_bounds = array<i64: 512, 128>}, {pipeline_mode = #tpu.pipeline_mode<synchronous>, transform_indices = @transform_4, window_bounds = array<i64: 128, 128>}, {pipeline_mode = #tpu.pipeline_mode<synchronous>, transform_indices = @transform_5, window_bounds = array<i64: 1, 128>}, {pipeline_mode = #tpu.pipeline_mode<synchronous>, transform_indices = @transform_6, window_bounds = array<i64: 128, 128>}, {transform_indices = @transform_7, window_bounds = array<i64: 512, 128>}]} {
    %get3A = arith.constant 0 : index
    %get3A_0 = arith.constant 0 : index
    %get3A_1 = vector.load %arg1[%get3A, %get3A_0] : memref<512x64xf32, #tpu.memory_space<vmem>>, vector<512x64xf32>
    %get3A_2 = arith.constant 0 : index
    %get3A_3 = arith.constant 0 : index
    %get3A_4 = vector.load %arg2[%get3A_2, %get3A_3] : memref<512x64xf32, #tpu.memory_space<vmem>>, vector<512x64xf32>
    %concatenate3A = tpu.concatenate %get3A_1, %get3A_4 in 1 : vector<512x64xf32>, vector<512x64xf32> -> vector<512x128xf32>
    %get3A_5 = arith.constant 0 : index
    %get3A_6 = arith.constant 0 : index
    %get3A_7 = vector.load %arg3[%get3A_5, %get3A_6] : memref<512x16xf32, #tpu.memory_space<vmem>>, vector<512x1xf32>
    %max3A = arith.constant 1.000000e+00 : f32
    %max3A_8 = vector.broadcast %max3A : f32 to vector<512x1xf32>
    %max3A_9 = arith.maximumf %get3A_7, %max3A_8 : vector<512x1xf32>
    %div3A = vector.broadcast %max3A_9 : vector<512x1xf32> to vector<512x128xf32>
    %div3A_10 = arith.divf %concatenate3A, %div3A : vector<512x128xf32>
    %get3A_11 = arith.constant 0 : index
    %get3A_12 = arith.constant 0 : index
    %get3A_13 = vector.load %arg5[%get3A_11, %get3A_12] : memref<128x128xf32, #tpu.memory_space<vmem>>, vector<128x128xf32>
    %transpose3A = tpu.transpose %get3A_13, [1, 0] : vector<128x128xf32> -> vector<128x128xf32>
    %dot_general3A = arith.constant dense<0.000000e+00> : vector<512x128xf32>
    %dot_general3A_14 = tpu.matmul %div3A_10, %transpose3A, %dot_general3A {dimension_numbers = #tpu.dot_dimension_numbers<[1], [0], [0], [1], [0, 0, 1, 1], [], []>, transpose_lhs_hint = false} : vector<512x128xf32>, vector<128x128xf32>, vector<512x128xf32> -> vector<512x128xf32>
    %get3A_15 = arith.constant 0 : index
    %get3A_16 = arith.constant 0 : index
    %get3A_17 = vector.load %arg6[%get3A_15, %get3A_16] : memref<1x128xf32, #tpu.memory_space<vmem>>, vector<1x128xf32>
    %add3A = vector.broadcast %get3A_17 : vector<1x128xf32> to vector<512x128xf32>
    %add3A_18 = arith.addf %dot_general3A_14, %add3A : vector<512x128xf32>
    %get3A_19 = arith.constant 0 : index
    %get3A_20 = arith.constant 0 : index
    %get3A_21 = vector.load %arg4[%get3A_19, %get3A_20] : memref<512x128xf32, #tpu.memory_space<vmem>>, vector<512x128xf32>
    %get3A_22 = arith.constant 0 : index
    %get3A_23 = arith.constant 0 : index
    %get3A_24 = vector.load %arg7[%get3A_22, %get3A_23] : memref<128x128xf32, #tpu.memory_space<vmem>>, vector<128x128xf32>
    %transpose3A_25 = tpu.transpose %get3A_24, [1, 0] : vector<128x128xf32> -> vector<128x128xf32>
    %dot_general3A_26 = arith.constant dense<0.000000e+00> : vector<512x128xf32>
    %dot_general3A_27 = tpu.matmul %get3A_21, %transpose3A_25, %dot_general3A_26 {dimension_numbers = #tpu.dot_dimension_numbers<[1], [0], [0], [1], [0, 0, 1, 1], [], []>, transpose_lhs_hint = false} : vector<512x128xf32>, vector<128x128xf32>, vector<512x128xf32> -> vector<512x128xf32>
    %add3A_28 = arith.addf %add3A_18, %dot_general3A_27 : vector<512x128xf32>
    %max3A_29 = arith.constant 0.000000e+00 : f32
    %max3A_30 = vector.broadcast %max3A_29 : f32 to vector<512x128xf32>
    %max3A_31 = arith.maximumf %add3A_28, %max3A_30 : vector<512x128xf32>
    %swap3A = arith.constant 0 : index
    %swap3A_32 = arith.constant 0 : index
    %swap3A_33 = vector.load %arg8[%swap3A, %swap3A_32] : memref<512x128xf32, #tpu.memory_space<vmem>>, vector<512x128xf32>
    tpu.vector_store %arg8[%swap3A, %swap3A_32], %max3A_31 {strides = array<i32>} : memref<512x128xf32, #tpu.memory_space<vmem>>, vector<512x128xf32>,
    return
  }
  func.func @transform_0(%arg0: i32) -> (i32, i32) {
    %c0_i32 = arith.constant 0 : i32
    %c0_i32_0 = arith.constant 0 : i32
    return %arg0, %c0_i32 : i32, i32
  }
  func.func @transform_1(%arg0: i32) -> (i32, i32) {
    %c0_i32 = arith.constant 0 : i32
    %c0_i32_0 = arith.constant 0 : i32
    return %arg0, %c0_i32 : i32, i32
  }
  func.func @transform_2(%arg0: i32) -> (i32, i32) {
    %c0_i32 = arith.constant 0 : i32
    %c0_i32_0 = arith.constant 0 : i32
    return %arg0, %c0_i32 : i32, i32
  }
  func.func @transform_3(%arg0: i32) -> (i32, i32) {
    %c0_i32 = arith.constant 0 : i32
    %c0_i32_0 = arith.constant 0 : i32
    return %arg0, %c0_i32 : i32, i32
  }
  func.func @transform_4(%arg0: i32) -> (i32, i32) {
    %c0_i32 = arith.constant 0 : i32
    %c0_i32_0 = arith.constant 0 : i32
    %c0_i32_1 = arith.constant 0 : i32
    return %c0_i32, %c0_i32_0 : i32, i32
  }
  func.func @transform_5(%arg0: i32) -> (i32, i32) {
    %c0_i32 = arith.constant 0 : i32
    %c0_i32_0 = arith.constant 0 : i32
    %c0_i32_1 = arith.constant 0 : i32
    return %c0_i32, %c0_i32_0 : i32, i32
  }
  func.func @transform_6(%arg0: i32) -> (i32, i32) {
    %c0_i32 = arith.constant 0 : i32
    %c0_i32_0 = arith.constant 0 : i32
    %c0_i32_1 = arith.constant 0 : i32
    return %c0_i32, %c0_i32_0 : i32, i32
  }
  func.func @transform_7(%arg0: i32) -> (i32, i32) {
    %c0_i32 = arith.constant 0 : i32
    %c0_i32_0 = arith.constant 0 : i32
    return %arg0, %c0_i32 : i32, i32
  }
}

module attributes {stable_mosaic.version = 14 : i64} {
  func.func @_combine_body(%arg0: i32, %arg1: memref<512x64xf32, #tpu.memory_space<vmem>>, %arg2: memref<512x64xf32, #tpu.memory_space<vmem>>, %arg3: memref<512x16xf32, #tpu.memory_space<vmem>>, %arg4: memref<512x128xf32, #tpu.memory_space<vmem>>, %arg5: memref<128x128xf32, #tpu.memory_space<vmem>>, %arg6: memref<1x128xf32, #tpu.memory_space<vmem>>, %arg7: memref<128x128xf32, #tpu.memory_space<vmem>>, %arg8: memref<512x128xf32, #tpu.memory_space<vmem>>) attributes {dimension_semantics = [#tpu.dimension_semantics<arbitrary>], iteration_bounds = array<i64: 20>, scalar_prefetch = 0 : i64, scratch_operands = 0 : i64, tpu.core_type = #tpu.core_type<tc>, window_params = [{transform_indices = @transform_0, window_bounds = array<i64: 512, 64>}, {transform_indices = @transform_1, window_bounds = array<i64: 512, 64>}, {transform_indices = @transform_2, window_bounds = array<i64: 512, 16>}, {transform_indices = @transform_3, window_bounds = array<i64: 512, 128>}, {pipeline_mode = #tpu.pipeline_mode<synchronous>, transform_indices = @transform_4, window_bounds = array<i64: 128, 128>}, {pipeline_mode = #tpu.pipeline_mode<synchronous>, transform_indices = @transform_5, window_bounds = array<i64: 1, 128>}, {pipeline_mode = #tpu.pipeline_mode<synchronous>, transform_indices = @transform_6, window_bounds = array<i64: 128, 128>}, {transform_indices = @transform_7, window_bounds = array<i64: 512, 128>}]} {
    %get3A = arith.constant 0 : index
    %get3A_0 = arith.constant 0 : index
    %get3A_1 = vector.load %arg1[%get3A, %get3A_0] : memref<512x64xf32, #tpu.memory_space<vmem>>, vector<512x64xf32>
    %get3A_2 = arith.constant 0 : index
    %get3A_3 = arith.constant 0 : index
    %get3A_4 = vector.load %arg2[%get3A_2, %get3A_3] : memref<512x64xf32, #tpu.memory_space<vmem>>, vector<512x64xf32>
    %concatenate3A = tpu.concatenate %get3A_1, %get3A_4 in 1 : vector<512x64xf32>, vector<512x64xf32> -> vector<512x128xf32>
    %get3A_5 = arith.constant 0 : index
    %get3A_6 = arith.constant 0 : index
    %get3A_7 = vector.load %arg3[%get3A_5, %get3A_6] : memref<512x16xf32, #tpu.memory_space<vmem>>, vector<512x1xf32>
    %max3A = arith.constant 1.000000e+00 : f32
    %max3A_8 = vector.broadcast %max3A : f32 to vector<512x1xf32>
    %max3A_9 = arith.maximumf %get3A_7, %max3A_8 : vector<512x1xf32>
    %div3A = vector.broadcast %max3A_9 : vector<512x1xf32> to vector<512x128xf32>
    %div3A_10 = arith.divf %concatenate3A, %div3A : vector<512x128xf32>
    %get3A_11 = arith.constant 0 : index
    %get3A_12 = arith.constant 0 : index
    %get3A_13 = vector.load %arg5[%get3A_11, %get3A_12] : memref<128x128xf32, #tpu.memory_space<vmem>>, vector<128x128xf32>
    %transpose3A = tpu.transpose %get3A_13, [1, 0] : vector<128x128xf32> -> vector<128x128xf32>
    %dot_general3A = arith.constant dense<0.000000e+00> : vector<512x128xf32>
    %dot_general3A_14 = tpu.matmul %div3A_10, %transpose3A, %dot_general3A {dimension_numbers = #tpu.dot_dimension_numbers<[1], [0], [0], [1], [0, 0, 1, 1], [], []>, transpose_lhs_hint = false} : vector<512x128xf32>, vector<128x128xf32>, vector<512x128xf32> -> vector<512x128xf32>
    %get3A_15 = arith.constant 0 : index
    %get3A_16 = arith.constant 0 : index
    %get3A_17 = vector.load %arg6[%get3A_15, %get3A_16] : memref<1x128xf32, #tpu.memory_space<vmem>>, vector<1x128xf32>
    %add3A = vector.broadcast %get3A_17 : vector<1x128xf32> to vector<512x128xf32>
    %add3A_18 = arith.addf %dot_general3A_14, %add3A : vector<512x128xf32>
    %get3A_19 = arith.constant 0 : index
    %get3A_20 = arith.constant 0 : index
    %get3A_21 = vector.load %arg4[%get3A_19, %get3A_20] : memref<512x128xf32, #tpu.memory_space<vmem>>, vector<512x128xf32>
    %get3A_22 = arith.constant 0 : index
    %get3A_23 = arith.constant 0 : index
    %get3A_24 = vector.load %arg7[%get3A_22, %get3A_23] : memref<128x128xf32, #tpu.memory_space<vmem>>, vector<128x128xf32>
    %transpose3A_25 = tpu.transpose %get3A_24, [1, 0] : vector<128x128xf32> -> vector<128x128xf32>
    %dot_general3A_26 = arith.constant dense<0.000000e+00> : vector<512x128xf32>
    %dot_general3A_27 = tpu.matmul %get3A_21, %transpose3A_25, %dot_general3A_26 {dimension_numbers = #tpu.dot_dimension_numbers<[1], [0], [0], [1], [0, 0, 1, 1], [], []>, transpose_lhs_hint = false} : vector<512x128xf32>, vector<128x128xf32>, vector<512x128xf32> -> vector<512x128xf32>
    %add3A_28 = arith.addf %add3A_18, %dot_general3A_27 : vector<512x128xf32>
    %swap3A = arith.constant 0 : index
    %swap3A_29 = arith.constant 0 : index
    %swap3A_30 = vector.load %arg8[%swap3A, %swap3A_29] : memref<512x128xf32, #tpu.memory_space<vmem>>, vector<512x128xf32>
    tpu.vector_store %arg8[%swap3A, %swap3A_29], %add3A_28 {strides = array<i32>} : memref<512x128xf32, #tpu.memory_space<vmem>>, vector<512x128xf32>,
    return
  }
  func.func @transform_0(%arg0: i32) -> (i32, i32) {
    %c0_i32 = arith.constant 0 : i32
    %c0_i32_0 = arith.constant 0 : i32
    return %arg0, %c0_i32 : i32, i32
  }
  func.func @transform_1(%arg0: i32) -> (i32, i32) {
    %c0_i32 = arith.constant 0 : i32
    %c0_i32_0 = arith.constant 0 : i32
    return %arg0, %c0_i32 : i32, i32
  }
  func.func @transform_2(%arg0: i32) -> (i32, i32) {
    %c0_i32 = arith.constant 0 : i32
    %c0_i32_0 = arith.constant 0 : i32
    return %arg0, %c0_i32 : i32, i32
  }
  func.func @transform_3(%arg0: i32) -> (i32, i32) {
    %c0_i32 = arith.constant 0 : i32
    %c0_i32_0 = arith.constant 0 : i32
    return %arg0, %c0_i32 : i32, i32
  }
  func.func @transform_4(%arg0: i32) -> (i32, i32) {
    %c0_i32 = arith.constant 0 : i32
    %c0_i32_0 = arith.constant 0 : i32
    %c0_i32_1 = arith.constant 0 : i32
    return %c0_i32, %c0_i32_0 : i32, i32
  }
  func.func @transform_5(%arg0: i32) -> (i32, i32) {
    %c0_i32 = arith.constant 0 : i32
    %c0_i32_0 = arith.constant 0 : i32
    %c0_i32_1 = arith.constant 0 : i32
    return %c0_i32, %c0_i32_0 : i32, i32
  }
  func.func @transform_6(%arg0: i32) -> (i32, i32) {
    %c0_i32 = arith.constant 0 : i32
    %c0_i32_0 = arith.constant 0 : i32
    %c0_i32_1 = arith.constant 0 : i32
    return %c0_i32, %c0_i32_0 : i32, i32
  }
  func.func @transform_7(%arg0: i32) -> (i32, i32) {
    %c0_i32 = arith.constant 0 : i32
    %c0_i32_0 = arith.constant 0 : i32
    return %arg0, %c0_i32 : i32, i32
  }
}

</mosaic_0001>

<sc_bundles>
// kernel: kernel.6.cloned.1.call-start
scs
__scs_entry_jumppad:
0x0: {  	(pc) =	sbr.rel $0x88, $3  }
0x1: {  	(tag) =	ssettag $0x0;
	lr =	simm.s32 $0x1  }
0x2: {  	[smem:$0x3F99] =	sst lr;
	_ =	strace $0xD0000000  }
0x3: {  	_ = 	snop  }
0x4: {  	_ = 	snop  }
0x5: {  	_ = 	snop  }
0x6: {  	_ = 	snop  }
0x7: {  	_ = 	snop  }
__scs_overlays_trampoline_lowered:
0x8: {  	[smem:$0x3FA8] =	sst s0  }
0x9: {  	[smem:$0x3FA9] =	sst s1  }
0xa: {  	[smem:$0x3FAA] =	sst s2  }
0xb: {  	[smem:$0x3FAB] =	sst s3  }
0xc: {  	[smem:$0x3FAC] =	sst s4  }
0xd: {  	[smem:$0x3FAD] =	sst s5  }
0xe: {  	[smem:$0x3FAE] =	sst s6  }
0xf: {  	[smem:$0x3FAF] =	sst s7  }
0x10: {  	[smem:$0x3FB0] =	sst s8  }
0x11: {  	[smem:$0x3FB1] =	sst s9;
	s0 =	simm.s32 @!p0 $0x0  }
0x12: {  	s1 =	sld [smem:$0x3F97];
	s0 =	simm.s32 @p0 $0x1  }
0x13: {  	[smem:$0x3FB2] =	sst s0;
	s0 =	simm.s32 @!p1 $0x0  }
0x14: {  	s2 =	sld [smem:$0x3F96];
	s0 =	simm.s32 @p1 $0x1  }
0x15: {  	[smem:$0x3FB3] =	sst s0;
	s0 =	simm.s32 @!p2 $0x0  }
0x16: {  	s3 =	sld [smem:$0x3FDB];
	s0 =	simm.s32 @p2 $0x1  }
0x17: {  	s4 =	simm.s32 $0x1BF5;
	[smem:$0x3FB5] =	sst s0  }
0x18: {  	s0 =	sld [smem:$0x3F98];
	_ =	swait.ge [sflag:s4], $0x0  }
0x19: {  	s7 =	sld [smem:$0x3F99]  }
0x1a: {  	s8 =	sadd.s32 $0xFFFFE003, lr  }
0x1b: {  	s9 =	sadd.s32 $0xFFFFFEF7, lr;
	s5 =	simm.s32 $0xFFFFFFFF;
	p2 =	slt.u32 s8, $0xFFFFF086  }
0x1c: {  	p1 =	slt.u32 s9, $0xF7A;
	s5 =	simm.s32 @!p2 $0x0  }
0x1d: {  	s5 =	simm.s32 @p1 $0x1;
	p0 =	seq.s32 s7, s2  }
0x1e: {  	s7 =	smul.u32 @!p0 $0xF7A, s2;
	p2 =	seq.s32 @!p0 s5, $0x0  }
0x1f: {  	s9 =	smul.u32 $0xF7A, s1;
	s8 =	simm.s32 @!p0 $0x1BF5;
	p2 =	por !p2, p0  }
0x20: {  	[sflag:s8] =	ssyncset.s32 @!p0 $0xFFFFF086;
	s6 =	sadd.s32 @!p0 s3, s7;
	s7 =	simm.s32 @!p0 $0x108  }
0x21: {  	s3 =	sadd.s32 s3, s9;
	s6 =	sadd.s32 @!p0 $0x88, s6;
	s7 =	simm.s32 @p2 $0x1082  }
0x22: {  	[simem:s7], [sflag:s8] =	dma.local @!p0 [hbm:s6], $0xF7A  }
0x23: {  	s9 =	sor.u32 $0xD0000000, s2;
	s6 =	simm.s32 $0x108;
	_ =	swait.ge @!p0 [sflag:s8], $0x0  }
0x24: {  	s3 =	sadd.s32 $0x88, s3;
	s6 =	simm.s32 @!p1 $0x1082;
	[sflag:s4] =	ssyncset.s32 $0xFFFFF086  }
0x25: {  	[simem:s6], [sflag:s4] =	dma.local [hbm:s3], $0xF7A  }
0x26: {  	[smem:$0x3F99] =	sst s1;
	(tag) =	ssettag s2;
	_ =	strace s9  }
0x27: {  	s1 =	sld [smem:$0x3FA9]  }
0x28: {  	s2 =	sld [smem:$0x3FAA]  }
0x29: {  	s4 =	sld [smem:$0x3FAC]  }
0x2a: {  	p0 =	seq.s32 s5, $0x0;
	s5 =	sld [smem:$0x3FAD]  }
0x2b: {  	s6 =	sld [smem:$0x3FAE]  }
0x2c: {  	s7 =	sld [smem:$0x3FAF]  }
0x2d: {  	s3 =	simm.s32 $0x108;
	s8 =	sld [smem:$0x3FB0]  }
0x2e: {  	s3 =	simm.s32 @!p0 $0x1082;
	s9 =	sld [smem:$0x3FB1]  }
0x2f: {  	lr =	sadd.s32 s0, s3;
	s0 =	sld [smem:$0x3FA8]  }
0x30: {  	s3 =	sld [smem:$0x3FAB]  }
0x31: {  	[smem:$0x3FB4] =	sst s10  }
0x32: {  	s10 =	sld [smem:$0x3FB2];
	_ =	sdelay $0x3  }
0x33: {  	p0 =	seq.s32 s10, $0x1;
	s10 =	sld [smem:$0x3FB4];
	_ =	sdelay $0x3  }
0x34: {  	[smem:$0x3FB4] =	sst s10  }
0x35: {  	s10 =	sld [smem:$0x3FB3];
	_ =	sdelay $0x3  }
0x36: {  	p1 =	seq.s32 s10, $0x1;
	s10 =	sld [smem:$0x3FB4];
	_ =	sdelay $0x3  }
0x37: {  	[smem:$0x3FB4] =	sst s10  }
0x38: {  	s10 =	sld [smem:$0x3FB5]  }
0x39: {  	_ = 	snop;
	(pc) =	sbr.ind lr, $3  }
0x3a: {  	_ = 	snop  }
0x3b: {  	_ = 	snop  }
0x3c: {  	p2 =	seq.s32 s10, $0x1;
	s10 =	sld [smem:$0x3FB4]  }
0x3d: {  	_ =	shalt  }
0x3e: {  	_ =	shalt  }
0x3f: {  	_ =	shalt  }
0x40: {  	_ =	shalt  }
0x41: {  	_ =	shalt  }
0x42: {  	_ =	shalt  }
0x43: {  	_ =	shalt  }
0x44: {  	_ =	shalt  }
0x45: {  	_ =	shalt  }
0x46: {  	_ =	shalt  }
0x47: {  	_ =	shalt  }
0x48: {  	_ =	shalt  }
0x49: {  	_ =	shalt  }
0x4a: {  	_ =	shalt  }
0x4b: {  	_ =	shalt  }
0x4c: {  	_ =	shalt  }
0x4d: {  	_ =	shalt  }
0x4e: {  	_ =	shalt  }
0x4f: {  	_ =	shalt  }
0x50: {  	_ =	shalt  }
0x51: {  	_ =	shalt  }
0x52: {  	_ =	shalt  }
0x53: {  	_ =	shalt  }
0x54: {  	_ =	shalt  }
0x55: {  	_ =	shalt  }
0x56: {  	_ =	shalt  }
0x57: {  	_ =	shalt  }
0x58: {  	_ =	shalt  }
0x59: {  	_ =	shalt  }
0x5a: {  	_ =	shalt  }
0x5b: {  	_ =	shalt  }
0x5c: {  	_ =	shalt  }
0x5d: {  	_ =	shalt  }
0x5e: {  	_ =	shalt  }
0x5f: {  	_ =	shalt  }
0x60: {  	_ =	shalt  }
0x61: {  	_ =	shalt  }
0x62: {  	_ =	shalt  }
0x63: {  	_ =	shalt  }
0x64: {  	_ =	shalt  }
0x65: {  	_ =	shalt  }
0x66: {  	_ =	shalt  }
0x67: {  	_ =	shalt  }
0x68: {  	_ =	shalt  }
0x69: {  	_ =	shalt  }
0x6a: {  	_ =	shalt  }
0x6b: {  	_ =	shalt  }
0x6c: {  	_ =	shalt  }
0x6d: {  	_ =	shalt  }
0x6e: {  	_ =	shalt  }
0x6f: {  	_ =	shalt  }
0x70: {  	_ =	shalt  }
0x71: {  	_ =	shalt  }
0x72: {  	_ =	shalt  }
0x73: {  	_ =	shalt  }
0x74: {  	_ =	shalt  }
0x75: {  	_ =	shalt  }
0x76: {  	_ =	shalt  }
0x77: {  	_ =	shalt  }
0x78: {  	_ =	shalt  }
0x79: {  	_ =	shalt  }
0x7a: {  	_ =	shalt  }
0x7b: {  	_ =	shalt  }
0x7c: {  	_ =	shalt  }
0x7d: {  	_ =	shalt  }
0x7e: {  	_ =	shalt  }
0x7f: {  	_ =	shalt  }
0x80: {  	_ =	shalt  }
0x81: {  	_ =	shalt  }
0x82: {  	_ =	shalt  }
0x83: {  	_ =	shalt  }
0x84: {  	_ =	shalt  }
0x85: {  	_ =	shalt  }
0x86: {  	_ =	shalt  }
0x87: {  	_ =	shalt  }
.Lfunc_end0:
.L_simem_size_0:
called_computation_lowered:
.L_overlay_start_0:
0x88: {  	s2 =	sld [smem:$0x3FD9]  }
0x89: {  	s3 =	sld [smem:$0x3FFE];
	_ =	sdelay $0x1  }
0x8a: {  	s1 =	srdreg.scid  }
0x8b: {  	s0 =	sand.u32 $0x1, s1  }
0x8c: {  	s17 =	sshll.u32 s0, $0xA;
	s2 =	sadd.s32 s3, s2  }
0x8d: {  	s2 =	sadd.s32 s2, s17  }
0x8e: {  	[smem:$0x3FC0] =	sst s2  }
0x8f: {  	_ = 	snop  }
0x90: {  	s2 =	sld [smem:$0x3FD0];
	(tm) =	ssettm $0x1  }
0x91: {  	s18 =	sld [smem:$0x3FFB];
	_ =	sdelay $0x3  }
0x92: {  	_ =	strace s18  }
0x93: {  	s3 =	sld [smem:$0x3FFC];
	_ =	sdelay $0x3  }
0x94: {  	_ =	strace s3  }
0x95: {  	s3 =	sld [smem:$0x3FFD];
	_ =	sdelay $0x3  }
0x96: {  	_ =	strace s3  }
0x97: {  	_ =	strace $0x8FFFFFFF  }
0x98: {  	s19 =	sld [smem:$0x3FDB];
	_ =	sdelay $0x1  }
0x99: {  	s4 =	simm.s32 $_scs_section_size  }
0x9a: {  	s5 =	simm.s32 $_size__tile_overlayer_lowered;
	s6 =	simm.s32 $_tile_overlayer_lowered  }
0x9b: {  	s22 =	simm.s32 $0x1BFF;
	s21 =	sshll.u32 s6, $0x1;
	s3 =	sadd.s32 s4, s19  }
0x9c: {  	s7 =	simm.s32 $0x0;
	s20 =	sshll.u32 s5, $0x1;
	s5 =	sadd.s32 s21, s3  }
0x9d: {  	[timem:s7], [sflag:s22] =	dma.local [hbm:s5], s20  }
0x9e: {  	_ =	swait.ge [sflag:s22], s20  }
0x9f: {  	s4 =	ssub.s32 $0x0, s20;
	[sflag:s22] =	ssyncset.done $0x0  }
0xa0: {  	[sflag:s22] =	ssyncadd.s32 s4;
	_ =	sdelay $0x1  }
0xa1: {  	s23 =	simm.s32 $0x1B8B  }
0xa2: {  	_ =	swait.ge [sflag:s23], $0x1  }
0xa3: {  	[sflag:s23] =	ssyncset.done $0x0  }
0xa4: {  	s25 =	simm.s32 $0x1B8E;
	s24 =	sld [smem:$0x3FFE];
	[sflag:s23] =	ssyncadd.s32 $0xFFFFFFFF  }
0xa5: {  	s26 =	simm.s32 $execute0_lowered;
	[smem:$0x3FD2] =	sst s25  }
0xa6: {  	s5 =	sshll.u32 s26, $0x1;
	_ =	strace $0x80000046;
	[dreg:$0x1] =	wrdreg $0xFFFFFFFF  }
0xa7: {  	s28 =	simm.s32 $_size_execute0_lowered;
	s3 =	sadd.s32 s3, s5;
	[dreg:$0x0] =	wrdreg $0x0  }
0xa8: {  	s5 =	sshll.u32 s28, $0x1;
	[dreg:$0x2] =	wrdreg s3  }
0xa9: {  	[dreg:$0x3] =	wrdreg s5  }
0xaa: {  	[dreg:$0x4] =	wrdreg $0xC0  }
0xab: {  	_ =	task [dreg:s7], $0x5FFFF  }
0xac: {  	[dreg:$0x1] =	wrdreg $0xFFFFFFFF  }
0xad: {  	[dreg:$0x0] =	wrdreg $0x60  }
0xae: {  	[dreg:$0x2] =	wrdreg s24  }
0xaf: {  	[dreg:$0x3] =	wrdreg s2  }
0xb0: {  	[dreg:$0x4] =	wrdreg $0x0  }
0xb1: {  	[dreg:$0x5] =	wrdreg $0x109000  }
0xb2: {  	[dreg:$0x6] =	wrdreg $0x9  }
0xb3: {  	_ =	task.clear_ibuf [dreg:s7], $0x7FFFF;
	_ =	strace $0x90000046  }
0xb4: {  	s29 =	simm.s32 $0x9;
	_ =	strace $0x80000048  }
0xb5: {  	_ =	swait.ge [sflag:s29], $0x1  }
0xb6: {  	[sflag:s29] =	ssyncadd.s32 $0xFFFFFFFF  }
0xb7: {  	_ =	strace $0x90000048  }
0xb8: {  	_ =	sfence  }
0xb9: {  	s30 =	sld [smem:$0x0];
	_ =	sdelay $0x2  }
0xba: {  	s31 =	sshll.u32 s1, $0xD;
	s1 =	sshrl.u32 s1, $0x2  }
0xbb: {  	s3 =	sand.u32 $0x4000, s31;
	s1 =	sadd.s32 s1, s30  }
0xbc: {  	s0 =	sor.u32 s3, s0;
	s1 =	sshll.u32 s1, $0x11  }
0xbd: {  	s0 =	sor.u32 s1, s0  }
0xbe: {  	s0 =	sadd.s32 $0x8F2B, s0  }
0xbf: {  	[sflag:s0] =	ssyncadd.remote.s32 $0x1  }
0xc0: {  	_ =	sfence.sel $0xFFFF  }
0xc1: {  	[dreg:$0x0] =	wrdreg $0xFFFFFFFF;
	(pc) =	sbr.abs _section_cstart, $3  }
0xc2: {  	[dreg:$0x1] =	wrdreg $0xFFFFFFFF  }
0xc3: {  	_ =	task.clear_ibuf [dreg:s7], $0x2FFFF;
	_ =	strace $0x9FFFFFFF  }
0xc4: {  	(tm) =	ssettm $0x7FFFFFFF  }
0xc5: {  	_ =	shalt  }
tec
execute0_lowered:
.L_overlay_start_1:
0x0: {  	(tag) =	ssettag $0x1  }
0x1: {  	s14 =	stileid.u32  }
0x2: {  	s0 =	rddreg [dreg:$0x0];
	s7 =	smul.u32 $0x280, s14  }
0x3: {  	s1 =	rddreg [dreg:$0x1];
	s8 =	smul.u32 $0xA00, s14  }
0x4: {  	s2 =	rddreg [dreg:$0x2];
	s11 =	smul.u32 $0x28000, s14  }
0x5: {  	s4 =	srdreg.scid;
	s13 =	smul.u32 $0xA000, s14  }
0x6: {  	s3 =	rddreg [dreg:$0x3];
	s29 =	smul.u32 $0x5000, s14  }
0x7: {  	s6 =	sand.u32 $0x1, s4;
	s4 =	simm.s32 $0x0;
	s30 =	smul.u32 $0x500, s14  }
0x8: {  	s5 =	smul.u32 $0x2800, s6;
	[smem:$0x7FF] =	sst s4;
	s10 =	ssub.s32 $0x2, s6  }
0x9: {  	s25 =	smul.u32 $0x50000, s6;
	_ =	strace $0x80000047;
	s8 =	sadd.s32 s8, s0  }
0xa: {  	s12 =	sshrl.u32 s10, $0x1;
	s11 =	sshrl.u32 s11, $0x2;
	s28 =	sshrl.u32 s13, $0x2  }
0xb: {  	s31 =	sadd.s32 $0x80, s7;
	s20 =	sadd.s32 $0x180, s7;
	s13 =	simm.s32 $0xA180  }
0xc: {  	s9 =	sadd.s32 s5, s7;
	s5 =	sadd.s32 $0x1E00, s0;
	s10 =	ssub.s32 s10, s12  }
0xd: {  	s24 =	sadd.s32 s11, s2;
	s26 =	sadd.s32 s28, s3;
	[dreg:$0xa] =	wrdreg s13  }
0xe: {  	s16 =	sshll.u32 s31, $0x6;
	s12 =	sadd.s32 s29, s25;
	[dreg:$0xb] =	wrdreg s24  }
0xf: {  	s9 =	sshll.u32 s9, $0x3;
	s10 =	smax.u32 s10, $0x1;
	[dreg:$0xc] =	wrdreg s26  }
0x10: {  	s12 =	sshrl.u32 s12, $0x3;
	[dreg:$0xd] =	wrdreg s10;
	s10 =	sadd.s32 s16, s2  }
0x11: {  	s9 =	sadd.s32 s9, s0;
	s1 =	sadd.s32 s12, s1;
	[dreg:$0x10] =	wrdreg s10  }
0x12: {  	s0 =	sadd.s32 $0x5BE00, s0;
	s15 =	sadd.s32 $0x33E00, s9;
	[dreg:$0x5] =	wrdreg s1  }
0x13: {  	s14 =	sshll.u32 s31, $0x1;
	s11 =	sadd.s32 s0, s30;
	[dreg:$0xe] =	wrdreg s15  }
0x14: {  	s21 =	sshll.u32 s20, $0x1;
	s14 =	sadd.s32 s0, s14;
	[dreg:$0xf] =	wrdreg s11  }
0x15: {  	s22 =	sadd.s32 s0, s21;
	[dreg:$0x11] =	wrdreg s14  }
0x16: {  	s17 =	sadd.s32 $0x100, s7;
	s28 =	sadd.s32 $0x34200, s9;
	[dreg:$0x13] =	wrdreg s22  }
0x17: {  	s18 =	sshll.u32 s31, $0x4;
	s29 =	sadd.s32 $0x34600, s9;
	[dreg:$0x15] =	wrdreg s28  }
0x18: {  	s31 =	sshll.u32 s17, $0x4;
	s30 =	sadd.s32 $0x29E00, s8;
	[dreg:$0x18] =	wrdreg s29  }
0x19: {  	s1 =	sadd.s32 s31, s3;
	[dreg:$0x6] =	wrdreg s30  }
0x1a: {  	p0 =	sne.s32 s6, $0x0;
	s8 =	simm.s32 $0xA400;
	[dreg:$0x19] =	wrdreg s1  }
0x1b: {  	s6 =	simm.s32 $0x0;
	s10 =	simm.s32 $0xA080;
	[dreg:$0x7] =	wrdreg s8  }
0x1c: {  	s7 =	sadd.s32 $0x200, s7;
	s21 =	sadd.s32 $0x2000, s24;
	[dreg:$0x8] =	wrdreg s10  }
0x1d: {  	s25 =	sshll.u32 s17, $0x6;
	s31 =	sadd.s32 $0x2000, s26;
	[smem:$0x7F6] =	sst s21  }
0x1e: {  	s12 =	sshll.u32 s20, $0x6;
	s11 =	sadd.s32 s18, s3;
	[smem:$0x7FD] =	sst s31  }
0x1f: {  	s13 =	simm.s32 $0xA000;
	s1 =	sadd.s32 s12, s2;
	[dreg:$0x16] =	wrdreg s11  }
0x20: {  	s23 =	sshll.u32 s7, $0x1;
	s18 =	sadd.s32 $0x34A00, s9;
	[dreg:$0x1a] =	wrdreg s1  }
0x21: {  	s16 =	sshll.u32 s7, $0x6;
	s22 =	sadd.s32 $0x4000, s24;
	[dreg:$0x1d] =	wrdreg s18  }
0x22: {  	s15 =	sshll.u32 s17, $0x1;
	s28 =	sadd.s32 $0x800, s26;
	[smem:$0x7F7] =	sst s22  }
0x23: {  	s29 =	sadd.s32 $0x1000, s26;
	s30 =	sadd.s32 $0x1800, s26;
	[smem:$0x7FA] =	sst s28  }
0x24: {  	s8 =	simm.s32 $0xE900;
	s14 =	simm.s32 $0x5;
	[smem:$0x7FB] =	sst s29  }
0x25: {  	s21 =	simm.s32 $0xA280;
	s19 =	sadd.s32 s0, s15;
	[smem:$0x7FC] =	sst s30  }
0x26: {  	s0 =	sadd.s32 s0, s23;
	s11 =	simm.s32 $0xA100;
	[dreg:$0x12] =	wrdreg s19  }
0x27: {  	s15 =	sshll.u32 s20, $0x4;
	s20 =	sshll.u32 s7, $0x4;
	[dreg:$0x14] =	wrdreg s0  }
0x28: {  	s23 =	sadd.s32 $0x6000, s24;
	s7 =	simm.s32 $0x4;
	[dreg:$0x9] =	wrdreg s11  }
0x29: {  	s18 =	simm.s32 $0x1;
	s0 =	sadd.s32 s25, s2;
	[smem:$0x7F8] =	sst s23  }
0x2a: {  	s22 =	simm.s32 $0xA300;
	s17 =	sadd.s32 s15, s3;
	[dreg:$0x17] =	wrdreg s0  }
0x2b: {  	s19 =	sadd.s32 $0x34E00, s9;
	s25 =	sadd.s32 $0x8000, s24;
	[dreg:$0x1b] =	wrdreg s17  }
0x2c: {  	s15 =	simm.s32 $0x80;
	s23 =	simm.s32 $0xA380;
	[dreg:$0x1e] =	wrdreg s19  }
0x2d: {  	s0 =	sadd.s32 s16, s2;
	[smem:$0x7F9] =	sst s25;
	s16 =	simm.s32 $0xA900  }
0x2e: {  	s17 =	simm.s32 $0xC900;
	[dreg:$0x1c] =	wrdreg s0;
	s0 =	sadd.s32 s20, s3  }
0x2f: {  	v0 =	vimm.f32 $0.0e+00;
	v1 =	vimm.f32 $1.000000000e+00;
	s19 =	simm.s32 $0xA800;
	s20 =	simm.s32 $0xA200;
	[dreg:$0x1f] =	wrdreg s0  }
.LBB2_1:
0x30: {  	[smem:$0x7F5] =	sst s6;
	s1 =	simm.s32 $0x100;
	s0 =	simm.s32 $0x0  }
.LBB2_2:
0x31: {  	p1 =	sne.s32 s1, $0x7F00;
	[tilespmem:s0+$0xE930] =	vst v0;
	s6 =	smov.u32 s1;
	s1 =	sadd.s32 $0x100, s1  }
.Ltmp0:
0x32: {  	[tilespmem:s0+$0xE920] =	vst v0;
	(pc) =	sbr.rel @p1 .LBB2_2-.Ltmp0, $3  }
0x33: {  	[tilespmem:s0+$0xE900] =	vst v0  }
0x34: {  	[tilespmem:s0+$0xE910] =	vst v0;
	_ =	sdelay $0x1  }
0x35: {  	s0 =	sshra.s32 s6, $0x2  }
0x36: {  	[tilespmem:s0+$0xE930] =	vst v0  }
0x37: {  	[tilespmem:s0+$0xE920] =	vst v0  }
0x38: {  	[tilespmem:s0+$0xE900] =	vst v0  }
0x39: {  	[tilespmem:s0+$0xE910] =	vst v0  }
0x3a: {  	[spmem:s24] =	stream.linear.scatter [tilespmem:s8], [sflag:$0x4], $0x2000, $0x38;
	[tilespmem:$0x14100] =	vst v63  }
0x3b: {  	_ =	swait.ge [sflag:s7], $0x2000  }
0x3c: {  	s28 =	sld [smem:$0x7F6]  }
0x3d: {  	[sflag:s7] =	ssyncset.done $0x0  }
0x3e: {  	[sflag:s7] =	ssyncadd.s32 $0xFFFFE000  }
0x3f: {  	[spmem:s28] =	stream.linear.scatter [tilespmem:s8], [sflag:$0x4], $0x2000, $0x38;
	[tilespmem:$0x14100] =	vst v63  }
0x40: {  	_ =	swait.ge [sflag:s7], $0x2000  }
0x41: {  	s29 =	sld [smem:$0x7F7]  }
0x42: {  	[sflag:s7] =	ssyncset.done $0x0  }
0x43: {  	[sflag:s7] =	ssyncadd.s32 $0xFFFFE000  }
0x44: {  	[spmem:s29] =	stream.linear.scatter [tilespmem:s8], [sflag:$0x4], $0x2000, $0x38;
	[tilespmem:$0x14100] =	vst v63  }
0x45: {  	_ =	swait.ge [sflag:s7], $0x2000  }
0x46: {  	s30 =	sld [smem:$0x7F8]  }
0x47: {  	[sflag:s7] =	ssyncset.done $0x0  }
0x48: {  	[sflag:s7] =	ssyncadd.s32 $0xFFFFE000  }
0x49: {  	[spmem:s30] =	stream.linear.scatter [tilespmem:s8], [sflag:$0x4], $0x2000, $0x38;
	[tilespmem:$0x14100] =	vst v63  }
0x4a: {  	_ =	swait.ge [sflag:s7], $0x2000  }
0x4b: {  	s31 =	sld [smem:$0x7F9]  }
0x4c: {  	[sflag:s7] =	ssyncset.done $0x0  }
0x4d: {  	[sflag:s7] =	ssyncadd.s32 $0xFFFFE000  }
0x4e: {  	[spmem:s31] =	stream.linear.scatter [tilespmem:s8], [sflag:$0x4], $0x2000, $0x38;
	[tilespmem:$0x14100] =	vst v63  }
0x4f: {  	_ =	swait.ge [sflag:s7], $0x2000  }
0x50: {  	[sflag:s7] =	ssyncset.done $0x0  }
0x51: {  	s0 =	simm.s32 $0x40;
	s1 =	simm.s32 $0x0;
	[sflag:s7] =	ssyncadd.s32 $0xFFFFE000  }
.LBB2_4:
0x52: {  	p1 =	seq.s32 s0, $0x1FC0;
	[tilespmem:s1+$0x13900] =	vst v0;
	s1 =	smov.u32 s0;
	s0 =	sadd.s32 $0x40, s0  }
.Ltmp1:
0x53: {  	(pc) =	sbr.rel @!p1 .LBB2_4-.Ltmp1, $2  }
0x54: {  	_ =	sdelay $0x2  }
0x55: {  	s1 =	sshra.s32 s1, $0x2  }
0x56: {  	[tilespmem:s1+$0x13900] =	vst v0;
	s28 =	simm.s32 $0x13900  }
0x57: {  	[spmem:s26] =	stream.linear.scatter [tilespmem:s28], [sflag:$0x4], $0x800, $0x38;
	[tilespmem:$0x14100] =	vst v63  }
0x58: {  	_ =	swait.ge [sflag:s7], $0x800  }
0x59: {  	s0 =	sld [smem:$0x7FA]  }
0x5a: {  	[sflag:s7] =	ssyncset.done $0x0  }
0x5b: {  	[sflag:s7] =	ssyncadd.s32 $0xFFFFF800  }
0x5c: {  	[spmem:s0] =	stream.linear.scatter [tilespmem:s28], [sflag:$0x4], $0x800, $0x38;
	[tilespmem:$0x14100] =	vst v63  }
0x5d: {  	_ =	swait.ge [sflag:s7], $0x800  }
0x5e: {  	s29 =	sld [smem:$0x7FB]  }
0x5f: {  	[sflag:s7] =	ssyncset.done $0x0  }
0x60: {  	[sflag:s7] =	ssyncadd.s32 $0xFFFFF800  }
0x61: {  	[spmem:s29] =	stream.linear.scatter [tilespmem:s28], [sflag:$0x4], $0x800, $0x38;
	[tilespmem:$0x14100] =	vst v63  }
0x62: {  	_ =	swait.ge [sflag:s7], $0x800  }
0x63: {  	s30 =	sld [smem:$0x7FC]  }
0x64: {  	[sflag:s7] =	ssyncset.done $0x0  }
0x65: {  	[sflag:s7] =	ssyncadd.s32 $0xFFFFF800  }
0x66: {  	[spmem:s30] =	stream.linear.scatter [tilespmem:s28], [sflag:$0x4], $0x800, $0x38;
	[tilespmem:$0x14100] =	vst v63  }
0x67: {  	_ =	swait.ge [sflag:s7], $0x800  }
0x68: {  	s31 =	sld [smem:$0x7FD]  }
0x69: {  	[sflag:s7] =	ssyncset.done $0x0  }
0x6a: {  	[sflag:s7] =	ssyncadd.s32 $0xFFFFF800  }
0x6b: {  	[spmem:s31] =	stream.linear.scatter [tilespmem:s28], [sflag:$0x4], $0x800, $0x38;
	[tilespmem:$0x14100] =	vst v63  }
0x6c: {  	_ =	swait.ge [sflag:s7], $0x800  }
0x6d: {  	[sflag:s7] =	ssyncset.done $0x0  }
0x6e: {  	s1 =	simm.s32 $0x0;
	s0 =	simm.s32 $0x40;
	[sflag:s7] =	ssyncadd.s32 $0xFFFFF800  }
.LBB2_6:
0x6f: {  	p1 =	sne.s32 s0, $0x1FC0;
	[tilespmem:s1+$0x13100] =	vst v1;
	s1 =	smov.u32 s0;
	s0 =	sadd.s32 $0x40, s0  }
.Ltmp2:
0x70: {  	(pc) =	sbr.rel @p1 .LBB2_6-.Ltmp2, $2  }
0x71: {  	_ =	sdelay $0x2  }
0x72: {  	s1 =	sshra.s32 s1, $0x2  }
0x73: {  	[tilespmem:s1+$0x13100] =	vst v1  }
0x74: {  	s26 =	simm.s32 $0x0;
	[bflag:$0x0] =	sbarrier.arrive $0xFFFF  }
.LBB2_8:
0x75: {  	s0 =	rddreg [dreg:$0x5]  }
0x76: {  	s0 =	sadd.s32 s26, s0  }
0x77: {  	[tilespmem:s13], [sflag:$0x5] =	stream.linear.gather [hbm4b:s0+s4], $0x400, $0x38;
	[tilespmem:$0x14100] =	vst v63  }
0x78: {  	_ =	swait.ge [sflag:s14], $0x400  }
0x79: {  	s30 =	rddreg [dreg:$0x6];
	[sflag:s14] =	ssyncset.done $0x0  }
0x7a: {  	s1 =	rddreg [dreg:$0x7];
	[sflag:s14] =	ssyncadd.s32 $0xFFFFFC00;
	s0 =	sadd.s32 s26, s30  }
0x7b: {  	[tilespmem:s1], [sflag:$0x5] =	stream.linear.gather [hbm4b:s0+s4], $0x400, $0x38;
	[tilespmem:$0x14100] =	vst v63  }
0x7c: {  	_ =	swait.ge [sflag:s14], $0x400  }
0x7d: {  	[sflag:s14] =	ssyncset.done $0x0  }
0x7e: {  	[sflag:s14] =	ssyncadd.s32 $0xFFFFFC00  }
0x7f: {  	v2 =	vld [tilespmem:$0xA400]  }
0x80: {  	v3 =	vld [tilespmem:$0xA410]  }
0x81: {  	v4 =	vld [tilespmem:$0xA420]  }
0x82: {  	v5 =	vld [tilespmem:$0xA430]  }
0x83: {  	v6 =	vld [tilespmem:$0xA440]  }
0x84: {  	v35 =	vld [tilespmem:$0xA470];
	[tilespmem:$0xA800] =	vst v2  }
0x85: {  	v2 =	vld [tilespmem:$0xA450];
	[tilespmem:$0xA810] =	vst v3  }
0x86: {  	v3 =	vld [tilespmem:$0xA460];
	[tilespmem:$0xA820] =	vst v4  }
0x87: {  	[tilespmem:$0xA830] =	vst v5  }
0x88: {  	[tilespmem:$0xA840] =	vst v6  }
0x89: {  	[tilespmem:$0xA870] =	vst v35  }
0x8a: {  	[tilespmem:$0xA850] =	vst v2  }
0x8b: {  	[tilespmem:$0xA860] =	vst v3  }
0x8c: {  	[tilespmem:s16], [sflag:$0x1] =	stream.indirect.gather [hbm4b:s5+s15], $0x40, s13, s15, $0xb8;
	[tilespmem:$0x14100] =	vst v63  }
0x8d: {  	v2 =	vld [tilespmem:$0xA480]  }
0x8e: {  	v3 =	vld [tilespmem:$0xA490]  }
0x8f: {  	v36 =	vld [tilespmem:$0xA4A0]  }
0x90: {  	v37 =	vld [tilespmem:$0xA4B0]  }
0x91: {  	v38 =	vld [tilespmem:$0xA4C0]  }
0x92: {  	v39 =	vld [tilespmem:$0xA4F0];
	[tilespmem:$0xA880] =	vst v2  }
0x93: {  	v2 =	vld [tilespmem:$0xA4D0];
	[tilespmem:$0xA890] =	vst v3  }
0x94: {  	v3 =	vld [tilespmem:$0xA4E0];
	[tilespmem:$0xA8A0] =	vst v36  }
0x95: {  	[tilespmem:$0xA8B0] =	vst v37  }
0x96: {  	[tilespmem:$0xA8C0] =	vst v38  }
0x97: {  	[tilespmem:$0xA8F0] =	vst v39  }
0x98: {  	[tilespmem:$0xA8D0] =	vst v2  }
0x99: {  	s31 =	rddreg [dreg:$0x8];
	[tilespmem:$0xA8E0] =	vst v3  }
0x9a: {  	[tilespmem:s17], [sflag:$0x2] =	stream.indirect.gather [hbm4b:s5+s15], $0x40, s31, s15, $0xb8;
	[tilespmem:$0x14100] =	vst v63  }
0x9b: {  	_ =	swait.ge [sflag:s18], $0x2000  }
0x9c: {  	[sflag:s18] =	ssyncset.done $0x0  }
0x9d: {  	s30 =	simm.s32 @p0 $0x2;
	[sflag:s18] =	ssyncadd.s32 $0xFFFFE000  }
0x9e: {  	[spmem:s2] =	stream.indirect.scatter.add.f32 [tilespmem:s16], [sflag:$0x3], $0x40, s19, s15, $0xb8;
	[tilespmem:$0x14100] =	vst v63  }
0x9f: {  	_ =	swait.ge @p0 [sflag:s30], $0x2000  }
0xa0: {  	[sflag:s30] =	ssyncset.done @p0 $0x0  }
0xa1: {  	s31 =	simm.s32 @p0 $0x3;
	[sflag:s30] =	ssyncadd.s32 @p0 $0xFFFFE000  }
0xa2: {  	_ =	swait.ge @p0 [sflag:s31], $0x2000  }
0xa3: {  	s9 =	simm.s32 @p0 $0xC900;
	s8 =	simm.s32 @p0 $0x5;
	[sflag:s31] =	ssyncset.done @p0 $0x0  }
0xa4: {  	s1 =	simm.s32 @p0 $0x80;
	s0 =	simm.s32 @p0 $0xA880;
	[sflag:s31] =	ssyncadd.s32 @p0 $0xFFFFE000  }
0xa5: {  	[spmem:s2] =	stream.indirect.scatter.add.f32 @p0 [tilespmem:s9], [sflag:$0x5], $0x40, s0, s1, $0xb8;
	[tilespmem:$0x14100] =	vst v63  }
0xa6: {  	_ =	swait.ge @p0 [sflag:s8], $0x2000  }
0xa7: {  	s28 =	simm.s32 @!p0 $0x80;
	s6 =	simm.s32 @!p0 $0xA800;
	[sflag:s8] =	ssyncset.done @p0 $0x0  }
0xa8: {  	s29 =	simm.s32 @!p0 $0x13100;
	s25 =	simm.s32 @!p0 $0x5;
	[sflag:s8] =	ssyncadd.s32 @p0 $0xFFFFE000  }
0xa9: {  	[spmem:s3] =	stream.indirect.scatter.add.f32 @!p0 [tilespmem:s29], [sflag:$0x5], $0x10, s6, s28, $0xb8;
	[tilespmem:$0x14100] =	vst v63  }
0xaa: {  	_ =	swait.ge @!p0 [sflag:s25], $0x800  }
0xab: {  	[sflag:s25] =	ssyncset.done @!p0 $0x0  }
0xac: {  	s7 =	simm.s32 @!p0 $0x2;
	[sflag:s25] =	ssyncadd.s32 @!p0 $0xFFFFF800  }
0xad: {  	_ =	swait.ge @!p0 [sflag:s7], $0x2000  }
0xae: {  	[sflag:s7] =	ssyncset.done @!p0 $0x0  }
0xaf: {  	s24 =	simm.s32 @!p0 $0x3;
	[sflag:s7] =	ssyncadd.s32 @!p0 $0xFFFFE000  }
0xb0: {  	_ =	swait.ge @!p0 [sflag:s24], $0x2000  }
0xb1: {  	[sflag:s24] =	ssyncset.done @!p0 $0x0  }
0xb2: {  	s12 =	simm.s32 @!p0 $0xA880;
	s10 =	simm.s32 @!p0 $0xC900;
	[sflag:s24] =	ssyncadd.s32 @!p0 $0xFFFFE000  }
0xb3: {  	[spmem:s2] =	stream.indirect.scatter.add.f32 @!p0 [tilespmem:s10], [sflag:$0x5], $0x40, s12, s28, $0xb8;
	[tilespmem:$0x14100] =	vst v63  }
0xb4: {  	_ =	swait.ge @!p0 [sflag:s25], $0x2000  }
0xb5: {  	[sflag:s25] =	ssyncset.done @!p0 $0x0  }
0xb6: {  	[sflag:s25] =	ssyncadd.s32 @!p0 $0xFFFFE000  }
0xb7: {  	[spmem:s3] =	stream.indirect.scatter.add.f32 @!p0 [tilespmem:s29], [sflag:$0x5], $0x10, s12, s28, $0xb8;
	[tilespmem:$0x14100] =	vst v63  }
0xb8: {  	_ =	swait.ge @!p0 [sflag:s25], $0x800  }
0xb9: {  	[sflag:s25] =	ssyncset.done @!p0 $0x0  }
0xba: {  	[sflag:s25] =	ssyncadd.s32 @!p0 $0xFFFFF800  }
0xbb: {  	v2 =	vld [tilespmem:$0xA500]  }
0xbc: {  	v3 =	vld [tilespmem:$0xA510]  }
0xbd: {  	v40 =	vld [tilespmem:$0xA520]  }
0xbe: {  	v41 =	vld [tilespmem:$0xA530]  }
0xbf: {  	v42 =	vld [tilespmem:$0xA540]  }
0xc0: {  	v43 =	vld [tilespmem:$0xA570];
	[tilespmem:$0xA800] =	vst v2  }
0xc1: {  	v2 =	vld [tilespmem:$0xA550];
	[tilespmem:$0xA810] =	vst v3  }
0xc2: {  	v3 =	vld [tilespmem:$0xA560];
	[tilespmem:$0xA820] =	vst v40  }
0xc3: {  	[tilespmem:$0xA830] =	vst v41  }
0xc4: {  	[tilespmem:$0xA840] =	vst v42  }
0xc5: {  	[tilespmem:$0xA870] =	vst v43  }
0xc6: {  	[tilespmem:$0xA850] =	vst v2  }
0xc7: {  	s11 =	rddreg [dreg:$0x9];
	[tilespmem:$0xA860] =	vst v3  }
0xc8: {  	[tilespmem:s16], [sflag:$0x1] =	stream.indirect.gather [hbm4b:s5+s15], $0x40, s11, s15, $0xb8;
	[tilespmem:$0x14100] =	vst v63  }
0xc9: {  	v2 =	vld [tilespmem:$0xA580]  }
0xca: {  	v3 =	vld [tilespmem:$0xA590]  }
0xcb: {  	v44 =	vld [tilespmem:$0xA5A0]  }
0xcc: {  	v45 =	vld [tilespmem:$0xA5B0]  }
0xcd: {  	v46 =	vld [tilespmem:$0xA5C0]  }
0xce: {  	v47 =	vld [tilespmem:$0xA5F0];
	[tilespmem:$0xA880] =	vst v2  }
0xcf: {  	v2 =	vld [tilespmem:$0xA5D0];
	[tilespmem:$0xA890] =	vst v3  }
0xd0: {  	v3 =	vld [tilespmem:$0xA5E0];
	[tilespmem:$0xA8A0] =	vst v44  }
0xd1: {  	[tilespmem:$0xA8B0] =	vst v45  }
0xd2: {  	[tilespmem:$0xA8C0] =	vst v46  }
0xd3: {  	[tilespmem:$0xA8F0] =	vst v47  }
0xd4: {  	[tilespmem:$0xA8D0] =	vst v2  }
0xd5: {  	s11 =	rddreg [dreg:$0xa];
	[tilespmem:$0xA8E0] =	vst v3  }
0xd6: {  	[tilespmem:s17], [sflag:$0x2] =	stream.indirect.gather [hbm4b:s5+s15], $0x40, s11, s15, $0xb8;
	[tilespmem:$0x14100] =	vst v63  }
0xd7: {  	_ =	swait.ge [sflag:s18], $0x2000  }
0xd8: {  	[sflag:s18] =	ssyncset.done $0x0  }
0xd9: {  	[sflag:s18] =	ssyncadd.s32 $0xFFFFE000  }
0xda: {  	[spmem:s2] =	stream.indirect.scatter.add.f32 [tilespmem:s16], [sflag:$0x3], $0x40, s19, s15, $0xb8;
	[tilespmem:$0x14100] =	vst v63  }
0xdb: {  	_ =	swait.ge @p0 [sflag:s30], $0x2000  }
0xdc: {  	[sflag:s30] =	ssyncset.done @p0 $0x0  }
0xdd: {  	[sflag:s30] =	ssyncadd.s32 @p0 $0xFFFFE000  }
0xde: {  	_ =	swait.ge @p0 [sflag:s31], $0x2000  }
0xdf: {  	[sflag:s31] =	ssyncset.done @p0 $0x0  }
0xe0: {  	[sflag:s31] =	ssyncadd.s32 @p0 $0xFFFFE000  }
0xe1: {  	[spmem:s2] =	stream.indirect.scatter.add.f32 @p0 [tilespmem:s9], [sflag:$0x5], $0x40, s0, s1, $0xb8;
	[tilespmem:$0x14100] =	vst v63  }
0xe2: {  	_ =	swait.ge @p0 [sflag:s8], $0x2000  }
0xe3: {  	[sflag:s8] =	ssyncset.done @p0 $0x0  }
0xe4: {  	[sflag:s8] =	ssyncadd.s32 @p0 $0xFFFFE000  }
0xe5: {  	[spmem:s3] =	stream.indirect.scatter.add.f32 @!p0 [tilespmem:s29], [sflag:$0x5], $0x10, s6, s28, $0xb8;
	[tilespmem:$0x14100] =	vst v63  }
0xe6: {  	_ =	swait.ge @!p0 [sflag:s25], $0x800  }
0xe7: {  	[sflag:s25] =	ssyncset.done @!p0 $0x0  }
0xe8: {  	[sflag:s25] =	ssyncadd.s32 @!p0 $0xFFFFF800  }
0xe9: {  	_ =	swait.ge @!p0 [sflag:s7], $0x2000  }
0xea: {  	[sflag:s7] =	ssyncset.done @!p0 $0x0  }
0xeb: {  	[sflag:s7] =	ssyncadd.s32 @!p0 $0xFFFFE000  }
0xec: {  	_ =	swait.ge @!p0 [sflag:s24], $0x2000  }
0xed: {  	[sflag:s24] =	ssyncset.done @!p0 $0x0  }
0xee: {  	[sflag:s24] =	ssyncadd.s32 @!p0 $0xFFFFE000  }
0xef: {  	[spmem:s2] =	stream.indirect.scatter.add.f32 @!p0 [tilespmem:s10], [sflag:$0x5], $0x40, s12, s28, $0xb8;
	[tilespmem:$0x14100] =	vst v63  }
0xf0: {  	_ =	swait.ge @!p0 [sflag:s25], $0x2000  }
0xf1: {  	[sflag:s25] =	ssyncset.done @!p0 $0x0  }
0xf2: {  	[sflag:s25] =	ssyncadd.s32 @!p0 $0xFFFFE000  }
0xf3: {  	[spmem:s3] =	stream.indirect.scatter.add.f32 @!p0 [tilespmem:s29], [sflag:$0x5], $0x10, s12, s28, $0xb8;
	[tilespmem:$0x14100] =	vst v63  }
0xf4: {  	_ =	swait.ge @!p0 [sflag:s25], $0x800  }
0xf5: {  	[sflag:s25] =	ssyncset.done @!p0 $0x0  }
0xf6: {  	[sflag:s25] =	ssyncadd.s32 @!p0 $0xFFFFF800  }
0xf7: {  	v2 =	vld [tilespmem:$0xA600]  }
0xf8: {  	v3 =	vld [tilespmem:$0xA610]  }
0xf9: {  	v48 =	vld [tilespmem:$0xA620]  }
0xfa: {  	v49 =	vld [tilespmem:$0xA630]  }
0xfb: {  	v50 =	vld [tilespmem:$0xA640]  }
0xfc: {  	v51 =	vld [tilespmem:$0xA670];
	[tilespmem:$0xA800] =	vst v2  }
0xfd: {  	v2 =	vld [tilespmem:$0xA650];
	[tilespmem:$0xA810] =	vst v3  }
0xfe: {  	v3 =	vld [tilespmem:$0xA660];
	[tilespmem:$0xA820] =	vst v48  }
0xff: {  	[tilespmem:$0xA830] =	vst v49  }
0x100: {  	[tilespmem:$0xA840] =	vst v50  }
0x101: {  	[tilespmem:$0xA870] =	vst v51  }
0x102: {  	[tilespmem:$0xA850] =	vst v2  }
0x103: {  	[tilespmem:$0xA860] =	vst v3  }
0x104: {  	[tilespmem:s16], [sflag:$0x1] =	stream.indirect.gather [hbm4b:s5+s15], $0x40, s20, s15, $0xb8;
	[tilespmem:$0x14100] =	vst v63  }
0x105: {  	v2 =	vld [tilespmem:$0xA680]  }
0x106: {  	v3 =	vld [tilespmem:$0xA690]  }
0x107: {  	v52 =	vld [tilespmem:$0xA6A0]  }
0x108: {  	v53 =	vld [tilespmem:$0xA6B0]  }
0x109: {  	v54 =	vld [tilespmem:$0xA6C0]  }
0x10a: {  	v55 =	vld [tilespmem:$0xA6F0];
	[tilespmem:$0xA880] =	vst v2  }
0x10b: {  	v2 =	vld [tilespmem:$0xA6D0];
	[tilespmem:$0xA890] =	vst v3  }
0x10c: {  	v3 =	vld [tilespmem:$0xA6E0];
	[tilespmem:$0xA8A0] =	vst v52  }
0x10d: {  	[tilespmem:$0xA8B0] =	vst v53  }
0x10e: {  	[tilespmem:$0xA8C0] =	vst v54  }
0x10f: {  	[tilespmem:$0xA8F0] =	vst v55  }
0x110: {  	[tilespmem:$0xA8D0] =	vst v2  }
0x111: {  	[tilespmem:$0xA8E0] =	vst v3  }
0x112: {  	[tilespmem:s17], [sflag:$0x2] =	stream.indirect.gather [hbm4b:s5+s15], $0x40, s21, s15, $0xb8;
	[tilespmem:$0x14100] =	vst v63  }
0x113: {  	_ =	swait.ge [sflag:s18], $0x2000  }
0x114: {  	[sflag:s18] =	ssyncset.done $0x0  }
0x115: {  	[sflag:s18] =	ssyncadd.s32 $0xFFFFE000  }
0x116: {  	[spmem:s2] =	stream.indirect.scatter.add.f32 [tilespmem:s16], [sflag:$0x3], $0x40, s19, s15, $0xb8;
	[tilespmem:$0x14100] =	vst v63  }
0x117: {  	_ =	swait.ge @p0 [sflag:s30], $0x2000  }
0x118: {  	[sflag:s30] =	ssyncset.done @p0 $0x0  }
0x119: {  	[sflag:s30] =	ssyncadd.s32 @p0 $0xFFFFE000  }
0x11a: {  	_ =	swait.ge @p0 [sflag:s31], $0x2000  }
0x11b: {  	[sflag:s31] =	ssyncset.done @p0 $0x0  }
0x11c: {  	[sflag:s31] =	ssyncadd.s32 @p0 $0xFFFFE000  }
0x11d: {  	[spmem:s2] =	stream.indirect.scatter.add.f32 @p0 [tilespmem:s9], [sflag:$0x5], $0x40, s0, s1, $0xb8;
	[tilespmem:$0x14100] =	vst v63  }
0x11e: {  	_ =	swait.ge @p0 [sflag:s8], $0x2000  }
0x11f: {  	[sflag:s8] =	ssyncset.done @p0 $0x0  }
0x120: {  	[sflag:s8] =	ssyncadd.s32 @p0 $0xFFFFE000  }
0x121: {  	[spmem:s3] =	stream.indirect.scatter.add.f32 @!p0 [tilespmem:s29], [sflag:$0x5], $0x10, s6, s28, $0xb8;
	[tilespmem:$0x14100] =	vst v63  }
0x122: {  	_ =	swait.ge @!p0 [sflag:s25], $0x800  }
0x123: {  	[sflag:s25] =	ssyncset.done @!p0 $0x0  }
0x124: {  	[sflag:s25] =	ssyncadd.s32 @!p0 $0xFFFFF800  }
0x125: {  	_ =	swait.ge @!p0 [sflag:s7], $0x2000  }
0x126: {  	[sflag:s7] =	ssyncset.done @!p0 $0x0  }
0x127: {  	[sflag:s7] =	ssyncadd.s32 @!p0 $0xFFFFE000  }
0x128: {  	_ =	swait.ge @!p0 [sflag:s24], $0x2000  }
0x129: {  	[sflag:s24] =	ssyncset.done @!p0 $0x0  }
0x12a: {  	[sflag:s24] =	ssyncadd.s32 @!p0 $0xFFFFE000  }
0x12b: {  	[spmem:s2] =	stream.indirect.scatter.add.f32 @!p0 [tilespmem:s10], [sflag:$0x5], $0x40, s12, s28, $0xb8;
	[tilespmem:$0x14100] =	vst v63  }
0x12c: {  	_ =	swait.ge @!p0 [sflag:s25], $0x2000  }
0x12d: {  	[sflag:s25] =	ssyncset.done @!p0 $0x0  }
0x12e: {  	[sflag:s25] =	ssyncadd.s32 @!p0 $0xFFFFE000  }
0x12f: {  	[spmem:s3] =	stream.indirect.scatter.add.f32 @!p0 [tilespmem:s29], [sflag:$0x5], $0x10, s12, s28, $0xb8;
	[tilespmem:$0x14100] =	vst v63  }
0x130: {  	_ =	swait.ge @!p0 [sflag:s25], $0x800  }
0x131: {  	[sflag:s25] =	ssyncset.done @!p0 $0x0  }
0x132: {  	[sflag:s25] =	ssyncadd.s32 @!p0 $0xFFFFF800  }
0x133: {  	v2 =	vld [tilespmem:$0xA700]  }
0x134: {  	v3 =	vld [tilespmem:$0xA710]  }
0x135: {  	v56 =	vld [tilespmem:$0xA720]  }
0x136: {  	v57 =	vld [tilespmem:$0xA730]  }
0x137: {  	v58 =	vld [tilespmem:$0xA740]  }
0x138: {  	v59 =	vld [tilespmem:$0xA770];
	[tilespmem:$0xA800] =	vst v2  }
0x139: {  	v2 =	vld [tilespmem:$0xA750];
	[tilespmem:$0xA810] =	vst v3  }
0x13a: {  	v3 =	vld [tilespmem:$0xA760];
	[tilespmem:$0xA820] =	vst v56  }
0x13b: {  	[tilespmem:$0xA830] =	vst v57  }
0x13c: {  	[tilespmem:$0xA840] =	vst v58  }
0x13d: {  	[tilespmem:$0xA870] =	vst v59  }
0x13e: {  	[tilespmem:$0xA850] =	vst v2  }
0x13f: {  	[tilespmem:$0xA860] =	vst v3  }
0x140: {  	[tilespmem:s16], [sflag:$0x1] =	stream.indirect.gather [hbm4b:s5+s15], $0x40, s22, s15, $0xb8;
	[tilespmem:$0x14100] =	vst v63  }
0x141: {  	v2 =	vld [tilespmem:$0xA780]  }
0x142: {  	v3 =	vld [tilespmem:$0xA790]  }
0x143: {  	v60 =	vld [tilespmem:$0xA7A0]  }
0x144: {  	v61 =	vld [tilespmem:$0xA7B0]  }
0x145: {  	v62 =	vld [tilespmem:$0xA7C0]  }
0x146: {  	v63 =	vld [tilespmem:$0xA7F0];
	[tilespmem:$0xA880] =	vst v2  }
0x147: {  	v2 =	vld [tilespmem:$0xA7D0];
	[tilespmem:$0xA890] =	vst v3  }
0x148: {  	v3 =	vld [tilespmem:$0xA7E0];
	[tilespmem:$0xA8A0] =	vst v60  }
0x149: {  	[tilespmem:$0xA8B0] =	vst v61  }
0x14a: {  	[tilespmem:$0xA8C0] =	vst v62  }
0x14b: {  	[tilespmem:$0xA8F0] =	vst v63  }
0x14c: {  	[tilespmem:$0xA8D0] =	vst v2  }
0x14d: {  	[tilespmem:$0xA8E0] =	vst v3  }
0x14e: {  	[tilespmem:s17], [sflag:$0x2] =	stream.indirect.gather [hbm4b:s5+s15], $0x40, s23, s15, $0xb8;
	[tilespmem:$0x14100] =	vst v63  }
0x14f: {  	_ =	swait.ge [sflag:s18], $0x2000  }
0x150: {  	[sflag:s18] =	ssyncset.done $0x0  }
0x151: {  	[sflag:s18] =	ssyncadd.s32 $0xFFFFE000  }
0x152: {  	[spmem:s2] =	stream.indirect.scatter.add.f32 [tilespmem:s16], [sflag:$0x3], $0x40, s19, s15, $0xb8;
	[tilespmem:$0x14100] =	vst v63  }
0x153: {  	_ =	swait.ge @p0 [sflag:s30], $0x2000  }
0x154: {  	[sflag:s30] =	ssyncset.done @p0 $0x0  }
0x155: {  	[sflag:s30] =	ssyncadd.s32 @p0 $0xFFFFE000  }
0x156: {  	_ =	swait.ge @p0 [sflag:s31], $0x2000  }
0x157: {  	[sflag:s31] =	ssyncset.done @p0 $0x0  }
0x158: {  	[sflag:s31] =	ssyncadd.s32 @p0 $0xFFFFE000  }
0x159: {  	[spmem:s2] =	stream.indirect.scatter.add.f32 @p0 [tilespmem:s9], [sflag:$0x5], $0x40, s0, s1, $0xb8;
	[tilespmem:$0x14100] =	vst v63  }
0x15a: {  	_ =	swait.ge @p0 [sflag:s8], $0x2000  }
0x15b: {  	[sflag:s8] =	ssyncset.done @p0 $0x0  }
0x15c: {  	[sflag:s8] =	ssyncadd.s32 @p0 $0xFFFFE000  }
0x15d: {  	[spmem:s3] =	stream.indirect.scatter.add.f32 @!p0 [tilespmem:s29], [sflag:$0x5], $0x10, s6, s28, $0xb8;
	[tilespmem:$0x14100] =	vst v63  }
0x15e: {  	_ =	swait.ge @!p0 [sflag:s25], $0x800  }
0x15f: {  	[sflag:s25] =	ssyncset.done @!p0 $0x0  }
0x160: {  	[sflag:s25] =	ssyncadd.s32 @!p0 $0xFFFFF800  }
0x161: {  	_ =	swait.ge @!p0 [sflag:s7], $0x2000  }
0x162: {  	[sflag:s7] =	ssyncset.done @!p0 $0x0  }
0x163: {  	[sflag:s7] =	ssyncadd.s32 @!p0 $0xFFFFE000  }
0x164: {  	_ =	swait.ge @!p0 [sflag:s24], $0x2000  }
0x165: {  	[sflag:s24] =	ssyncset.done @!p0 $0x0  }
0x166: {  	[sflag:s24] =	ssyncadd.s32 @!p0 $0xFFFFE000  }
0x167: {  	[spmem:s2] =	stream.indirect.scatter.add.f32 @!p0 [tilespmem:s10], [sflag:$0x5], $0x40, s12, s28, $0xb8;
	[tilespmem:$0x14100] =	vst v63  }
0x168: {  	s26 =	sadd.s32 $0x80, s26;
	_ =	swait.ge @!p0 [sflag:s25], $0x2000  }
0x169: {  	p1 =	sne.s32 s26, $0xA00;
	[sflag:s25] =	ssyncset.done @!p0 $0x0  }
.Ltmp3:
0x16a: {  	s0 =	simm.s32 @!p0 $0x4;
	[sflag:s25] =	ssyncadd.s32 @!p0 $0xFFFFE000;
	(pc) =	sbr.rel @p1 .LBB2_8-.Ltmp3, $4  }
0x16b: {  	[spmem:s3] =	stream.indirect.scatter.add.f32 @!p0 [tilespmem:s29], [sflag:$0x4], $0x10, s12, s28, $0xb8;
	[tilespmem:$0x14100] =	vst v63  }
0x16c: {  	_ =	swait.ge @!p0 [sflag:s0], $0x800  }
0x16d: {  	[sflag:s0] =	ssyncset.done @!p0 $0x0  }
0x16e: {  	[sflag:s0] =	ssyncadd.s32 @!p0 $0xFFFFF800  }
0x16f: {  	[bflag:$0x0] =	sbarrier.arrive $0xFFFF  }
0x170: {  	s8 =	simm.s32 $0xE900;
	s24 =	rddreg [dreg:$0xb]  }
0x171: {  	[tilespmem:s8], [sflag:$0x5] =	stream.linear.gather [spmem:s24], $0x2000, $0x38;
	[tilespmem:$0x14100] =	vst v63  }
0x172: {  	_ =	swait.ge [sflag:s14], $0x2000  }
0x173: {  	[sflag:s14] =	ssyncset.done $0x0  }
0x174: {  	s1 =	rddreg [dreg:$0xe];
	[sflag:s14] =	ssyncadd.s32 $0xFFFFE000  }
0x175: {  	[hbm4b:s1+s4] =	stream.linear.scatter [tilespmem:s8], [sflag:$0x5], $0x2000, $0x38;
	[tilespmem:$0x14100] =	vst v63  }
0x176: {  	_ =	swait.ge [sflag:s14], $0x2000  }
0x177: {  	[sflag:s14] =	ssyncset.done $0x0  }
0x178: {  	s1 =	simm.s32 @!p0 $0x13900;
	s26 =	rddreg [dreg:$0xc];
	[sflag:s14] =	ssyncadd.s32 $0xFFFFE000  }
0x179: {  	[tilespmem:s1], [sflag:$0x5] =	stream.linear.gather @!p0 [spmem:s26], $0x800, $0x38;
	[tilespmem:$0x14100] =	vst v63  }
0x17a: {  	_ =	swait.ge @!p0 [sflag:s25], $0x800  }
0x17b: {  	[sflag:s25] =	ssyncset.done @!p0 $0x0  }
0x17c: {  	s6 =	simm.s32 @!p0 $0x0;
	s7 =	rddreg [dreg:$0xf];
	[sflag:s25] =	ssyncadd.s32 @!p0 $0xFFFFF800  }
0x17d: {  	[hbm4b:s7+s6] =	stream.linear.scatter @!p0 [tilespmem:s1], [sflag:$0x4], $0x800, $0x38;
	[tilespmem:$0x14100] =	vst v63  }
0x17e: {  	_ =	swait.ge @!p0 [sflag:s0], $0x800  }
0x17f: {  	[sflag:s0] =	ssyncset.done @!p0 $0x0  }
0x180: {  	s30 =	rddreg [dreg:$0x10];
	[sflag:s0] =	ssyncadd.s32 @!p0 $0xFFFFF800  }
0x181: {  	[tilespmem:s8], [sflag:$0x5] =	stream.linear.gather [spmem:s30], $0x2000, $0x38;
	[tilespmem:$0x14100] =	vst v63  }
0x182: {  	_ =	swait.ge [sflag:s14], $0x2000  }
0x183: {  	[sflag:s14] =	ssyncset.done $0x0  }
0x184: {  	s31 =	rddreg [dreg:$0x15];
	[sflag:s14] =	ssyncadd.s32 $0xFFFFE000  }
0x185: {  	[hbm4b:s31+s4] =	stream.linear.scatter [tilespmem:s8], [sflag:$0x5], $0x2000, $0x38;
	[tilespmem:$0x14100] =	vst v63  }
0x186: {  	_ =	swait.ge [sflag:s14], $0x2000  }
0x187: {  	[sflag:s14] =	ssyncset.done $0x0  }
0x188: {  	s7 =	rddreg [dreg:$0x16];
	[sflag:s14] =	ssyncadd.s32 $0xFFFFE000  }
0x189: {  	[tilespmem:s1], [sflag:$0x5] =	stream.linear.gather @!p0 [spmem:s7], $0x800, $0x38;
	[tilespmem:$0x14100] =	vst v63  }
0x18a: {  	_ =	swait.ge @!p0 [sflag:s25], $0x800  }
0x18b: {  	[sflag:s25] =	ssyncset.done @!p0 $0x0  }
0x18c: {  	s7 =	rddreg [dreg:$0x11];
	[sflag:s25] =	ssyncadd.s32 @!p0 $0xFFFFF800  }
0x18d: {  	[hbm4b:s7+s6] =	stream.linear.scatter @!p0 [tilespmem:s1], [sflag:$0x4], $0x800, $0x38;
	[tilespmem:$0x14100] =	vst v63  }
0x18e: {  	_ =	swait.ge @!p0 [sflag:s0], $0x800  }
0x18f: {  	[sflag:s0] =	ssyncset.done @!p0 $0x0  }
0x190: {  	s9 =	rddreg [dreg:$0x17];
	[sflag:s0] =	ssyncadd.s32 @!p0 $0xFFFFF800  }
0x191: {  	[tilespmem:s8], [sflag:$0x5] =	stream.linear.gather [spmem:s9], $0x2000, $0x38;
	[tilespmem:$0x14100] =	vst v63  }
0x192: {  	_ =	swait.ge [sflag:s14], $0x2000  }
0x193: {  	[sflag:s14] =	ssyncset.done $0x0  }
0x194: {  	s10 =	rddreg [dreg:$0x18];
	[sflag:s14] =	ssyncadd.s32 $0xFFFFE000  }
0x195: {  	[hbm4b:s10+s4] =	stream.linear.scatter [tilespmem:s8], [sflag:$0x5], $0x2000, $0x38;
	[tilespmem:$0x14100] =	vst v63  }
0x196: {  	_ =	swait.ge [sflag:s14], $0x2000  }
0x197: {  	[sflag:s14] =	ssyncset.done $0x0  }
0x198: {  	s7 =	rddreg [dreg:$0x19];
	[sflag:s14] =	ssyncadd.s32 $0xFFFFE000  }
0x199: {  	[tilespmem:s1], [sflag:$0x5] =	stream.linear.gather @!p0 [spmem:s7], $0x800, $0x38;
	[tilespmem:$0x14100] =	vst v63  }
0x19a: {  	_ =	swait.ge @!p0 [sflag:s25], $0x800  }
0x19b: {  	[sflag:s25] =	ssyncset.done @!p0 $0x0  }
0x19c: {  	s7 =	rddreg [dreg:$0x12];
	[sflag:s25] =	ssyncadd.s32 @!p0 $0xFFFFF800  }
0x19d: {  	[hbm4b:s7+s6] =	stream.linear.scatter @!p0 [tilespmem:s1], [sflag:$0x4], $0x800, $0x38;
	[tilespmem:$0x14100] =	vst v63  }
0x19e: {  	_ =	swait.ge @!p0 [sflag:s0], $0x800  }
0x19f: {  	[sflag:s0] =	ssyncset.done @!p0 $0x0  }
0x1a0: {  	s11 =	rddreg [dreg:$0x1a];
	[sflag:s0] =	ssyncadd.s32 @!p0 $0xFFFFF800  }
0x1a1: {  	[tilespmem:s8], [sflag:$0x5] =	stream.linear.gather [spmem:s11], $0x2000, $0x38;
	[tilespmem:$0x14100] =	vst v63  }
0x1a2: {  	_ =	swait.ge [sflag:s14], $0x2000  }
0x1a3: {  	[sflag:s14] =	ssyncset.done $0x0  }
0x1a4: {  	s12 =	rddreg [dreg:$0x1d];
	[sflag:s14] =	ssyncadd.s32 $0xFFFFE000  }
0x1a5: {  	[hbm4b:s12+s4] =	stream.linear.scatter [tilespmem:s8], [sflag:$0x5], $0x2000, $0x38;
	[tilespmem:$0x14100] =	vst v63  }
0x1a6: {  	_ =	swait.ge [sflag:s14], $0x2000  }
0x1a7: {  	[sflag:s14] =	ssyncset.done $0x0  }
0x1a8: {  	s7 =	rddreg [dreg:$0x1b];
	[sflag:s14] =	ssyncadd.s32 $0xFFFFE000  }
0x1a9: {  	[tilespmem:s1], [sflag:$0x5] =	stream.linear.gather @!p0 [spmem:s7], $0x800, $0x38;
	[tilespmem:$0x14100] =	vst v63  }
0x1aa: {  	_ =	swait.ge @!p0 [sflag:s25], $0x800  }
0x1ab: {  	[sflag:s25] =	ssyncset.done @!p0 $0x0  }
0x1ac: {  	s7 =	rddreg [dreg:$0x13];
	[sflag:s25] =	ssyncadd.s32 @!p0 $0xFFFFF800  }
0x1ad: {  	[hbm4b:s7+s6] =	stream.linear.scatter @!p0 [tilespmem:s1], [sflag:$0x4], $0x800, $0x38;
	[tilespmem:$0x14100] =	vst v63  }
0x1ae: {  	_ =	swait.ge @!p0 [sflag:s0], $0x800  }
0x1af: {  	[sflag:s0] =	ssyncset.done @!p0 $0x0  }
0x1b0: {  	s28 =	rddreg [dreg:$0x1c];
	[sflag:s0] =	ssyncadd.s32 @!p0 $0xFFFFF800  }
0x1b1: {  	[tilespmem:s8], [sflag:$0x5] =	stream.linear.gather [spmem:s28], $0x2000, $0x38;
	[tilespmem:$0x14100] =	vst v63  }
0x1b2: {  	_ =	swait.ge [sflag:s14], $0x2000  }
0x1b3: {  	[sflag:s14] =	ssyncset.done $0x0  }
0x1b4: {  	s29 =	rddreg [dreg:$0x1e];
	[sflag:s14] =	ssyncadd.s32 $0xFFFFE000  }
0x1b5: {  	[hbm4b:s29+s4] =	stream.linear.scatter [tilespmem:s8], [sflag:$0x5], $0x2000, $0x38;
	[tilespmem:$0x14100] =	vst v63  }
0x1b6: {  	_ =	swait.ge [sflag:s14], $0x2000  }
0x1b7: {  	[sflag:s14] =	ssyncset.done $0x0  }
0x1b8: {  	s7 =	rddreg [dreg:$0x1f];
	[sflag:s14] =	ssyncadd.s32 $0xFFFFE000  }
0x1b9: {  	[tilespmem:s1], [sflag:$0x5] =	stream.linear.gather @!p0 [spmem:s7], $0x800, $0x38;
	[tilespmem:$0x14100] =	vst v63  }
0x1ba: {  	_ =	swait.ge @!p0 [sflag:s25], $0x800  }
0x1bb: {  	[sflag:s25] =	ssyncset.done @!p0 $0x0  }
0x1bc: {  	s7 =	rddreg [dreg:$0x14];
	[sflag:s25] =	ssyncadd.s32 @!p0 $0xFFFFF800  }
0x1bd: {  	[hbm4b:s7+s6] =	stream.linear.scatter @!p0 [tilespmem:s1], [sflag:$0x4], $0x800, $0x38;
	[tilespmem:$0x14100] =	vst v63  }
0x1be: {  	_ =	swait.ge @!p0 [sflag:s0], $0x800  }
0x1bf: {  	s30 =	sld [smem:$0x7F5];
	_ =	sdelay $0x2  }
0x1c0: {  	s31 =	rddreg [dreg:$0xd];
	s6 =	sadd.s32 $0x1, s30  }
0x1c1: {  	p1 =	sne.s32 s6, s31  }
.Ltmp4:
0x1c2: {  	_ = 	snop;
	(pc) =	sbr.rel @p1 .LBB2_1-.Ltmp4, $3  }
0x1c3: {  	_ =	sdelay $0x1  }
0x1c4: {  	[sflag:s0] =	ssyncset.done @!p0 $0x0  }
0x1c5: {  	s7 =	simm.s32 $0x4;
	[sflag:s0] =	ssyncadd.s32 @!p0 $0xFFFFF800  }
0x1c6: {  	_ =	sfence.sel $0x180000  }
0x1c7: {  	[bflag:$0x0] =	sbarrier.arrive $0xFFFF  }
0x1c8: {  	_ =	strace $0x90000047  }
0x1c9: {  	s0 =	stileid.u32;
	[bflag:$0x2] =	sbarrier.arrive $0xFFFF  }
0x1ca: {  	p0 =	sne.s32 s0, $0x0;
	s0 =	rddreg [dreg:$0x4]  }
0x1cb: {  	s0 =	sadd.s32 @!p0 $0x100000, s0  }
0x1cc: {  	[sflag:s0] =	ssyncadd.tile.s32 @!p0 $0x1;
	_ =	shalt  }
.Lfunc_end2:
_tile_overlayer_lowered:
.L_overlay_start_2:
0x1cd: {  	(tag) =	ssettag $0x2  }
0x1ce: {  	s0 =	rddreg [dreg:$0x0];
	s2 =	stileid.u32  }
0x1cf: {  	s1 =	rddreg [dreg:$0x1];
	p0 =	sne.s32 s2, $0x0  }
0x1d0: {  	s3 =	rddreg [dreg:$0x2];
	[bflag:$0x3] =	sbarrier.arrive $0xFFFF;
	s2 =	simm.s32 @!p0 $0x1C04  }
0x1d1: {  	[timem:s3], [sflag:s2] =	dma.local @!p0 [hbm:s0], s1  }
0x1d2: {  	s0 =	simm.s32 @!p0 $0x4  }
0x1d3: {  	_ =	swait.ge @!p0 [sflag:s0], s1  }
0x1d4: {  	s1 =	ssub.s32 @!p0 $0x0, s1;
	[sflag:s0] =	ssyncset.done @!p0 $0x0  }
0x1d5: {  	[sflag:s0] =	ssyncadd.s32 @!p0 s1  }
0x1d6: {  	[bflag:$0x3] =	sbarrier.arrive $0xFFFF  }
0x1d7: {  	_ =	shalt  }

// kernel: kernel.9.cloned.1.call-start
scs
__scs_entry_jumppad:
0x0: {  	(pc) =	sbr.rel $0x88, $3  }
0x1: {  	(tag) =	ssettag $0x0;
	lr =	simm.s32 $0x1  }
0x2: {  	[smem:$0x3F99] =	sst lr;
	_ =	strace $0xD0000000  }
0x3: {  	_ = 	snop  }
0x4: {  	_ = 	snop  }
0x5: {  	_ = 	snop  }
0x6: {  	_ = 	snop  }
0x7: {  	_ = 	snop  }
__scs_overlays_trampoline_lowered:
0x8: {  	[smem:$0x3FA8] =	sst s0  }
0x9: {  	[smem:$0x3FA9] =	sst s1  }
0xa: {  	[smem:$0x3FAA] =	sst s2  }
0xb: {  	[smem:$0x3FAB] =	sst s3  }
0xc: {  	[smem:$0x3FAC] =	sst s4  }
0xd: {  	[smem:$0x3FAD] =	sst s5  }
0xe: {  	[smem:$0x3FAE] =	sst s6  }
0xf: {  	[smem:$0x3FAF] =	sst s7  }
0x10: {  	[smem:$0x3FB0] =	sst s8  }
0x11: {  	[smem:$0x3FB1] =	sst s9;
	s0 =	simm.s32 @!p0 $0x0  }
0x12: {  	s1 =	sld [smem:$0x3F97];
	s0 =	simm.s32 @p0 $0x1  }
0x13: {  	[smem:$0x3FB2] =	sst s0;
	s0 =	simm.s32 @!p1 $0x0  }
0x14: {  	s2 =	sld [smem:$0x3F96];
	s0 =	simm.s32 @p1 $0x1  }
0x15: {  	[smem:$0x3FB3] =	sst s0;
	s0 =	simm.s32 @!p2 $0x0  }
0x16: {  	s3 =	sld [smem:$0x3FDB];
	s0 =	simm.s32 @p2 $0x1  }
0x17: {  	s4 =	simm.s32 $0x1BF5;
	[smem:$0x3FB5] =	sst s0  }
0x18: {  	s0 =	sld [smem:$0x3F98];
	_ =	swait.ge [sflag:s4], $0x0  }
0x19: {  	s7 =	sld [smem:$0x3F99]  }
0x1a: {  	s8 =	sadd.s32 $0xFFFFE003, lr  }
0x1b: {  	s9 =	sadd.s32 $0xFFFFFEF7, lr;
	s5 =	simm.s32 $0xFFFFFFFF;
	p2 =	slt.u32 s8, $0xFFFFF086  }
0x1c: {  	p1 =	slt.u32 s9, $0xF7A;
	s5 =	simm.s32 @!p2 $0x0  }
0x1d: {  	s5 =	simm.s32 @p1 $0x1;
	p0 =	seq.s32 s7, s2  }
0x1e: {  	s7 =	smul.u32 @!p0 $0xF7A, s2;
	p2 =	seq.s32 @!p0 s5, $0x0  }
0x1f: {  	s9 =	smul.u32 $0xF7A, s1;
	s8 =	simm.s32 @!p0 $0x1BF5;
	p2 =	por !p2, p0  }
0x20: {  	[sflag:s8] =	ssyncset.s32 @!p0 $0xFFFFF086;
	s6 =	sadd.s32 @!p0 s3, s7;
	s7 =	simm.s32 @!p0 $0x108  }
0x21: {  	s3 =	sadd.s32 s3, s9;
	s6 =	sadd.s32 @!p0 $0x88, s6;
	s7 =	simm.s32 @p2 $0x1082  }
0x22: {  	[simem:s7], [sflag:s8] =	dma.local @!p0 [hbm:s6], $0xF7A  }
0x23: {  	s9 =	sor.u32 $0xD0000000, s2;
	s6 =	simm.s32 $0x108;
	_ =	swait.ge @!p0 [sflag:s8], $0x0  }
0x24: {  	s3 =	sadd.s32 $0x88, s3;
	s6 =	simm.s32 @!p1 $0x1082;
	[sflag:s4] =	ssyncset.s32 $0xFFFFF086  }
0x25: {  	[simem:s6], [sflag:s4] =	dma.local [hbm:s3], $0xF7A  }
0x26: {  	[smem:$0x3F99] =	sst s1;
	(tag) =	ssettag s2;
	_ =	strace s9  }
0x27: {  	s1 =	sld [smem:$0x3FA9]  }
0x28: {  	s2 =	sld [smem:$0x3FAA]  }
0x29: {  	s4 =	sld [smem:$0x3FAC]  }
0x2a: {  	p0 =	seq.s32 s5, $0x0;
	s5 =	sld [smem:$0x3FAD]  }
0x2b: {  	s6 =	sld [smem:$0x3FAE]  }
0x2c: {  	s7 =	sld [smem:$0x3FAF]  }
0x2d: {  	s3 =	simm.s32 $0x108;
	s8 =	sld [smem:$0x3FB0]  }
0x2e: {  	s3 =	simm.s32 @!p0 $0x1082;
	s9 =	sld [smem:$0x3FB1]  }
0x2f: {  	lr =	sadd.s32 s0, s3;
	s0 =	sld [smem:$0x3FA8]  }
0x30: {  	s3 =	sld [smem:$0x3FAB]  }
0x31: {  	[smem:$0x3FB4] =	sst s10  }
0x32: {  	s10 =	sld [smem:$0x3FB2];
	_ =	sdelay $0x3  }
0x33: {  	p0 =	seq.s32 s10, $0x1;
	s10 =	sld [smem:$0x3FB4];
	_ =	sdelay $0x3  }
0x34: {  	[smem:$0x3FB4] =	sst s10  }
0x35: {  	s10 =	sld [smem:$0x3FB3];
	_ =	sdelay $0x3  }
0x36: {  	p1 =	seq.s32 s10, $0x1;
	s10 =	sld [smem:$0x3FB4];
	_ =	sdelay $0x3  }
0x37: {  	[smem:$0x3FB4] =	sst s10  }
0x38: {  	s10 =	sld [smem:$0x3FB5]  }
0x39: {  	_ = 	snop;
	(pc) =	sbr.ind lr, $3  }
0x3a: {  	_ = 	snop  }
0x3b: {  	_ = 	snop  }
0x3c: {  	p2 =	seq.s32 s10, $0x1;
	s10 =	sld [smem:$0x3FB4]  }
0x3d: {  	_ =	shalt  }
0x3e: {  	_ =	shalt  }
0x3f: {  	_ =	shalt  }
0x40: {  	_ =	shalt  }
0x41: {  	_ =	shalt  }
0x42: {  	_ =	shalt  }
0x43: {  	_ =	shalt  }
0x44: {  	_ =	shalt  }
0x45: {  	_ =	shalt  }
0x46: {  	_ =	shalt  }
0x47: {  	_ =	shalt  }
0x48: {  	_ =	shalt  }
0x49: {  	_ =	shalt  }
0x4a: {  	_ =	shalt  }
0x4b: {  	_ =	shalt  }
0x4c: {  	_ =	shalt  }
0x4d: {  	_ =	shalt  }
0x4e: {  	_ =	shalt  }
0x4f: {  	_ =	shalt  }
0x50: {  	_ =	shalt  }
0x51: {  	_ =	shalt  }
0x52: {  	_ =	shalt  }
0x53: {  	_ =	shalt  }
0x54: {  	_ =	shalt  }
0x55: {  	_ =	shalt  }
0x56: {  	_ =	shalt  }
0x57: {  	_ =	shalt  }
0x58: {  	_ =	shalt  }
0x59: {  	_ =	shalt  }
0x5a: {  	_ =	shalt  }
0x5b: {  	_ =	shalt  }
0x5c: {  	_ =	shalt  }
0x5d: {  	_ =	shalt  }
0x5e: {  	_ =	shalt  }
0x5f: {  	_ =	shalt  }
0x60: {  	_ =	shalt  }
0x61: {  	_ =	shalt  }
0x62: {  	_ =	shalt  }
0x63: {  	_ =	shalt  }
0x64: {  	_ =	shalt  }
0x65: {  	_ =	shalt  }
0x66: {  	_ =	shalt  }
0x67: {  	_ =	shalt  }
0x68: {  	_ =	shalt  }
0x69: {  	_ =	shalt  }
0x6a: {  	_ =	shalt  }
0x6b: {  	_ =	shalt  }
0x6c: {  	_ =	shalt  }
0x6d: {  	_ =	shalt  }
0x6e: {  	_ =	shalt  }
0x6f: {  	_ =	shalt  }
0x70: {  	_ =	shalt  }
0x71: {  	_ =	shalt  }
0x72: {  	_ =	shalt  }
0x73: {  	_ =	shalt  }
0x74: {  	_ =	shalt  }
0x75: {  	_ =	shalt  }
0x76: {  	_ =	shalt  }
0x77: {  	_ =	shalt  }
0x78: {  	_ =	shalt  }
0x79: {  	_ =	shalt  }
0x7a: {  	_ =	shalt  }
0x7b: {  	_ =	shalt  }
0x7c: {  	_ =	shalt  }
0x7d: {  	_ =	shalt  }
0x7e: {  	_ =	shalt  }
0x7f: {  	_ =	shalt  }
0x80: {  	_ =	shalt  }
0x81: {  	_ =	shalt  }
0x82: {  	_ =	shalt  }
0x83: {  	_ =	shalt  }
0x84: {  	_ =	shalt  }
0x85: {  	_ =	shalt  }
0x86: {  	_ =	shalt  }
0x87: {  	_ =	shalt  }
.Lfunc_end0:
.L_simem_size_0:
called_computation.1_lowered:
.L_overlay_start_0:
0x88: {  	s2 =	sld [smem:$0x3FD9]  }
0x89: {  	s3 =	sld [smem:$0x3FFE];
	_ =	sdelay $0x1  }
0x8a: {  	s1 =	srdreg.scid  }
0x8b: {  	s0 =	sand.u32 $0x1, s1  }
0x8c: {  	s17 =	sshll.u32 s0, $0xA;
	s2 =	sadd.s32 s3, s2  }
0x8d: {  	s2 =	sadd.s32 s2, s17  }
0x8e: {  	[smem:$0x3FC0] =	sst s2  }
0x8f: {  	_ = 	snop  }
0x90: {  	s2 =	sld [smem:$0x3FD0];
	(tm) =	ssettm $0x1  }
0x91: {  	s18 =	sld [smem:$0x3FFB];
	_ =	sdelay $0x3  }
0x92: {  	_ =	strace s18  }
0x93: {  	s3 =	sld [smem:$0x3FFC];
	_ =	sdelay $0x3  }
0x94: {  	_ =	strace s3  }
0x95: {  	s3 =	sld [smem:$0x3FFD];
	_ =	sdelay $0x3  }
0x96: {  	_ =	strace s3  }
0x97: {  	_ =	strace $0x8FFFFFFF  }
0x98: {  	s19 =	sld [smem:$0x3FDB];
	_ =	sdelay $0x1  }
0x99: {  	s4 =	simm.s32 $_scs_section_size  }
0x9a: {  	s5 =	simm.s32 $_size__tile_overlayer_lowered;
	s6 =	simm.s32 $_tile_overlayer_lowered  }
0x9b: {  	s22 =	simm.s32 $0x1BFF;
	s21 =	sshll.u32 s6, $0x1;
	s3 =	sadd.s32 s4, s19  }
0x9c: {  	s7 =	simm.s32 $0x0;
	s20 =	sshll.u32 s5, $0x1;
	s5 =	sadd.s32 s21, s3  }
0x9d: {  	[timem:s7], [sflag:s22] =	dma.local [hbm:s5], s20  }
0x9e: {  	_ =	swait.ge [sflag:s22], s20  }
0x9f: {  	s4 =	ssub.s32 $0x0, s20;
	[sflag:s22] =	ssyncset.done $0x0  }
0xa0: {  	[sflag:s22] =	ssyncadd.s32 s4;
	_ =	sdelay $0x1  }
0xa1: {  	s23 =	simm.s32 $0x1B8B  }
0xa2: {  	_ =	swait.ge [sflag:s23], $0x1  }
0xa3: {  	[sflag:s23] =	ssyncset.done $0x0  }
0xa4: {  	s25 =	simm.s32 $0x1B8E;
	s24 =	sld [smem:$0x3FFE];
	[sflag:s23] =	ssyncadd.s32 $0xFFFFFFFF  }
0xa5: {  	s26 =	simm.s32 $execute0_lowered;
	[smem:$0x3FD2] =	sst s25  }
0xa6: {  	s5 =	sshll.u32 s26, $0x1;
	_ =	strace $0x80000049;
	[dreg:$0x1] =	wrdreg $0xFFFFFFFF  }
0xa7: {  	s28 =	simm.s32 $_size_execute0_lowered;
	s3 =	sadd.s32 s3, s5;
	[dreg:$0x0] =	wrdreg $0x0  }
0xa8: {  	s5 =	sshll.u32 s28, $0x1;
	[dreg:$0x2] =	wrdreg s3  }
0xa9: {  	[dreg:$0x3] =	wrdreg s5  }
0xaa: {  	[dreg:$0x4] =	wrdreg $0xC0  }
0xab: {  	_ =	task [dreg:s7], $0x5FFFF  }
0xac: {  	[dreg:$0x1] =	wrdreg $0xFFFFFFFF  }
0xad: {  	[dreg:$0x0] =	wrdreg $0x60  }
0xae: {  	[dreg:$0x2] =	wrdreg s24  }
0xaf: {  	[dreg:$0x3] =	wrdreg s2  }
0xb0: {  	[dreg:$0x4] =	wrdreg $0x0  }
0xb1: {  	[dreg:$0x5] =	wrdreg $0x9  }
0xb2: {  	_ =	task.clear_ibuf [dreg:s7], $0x6FFFF;
	_ =	strace $0x90000049  }
0xb3: {  	s29 =	simm.s32 $0x9;
	_ =	strace $0x8000004B  }
0xb4: {  	_ =	swait.ge [sflag:s29], $0x1  }
0xb5: {  	[sflag:s29] =	ssyncadd.s32 $0xFFFFFFFF  }
0xb6: {  	_ =	strace $0x9000004B  }
0xb7: {  	_ =	sfence  }
0xb8: {  	s30 =	sld [smem:$0x0];
	_ =	sdelay $0x2  }
0xb9: {  	s31 =	sshll.u32 s1, $0xD;
	s1 =	sshrl.u32 s1, $0x2  }
0xba: {  	s3 =	sand.u32 $0x4000, s31;
	s1 =	sadd.s32 s1, s30  }
0xbb: {  	s0 =	sor.u32 s3, s0;
	s1 =	sshll.u32 s1, $0x11  }
0xbc: {  	s0 =	sor.u32 s1, s0  }
0xbd: {  	s0 =	sadd.s32 $0x8F2B, s0  }
0xbe: {  	[sflag:s0] =	ssyncadd.remote.s32 $0x1  }
0xbf: {  	_ =	sfence.sel $0xFFFF  }
0xc0: {  	[dreg:$0x0] =	wrdreg $0xFFFFFFFF;
	(pc) =	sbr.abs _section_cstart, $3  }
0xc1: {  	[dreg:$0x1] =	wrdreg $0xFFFFFFFF  }
0xc2: {  	_ =	task.clear_ibuf [dreg:s7], $0x2FFFF;
	_ =	strace $0x9FFFFFFF  }
0xc3: {  	(tm) =	ssettm $0x7FFFFFFF  }
tec
execute0_lowered:
.L_overlay_start_1:
0x0: {  	(tag) =	ssettag $0x1  }
0x1: {  	s0 =	rddreg [dreg:$0x0]  }
0x2: {  	s1 =	rddreg [dreg:$0x1]  }
0x3: {  	s2 =	rddreg [dreg:$0x2];
	s10 =	stileid.u32  }
0x4: {  	s4 =	srdreg.scid;
	s3 =	simm.s32 $0x0;
	s28 =	simm.s32 $0xA800  }
0x5: {  	s29 =	simm.s32 $0x2;
	s30 =	simm.s32 $0x3;
	s6 =	smul.u32 $0x280, s10  }
0x6: {  	s31 =	simm.s32 $0xA880;
	s13 =	simm.s32 $0xA380;
	s8 =	smul.u32 $0xA00, s10  }
0x7: {  	s14 =	simm.s32 $0x0;
	s5 =	sand.u32 $0x1, s4;
	s9 =	smul.u32 $0x28000, s10  }
0x8: {  	[smem:$0x7FF] =	sst s3;
	s4 =	sadd.s32 $0x33E00, s0;
	s21 =	smul.u32 $0x5000, s10  }
0x9: {  	s7 =	smul.u32 $0x2800, s5;
	_ =	strace $0x8000004A;
	s17 =	ssub.s32 $0x2, s5  }
0xa: {  	s12 =	smul.u32 $0x50000, s5;
	s11 =	sadd.s32 s8, s0;
	s19 =	sshrl.u32 s9, $0x2  }
0xb: {  	s18 =	sshrl.u32 s17, $0x1;
	s6 =	sadd.s32 s7, s6;
	s20 =	sadd.s32 s19, s2  }
0xc: {  	s23 =	sadd.s32 s21, s12;
	s19 =	simm.s32 $0x4;
	s21 =	simm.s32 $0xA400  }
0xd: {  	s12 =	simm.s32 $0xA300;
	s6 =	sshll.u32 s6, $0x3;
	[dreg:$0x5] =	wrdreg s20  }
0xe: {  	s5 =	sadd.s32 $0x8000, s20;
	s0 =	sadd.s32 s6, s0;
	s6 =	ssub.s32 s17, s18  }
0xf: {  	s8 =	sadd.s32 $0x2000, s20;
	[dreg:$0x6] =	wrdreg s5;
	s6 =	smax.u32 s6, $0x1  }
0x10: {  	s9 =	sadd.s32 $0x4000, s20;
	s22 =	sadd.s32 $0x5BE00, s0;
	[dreg:$0x4] =	wrdreg s6  }
0x11: {  	s10 =	sadd.s32 $0x6000, s20;
	s24 =	sadd.s32 $0x5C200, s0;
	[dreg:$0x7] =	wrdreg s22  }
0x12: {  	s20 =	simm.s32 $0xA000;
	s25 =	sadd.s32 $0x5C600, s0;
	[dreg:$0x8] =	wrdreg s24  }
0x13: {  	s17 =	sadd.s32 $0x29E00, s11;
	s26 =	sadd.s32 $0x5CA00, s0;
	[dreg:$0x9] =	wrdreg s25  }
0x14: {  	s18 =	simm.s32 $0xE900;
	s0 =	sadd.s32 $0x5CE00, s0;
	[dreg:$0xa] =	wrdreg s26  }
0x15: {  	s11 =	simm.s32 $0xA280;
	s6 =	sshrl.u32 s23, $0x3;
	[dreg:$0xb] =	wrdreg s0  }
0x16: {  	s22 =	simm.s32 $0x80;
	s23 =	simm.s32 $0xA900;
	s24 =	simm.s32 $0xA080  }
0x17: {  	s25 =	simm.s32 $0xC900;
	s26 =	simm.s32 $0x1;
	s0 =	simm.s32 $0xA100  }
0x18: {  	v0 =	vimm.f32 $0.0e+00;
	s16 =	sadd.s32 s6, s1;
	s1 =	simm.s32 $0xA180;
	s6 =	simm.s32 $0xA200  }
.LBB2_1:
0x19: {  	s5 =	smov.u32 s10;
	s10 =	smov.u32 s9  }
0x1a: {  	s9 =	smov.u32 s8;
	s7 =	simm.s32 $0x100;
	s15 =	simm.s32 $0x0  }
.LBB2_2:
0x1b: {  	p0 =	sne.s32 s7, $0x7F00;
	[tilespmem:s15+$0xE930] =	vst v0;
	s8 =	smov.u32 s7;
	s7 =	sadd.s32 $0x100, s7  }
.Ltmp0:
0x1c: {  	[tilespmem:s15+$0xE920] =	vst v0;
	(pc) =	sbr.rel @p0 .LBB2_2-.Ltmp0, $3  }
0x1d: {  	[tilespmem:s15+$0xE900] =	vst v0  }
0x1e: {  	[tilespmem:s15+$0xE910] =	vst v0;
	_ =	sdelay $0x1  }
0x1f: {  	s15 =	sshra.s32 s8, $0x2  }
0x20: {  	[tilespmem:s15+$0xE930] =	vst v0  }
0x21: {  	[tilespmem:s15+$0xE920] =	vst v0  }
0x22: {  	[tilespmem:s15+$0xE900] =	vst v0  }
0x23: {  	[tilespmem:s15+$0xE910] =	vst v0;
	s7 =	rddreg [dreg:$0x5]  }
0x24: {  	[spmem:s7] =	stream.linear.scatter [tilespmem:s18], [sflag:$0x4], $0x2000, $0x38;
	[tilespmem:$0x10900] =	vst v63  }
0x25: {  	_ =	swait.ge [sflag:s19], $0x2000  }
0x26: {  	[sflag:s19] =	ssyncset.done $0x0  }
0x27: {  	[sflag:s19] =	ssyncadd.s32 $0xFFFFE000  }
0x28: {  	[spmem:s9] =	stream.linear.scatter [tilespmem:s18], [sflag:$0x4], $0x2000, $0x38;
	[tilespmem:$0x10900] =	vst v63  }
0x29: {  	_ =	swait.ge [sflag:s19], $0x2000  }
0x2a: {  	[sflag:s19] =	ssyncset.done $0x0  }
0x2b: {  	[sflag:s19] =	ssyncadd.s32 $0xFFFFE000  }
0x2c: {  	[spmem:s10] =	stream.linear.scatter [tilespmem:s18], [sflag:$0x4], $0x2000, $0x38;
	[tilespmem:$0x10900] =	vst v63  }
0x2d: {  	_ =	swait.ge [sflag:s19], $0x2000  }
0x2e: {  	[sflag:s19] =	ssyncset.done $0x0  }
0x2f: {  	[sflag:s19] =	ssyncadd.s32 $0xFFFFE000  }
0x30: {  	[spmem:s5] =	stream.linear.scatter [tilespmem:s18], [sflag:$0x4], $0x2000, $0x38;
	[tilespmem:$0x10900] =	vst v63  }
0x31: {  	_ =	swait.ge [sflag:s19], $0x2000  }
0x32: {  	[sflag:s19] =	ssyncset.done $0x0  }
0x33: {  	s15 =	rddreg [dreg:$0x6];
	[sflag:s19] =	ssyncadd.s32 $0xFFFFE000  }
0x34: {  	[spmem:s15] =	stream.linear.scatter [tilespmem:s18], [sflag:$0x4], $0x2000, $0x38;
	[tilespmem:$0x10900] =	vst v63  }
0x35: {  	_ =	swait.ge [sflag:s19], $0x2000  }
0x36: {  	[sflag:s19] =	ssyncset.done $0x0  }
0x37: {  	s8 =	smov.u32 s9;
	s9 =	smov.u32 s10;
	[sflag:s19] =	ssyncadd.s32 $0xFFFFE000  }
0x38: {  	s10 =	smov.u32 s5;
	s15 =	simm.s32 $0x0;
	[bflag:$0x0] =	sbarrier.arrive $0xFFFF  }
.LBB2_4:
0x39: {  	s7 =	sadd.s32 s15, s16  }
0x3a: {  	[tilespmem:s20], [sflag:$0x4] =	stream.linear.gather [hbm4b:s7+s3], $0x400, $0x38;
	[tilespmem:$0x10900] =	vst v63  }
0x3b: {  	_ =	swait.ge [sflag:s19], $0x400  }
0x3c: {  	[sflag:s19] =	ssyncset.done $0x0  }
0x3d: {  	s5 =	sadd.s32 s15, s17;
	[sflag:s19] =	ssyncadd.s32 $0xFFFFFC00  }
0x3e: {  	[tilespmem:s21], [sflag:$0x4] =	stream.linear.gather [hbm4b:s5+s3], $0x400, $0x38;
	[tilespmem:$0x10900] =	vst v63  }
0x3f: {  	_ =	swait.ge [sflag:s19], $0x400  }
0x40: {  	[sflag:s19] =	ssyncset.done $0x0  }
0x41: {  	[sflag:s19] =	ssyncadd.s32 $0xFFFFFC00  }
0x42: {  	v1 =	vld [tilespmem:$0xA400]  }
0x43: {  	v2 =	vld [tilespmem:$0xA410]  }
0x44: {  	v3 =	vld [tilespmem:$0xA420]  }
0x45: {  	v4 =	vld [tilespmem:$0xA430]  }
0x46: {  	v5 =	vld [tilespmem:$0xA440]  }
0x47: {  	[tilespmem:$0xA800] =	vst v1;
	v1 =	vld [tilespmem:$0xA450]  }
0x48: {  	[tilespmem:$0xA810] =	vst v2;
	v2 =	vld [tilespmem:$0xA460]  }
0x49: {  	[tilespmem:$0xA820] =	vst v3;
	v3 =	vld [tilespmem:$0xA470]  }
0x4a: {  	[tilespmem:$0xA830] =	vst v4  }
0x4b: {  	[tilespmem:$0xA840] =	vst v5  }
0x4c: {  	[tilespmem:$0xA850] =	vst v1  }
0x4d: {  	[tilespmem:$0xA860] =	vst v2  }
0x4e: {  	[tilespmem:$0xA870] =	vst v3  }
0x4f: {  	[tilespmem:s23], [sflag:$0x1] =	stream.indirect.gather [hbm4b:s4+s22], $0x40, s20, s22, $0xb8;
	[tilespmem:$0x10900] =	vst v63  }
0x50: {  	v1 =	vld [tilespmem:$0xA480]  }
0x51: {  	v2 =	vld [tilespmem:$0xA490]  }
0x52: {  	v3 =	vld [tilespmem:$0xA4A0]  }
0x53: {  	v50 =	vld [tilespmem:$0xA4B0]  }
0x54: {  	v51 =	vld [tilespmem:$0xA4C0]  }
0x55: {  	[tilespmem:$0xA880] =	vst v1;
	v1 =	vld [tilespmem:$0xA4D0]  }
0x56: {  	[tilespmem:$0xA890] =	vst v2;
	v2 =	vld [tilespmem:$0xA4E0]  }
0x57: {  	[tilespmem:$0xA8A0] =	vst v3;
	v3 =	vld [tilespmem:$0xA4F0]  }
0x58: {  	[tilespmem:$0xA8B0] =	vst v50  }
0x59: {  	[tilespmem:$0xA8C0] =	vst v51  }
0x5a: {  	[tilespmem:$0xA8D0] =	vst v1  }
0x5b: {  	[tilespmem:$0xA8E0] =	vst v2  }
0x5c: {  	[tilespmem:$0xA8F0] =	vst v3  }
0x5d: {  	[tilespmem:s25], [sflag:$0x2] =	stream.indirect.gather [hbm4b:s4+s22], $0x40, s24, s22, $0xb8;
	[tilespmem:$0x10900] =	vst v63  }
0x5e: {  	_ =	swait.ge [sflag:s26], $0x2000  }
0x5f: {  	[sflag:s26] =	ssyncset.done $0x0  }
0x60: {  	[sflag:s26] =	ssyncadd.s32 $0xFFFFE000  }
0x61: {  	[spmem:s2] =	stream.indirect.scatter.add.f32 [tilespmem:s23], [sflag:$0x3], $0x40, s28, s22, $0xb8;
	[tilespmem:$0x10900] =	vst v63  }
0x62: {  	_ =	swait.ge [sflag:s29], $0x2000  }
0x63: {  	[sflag:s29] =	ssyncset.done $0x0  }
0x64: {  	[sflag:s29] =	ssyncadd.s32 $0xFFFFE000  }
0x65: {  	_ =	swait.ge [sflag:s30], $0x2000  }
0x66: {  	[sflag:s30] =	ssyncset.done $0x0  }
0x67: {  	[sflag:s30] =	ssyncadd.s32 $0xFFFFE000  }
0x68: {  	[spmem:s2] =	stream.indirect.scatter.add.f32 [tilespmem:s25], [sflag:$0x4], $0x40, s31, s22, $0xb8;
	[tilespmem:$0x10900] =	vst v63  }
0x69: {  	_ =	swait.ge [sflag:s19], $0x2000  }
0x6a: {  	[sflag:s19] =	ssyncset.done $0x0  }
0x6b: {  	[sflag:s19] =	ssyncadd.s32 $0xFFFFE000  }
0x6c: {  	v1 =	vld [tilespmem:$0xA500]  }
0x6d: {  	v2 =	vld [tilespmem:$0xA510]  }
0x6e: {  	v3 =	vld [tilespmem:$0xA520]  }
0x6f: {  	v52 =	vld [tilespmem:$0xA530]  }
0x70: {  	v53 =	vld [tilespmem:$0xA540]  }
0x71: {  	[tilespmem:$0xA800] =	vst v1;
	v1 =	vld [tilespmem:$0xA550]  }
0x72: {  	[tilespmem:$0xA810] =	vst v2;
	v2 =	vld [tilespmem:$0xA560]  }
0x73: {  	[tilespmem:$0xA820] =	vst v3;
	v3 =	vld [tilespmem:$0xA570]  }
0x74: {  	[tilespmem:$0xA830] =	vst v52  }
0x75: {  	[tilespmem:$0xA840] =	vst v53  }
0x76: {  	[tilespmem:$0xA850] =	vst v1  }
0x77: {  	[tilespmem:$0xA860] =	vst v2  }
0x78: {  	[tilespmem:$0xA870] =	vst v3  }
0x79: {  	[tilespmem:s23], [sflag:$0x1] =	stream.indirect.gather [hbm4b:s4+s22], $0x40, s0, s22, $0xb8;
	[tilespmem:$0x10900] =	vst v63  }
0x7a: {  	v1 =	vld [tilespmem:$0xA580]  }
0x7b: {  	v2 =	vld [tilespmem:$0xA590]  }
0x7c: {  	v3 =	vld [tilespmem:$0xA5A0]  }
0x7d: {  	v54 =	vld [tilespmem:$0xA5B0]  }
0x7e: {  	v55 =	vld [tilespmem:$0xA5C0]  }
0x7f: {  	[tilespmem:$0xA880] =	vst v1;
	v1 =	vld [tilespmem:$0xA5D0]  }
0x80: {  	[tilespmem:$0xA890] =	vst v2;
	v2 =	vld [tilespmem:$0xA5E0]  }
0x81: {  	[tilespmem:$0xA8A0] =	vst v3;
	v3 =	vld [tilespmem:$0xA5F0]  }
0x82: {  	[tilespmem:$0xA8B0] =	vst v54  }
0x83: {  	[tilespmem:$0xA8C0] =	vst v55  }
0x84: {  	[tilespmem:$0xA8D0] =	vst v1  }
0x85: {  	[tilespmem:$0xA8E0] =	vst v2  }
0x86: {  	[tilespmem:$0xA8F0] =	vst v3  }
0x87: {  	[tilespmem:s25], [sflag:$0x2] =	stream.indirect.gather [hbm4b:s4+s22], $0x40, s1, s22, $0xb8;
	[tilespmem:$0x10900] =	vst v63  }
0x88: {  	_ =	swait.ge [sflag:s26], $0x2000  }
0x89: {  	[sflag:s26] =	ssyncset.done $0x0  }
0x8a: {  	[sflag:s26] =	ssyncadd.s32 $0xFFFFE000  }
0x8b: {  	[spmem:s2] =	stream.indirect.scatter.add.f32 [tilespmem:s23], [sflag:$0x3], $0x40, s28, s22, $0xb8;
	[tilespmem:$0x10900] =	vst v63  }
0x8c: {  	_ =	swait.ge [sflag:s29], $0x2000  }
0x8d: {  	[sflag:s29] =	ssyncset.done $0x0  }
0x8e: {  	[sflag:s29] =	ssyncadd.s32 $0xFFFFE000  }
0x8f: {  	_ =	swait.ge [sflag:s30], $0x2000  }
0x90: {  	[sflag:s30] =	ssyncset.done $0x0  }
0x91: {  	[sflag:s30] =	ssyncadd.s32 $0xFFFFE000  }
0x92: {  	[spmem:s2] =	stream.indirect.scatter.add.f32 [tilespmem:s25], [sflag:$0x4], $0x40, s31, s22, $0xb8;
	[tilespmem:$0x10900] =	vst v63  }
0x93: {  	_ =	swait.ge [sflag:s19], $0x2000  }
0x94: {  	[sflag:s19] =	ssyncset.done $0x0  }
0x95: {  	[sflag:s19] =	ssyncadd.s32 $0xFFFFE000  }
0x96: {  	v1 =	vld [tilespmem:$0xA600]  }
0x97: {  	v2 =	vld [tilespmem:$0xA610]  }
0x98: {  	v3 =	vld [tilespmem:$0xA620]  }
0x99: {  	v56 =	vld [tilespmem:$0xA630]  }
0x9a: {  	v57 =	vld [tilespmem:$0xA640]  }
0x9b: {  	[tilespmem:$0xA800] =	vst v1;
	v1 =	vld [tilespmem:$0xA650]  }
0x9c: {  	[tilespmem:$0xA810] =	vst v2;
	v2 =	vld [tilespmem:$0xA660]  }
0x9d: {  	[tilespmem:$0xA820] =	vst v3;
	v3 =	vld [tilespmem:$0xA670]  }
0x9e: {  	[tilespmem:$0xA830] =	vst v56  }
0x9f: {  	[tilespmem:$0xA840] =	vst v57  }
0xa0: {  	[tilespmem:$0xA850] =	vst v1  }
0xa1: {  	[tilespmem:$0xA860] =	vst v2  }
0xa2: {  	[tilespmem:$0xA870] =	vst v3  }
0xa3: {  	[tilespmem:s23], [sflag:$0x1] =	stream.indirect.gather [hbm4b:s4+s22], $0x40, s6, s22, $0xb8;
	[tilespmem:$0x10900] =	vst v63  }
0xa4: {  	v1 =	vld [tilespmem:$0xA680]  }
0xa5: {  	v2 =	vld [tilespmem:$0xA690]  }
0xa6: {  	v3 =	vld [tilespmem:$0xA6A0]  }
0xa7: {  	v58 =	vld [tilespmem:$0xA6B0]  }
0xa8: {  	v59 =	vld [tilespmem:$0xA6C0]  }
0xa9: {  	[tilespmem:$0xA880] =	vst v1;
	v1 =	vld [tilespmem:$0xA6D0]  }
0xaa: {  	[tilespmem:$0xA890] =	vst v2;
	v2 =	vld [tilespmem:$0xA6E0]  }
0xab: {  	[tilespmem:$0xA8A0] =	vst v3;
	v3 =	vld [tilespmem:$0xA6F0]  }
0xac: {  	[tilespmem:$0xA8B0] =	vst v58  }
0xad: {  	[tilespmem:$0xA8C0] =	vst v59  }
0xae: {  	[tilespmem:$0xA8D0] =	vst v1  }
0xaf: {  	[tilespmem:$0xA8E0] =	vst v2  }
0xb0: {  	[tilespmem:$0xA8F0] =	vst v3  }
0xb1: {  	[tilespmem:s25], [sflag:$0x2] =	stream.indirect.gather [hbm4b:s4+s22], $0x40, s11, s22, $0xb8;
	[tilespmem:$0x10900] =	vst v63  }
0xb2: {  	_ =	swait.ge [sflag:s26], $0x2000  }
0xb3: {  	[sflag:s26] =	ssyncset.done $0x0  }
0xb4: {  	[sflag:s26] =	ssyncadd.s32 $0xFFFFE000  }
0xb5: {  	[spmem:s2] =	stream.indirect.scatter.add.f32 [tilespmem:s23], [sflag:$0x3], $0x40, s28, s22, $0xb8;
	[tilespmem:$0x10900] =	vst v63  }
0xb6: {  	_ =	swait.ge [sflag:s29], $0x2000  }
0xb7: {  	[sflag:s29] =	ssyncset.done $0x0  }
0xb8: {  	[sflag:s29] =	ssyncadd.s32 $0xFFFFE000  }
0xb9: {  	_ =	swait.ge [sflag:s30], $0x2000  }
0xba: {  	[sflag:s30] =	ssyncset.done $0x0  }
0xbb: {  	[sflag:s30] =	ssyncadd.s32 $0xFFFFE000  }
0xbc: {  	[spmem:s2] =	stream.indirect.scatter.add.f32 [tilespmem:s25], [sflag:$0x4], $0x40, s31, s22, $0xb8;
	[tilespmem:$0x10900] =	vst v63  }
0xbd: {  	_ =	swait.ge [sflag:s19], $0x2000  }
0xbe: {  	[sflag:s19] =	ssyncset.done $0x0  }
0xbf: {  	[sflag:s19] =	ssyncadd.s32 $0xFFFFE000  }
0xc0: {  	v1 =	vld [tilespmem:$0xA700]  }
0xc1: {  	v2 =	vld [tilespmem:$0xA710]  }
0xc2: {  	v3 =	vld [tilespmem:$0xA720]  }
0xc3: {  	v60 =	vld [tilespmem:$0xA730]  }
0xc4: {  	v61 =	vld [tilespmem:$0xA740]  }
0xc5: {  	[tilespmem:$0xA800] =	vst v1;
	v1 =	vld [tilespmem:$0xA750]  }
0xc6: {  	[tilespmem:$0xA810] =	vst v2;
	v2 =	vld [tilespmem:$0xA760]  }
0xc7: {  	[tilespmem:$0xA820] =	vst v3;
	v3 =	vld [tilespmem:$0xA770]  }
0xc8: {  	[tilespmem:$0xA830] =	vst v60  }
0xc9: {  	[tilespmem:$0xA840] =	vst v61  }
0xca: {  	[tilespmem:$0xA850] =	vst v1  }
0xcb: {  	[tilespmem:$0xA860] =	vst v2  }
0xcc: {  	[tilespmem:$0xA870] =	vst v3  }
0xcd: {  	[tilespmem:s23], [sflag:$0x1] =	stream.indirect.gather [hbm4b:s4+s22], $0x40, s12, s22, $0xb8;
	[tilespmem:$0x10900] =	vst v63  }
0xce: {  	v1 =	vld [tilespmem:$0xA780]  }
0xcf: {  	v2 =	vld [tilespmem:$0xA790]  }
0xd0: {  	v3 =	vld [tilespmem:$0xA7A0]  }
0xd1: {  	v62 =	vld [tilespmem:$0xA7B0]  }
0xd2: {  	v63 =	vld [tilespmem:$0xA7C0]  }
0xd3: {  	[tilespmem:$0xA880] =	vst v1;
	v1 =	vld [tilespmem:$0xA7D0]  }
0xd4: {  	[tilespmem:$0xA890] =	vst v2;
	v2 =	vld [tilespmem:$0xA7E0]  }
0xd5: {  	[tilespmem:$0xA8A0] =	vst v3;
	v3 =	vld [tilespmem:$0xA7F0]  }
0xd6: {  	[tilespmem:$0xA8B0] =	vst v62  }
0xd7: {  	[tilespmem:$0xA8C0] =	vst v63  }
0xd8: {  	[tilespmem:$0xA8D0] =	vst v1  }
0xd9: {  	[tilespmem:$0xA8E0] =	vst v2  }
0xda: {  	[tilespmem:$0xA8F0] =	vst v3  }
0xdb: {  	[tilespmem:s25], [sflag:$0x2] =	stream.indirect.gather [hbm4b:s4+s22], $0x40, s13, s22, $0xb8;
	[tilespmem:$0x10900] =	vst v63  }
0xdc: {  	_ =	swait.ge [sflag:s26], $0x2000  }
0xdd: {  	[sflag:s26] =	ssyncset.done $0x0  }
0xde: {  	[sflag:s26] =	ssyncadd.s32 $0xFFFFE000  }
0xdf: {  	[spmem:s2] =	stream.indirect.scatter.add.f32 [tilespmem:s23], [sflag:$0x3], $0x40, s28, s22, $0xb8;
	[tilespmem:$0x10900] =	vst v63  }
0xe0: {  	_ =	swait.ge [sflag:s29], $0x2000  }
0xe1: {  	[sflag:s29] =	ssyncset.done $0x0  }
0xe2: {  	[sflag:s29] =	ssyncadd.s32 $0xFFFFE000  }
0xe3: {  	_ =	swait.ge [sflag:s30], $0x2000  }
0xe4: {  	p0 =	sne.s32 s15, $0x980;
	[sflag:s30] =	ssyncset.done $0x0  }
.Ltmp1:
0xe5: {  	[sflag:s30] =	ssyncadd.s32 $0xFFFFE000;
	(pc) =	sbr.rel @p0 .LBB2_4-.Ltmp1, $4  }
0xe6: {  	[spmem:s2] =	stream.indirect.scatter.add.f32 [tilespmem:s25], [sflag:$0x4], $0x40, s31, s22, $0xb8;
	[tilespmem:$0x10900] =	vst v63  }
0xe7: {  	_ =	swait.ge [sflag:s19], $0x2000  }
0xe8: {  	[sflag:s19] =	ssyncset.done $0x0  }
0xe9: {  	s15 =	sadd.s32 $0x80, s15;
	[sflag:s19] =	ssyncadd.s32 $0xFFFFE000  }
0xea: {  	[bflag:$0x0] =	sbarrier.arrive $0xFFFF  }
0xeb: {  	s5 =	rddreg [dreg:$0x5]  }
0xec: {  	[tilespmem:s18], [sflag:$0x4] =	stream.linear.gather [spmem:s5], $0x2000, $0x38;
	[tilespmem:$0x10900] =	vst v63  }
0xed: {  	_ =	swait.ge [sflag:s19], $0x2000  }
0xee: {  	[sflag:s19] =	ssyncset.done $0x0  }
0xef: {  	s7 =	rddreg [dreg:$0x7];
	[sflag:s19] =	ssyncadd.s32 $0xFFFFE000  }
0xf0: {  	[hbm4b:s7+s3] =	stream.linear.scatter [tilespmem:s18], [sflag:$0x4], $0x2000, $0x38;
	[tilespmem:$0x10900] =	vst v63  }
0xf1: {  	_ =	swait.ge [sflag:s19], $0x2000  }
0xf2: {  	[sflag:s19] =	ssyncset.done $0x0  }
0xf3: {  	[sflag:s19] =	ssyncadd.s32 $0xFFFFE000  }
0xf4: {  	[tilespmem:s18], [sflag:$0x4] =	stream.linear.gather [spmem:s8], $0x2000, $0x38;
	[tilespmem:$0x10900] =	vst v63  }
0xf5: {  	_ =	swait.ge [sflag:s19], $0x2000  }
0xf6: {  	[sflag:s19] =	ssyncset.done $0x0  }
0xf7: {  	s15 =	rddreg [dreg:$0x8];
	[sflag:s19] =	ssyncadd.s32 $0xFFFFE000  }
0xf8: {  	[hbm4b:s15+s3] =	stream.linear.scatter [tilespmem:s18], [sflag:$0x4], $0x2000, $0x38;
	[tilespmem:$0x10900] =	vst v63  }
0xf9: {  	_ =	swait.ge [sflag:s19], $0x2000  }
0xfa: {  	[sflag:s19] =	ssyncset.done $0x0  }
0xfb: {  	[sflag:s19] =	ssyncadd.s32 $0xFFFFE000  }
0xfc: {  	[tilespmem:s18], [sflag:$0x4] =	stream.linear.gather [spmem:s9], $0x2000, $0x38;
	[tilespmem:$0x10900] =	vst v63  }
0xfd: {  	_ =	swait.ge [sflag:s19], $0x2000  }
0xfe: {  	[sflag:s19] =	ssyncset.done $0x0  }
0xff: {  	s7 =	rddreg [dreg:$0x9];
	[sflag:s19] =	ssyncadd.s32 $0xFFFFE000  }
0x100: {  	[hbm4b:s7+s3] =	stream.linear.scatter [tilespmem:s18], [sflag:$0x4], $0x2000, $0x38;
	[tilespmem:$0x10900] =	vst v63  }
0x101: {  	_ =	swait.ge [sflag:s19], $0x2000  }
0x102: {  	[sflag:s19] =	ssyncset.done $0x0  }
0x103: {  	[sflag:s19] =	ssyncadd.s32 $0xFFFFE000  }
0x104: {  	[tilespmem:s18], [sflag:$0x4] =	stream.linear.gather [spmem:s10], $0x2000, $0x38;
	[tilespmem:$0x10900] =	vst v63  }
0x105: {  	_ =	swait.ge [sflag:s19], $0x2000  }
0x106: {  	[sflag:s19] =	ssyncset.done $0x0  }
0x107: {  	s15 =	rddreg [dreg:$0xa];
	[sflag:s19] =	ssyncadd.s32 $0xFFFFE000  }
0x108: {  	[hbm4b:s15+s3] =	stream.linear.scatter [tilespmem:s18], [sflag:$0x4], $0x2000, $0x38;
	[tilespmem:$0x10900] =	vst v63  }
0x109: {  	_ =	swait.ge [sflag:s19], $0x2000  }
0x10a: {  	[sflag:s19] =	ssyncset.done $0x0  }
0x10b: {  	s7 =	rddreg [dreg:$0x6];
	[sflag:s19] =	ssyncadd.s32 $0xFFFFE000  }
0x10c: {  	[tilespmem:s18], [sflag:$0x4] =	stream.linear.gather [spmem:s7], $0x2000, $0x38;
	[tilespmem:$0x10900] =	vst v63  }
0x10d: {  	_ =	swait.ge [sflag:s19], $0x2000  }
0x10e: {  	[sflag:s19] =	ssyncset.done $0x0  }
0x10f: {  	s15 =	rddreg [dreg:$0xb];
	[sflag:s19] =	ssyncadd.s32 $0xFFFFE000  }
0x110: {  	[hbm4b:s15+s3] =	stream.linear.scatter [tilespmem:s18], [sflag:$0x4], $0x2000, $0x38;
	[tilespmem:$0x10900] =	vst v63  }
0x111: {  	_ =	swait.ge [sflag:s19], $0x2000  }
0x112: {  	s14 =	sadd.s32 $0x1, s14;
	s7 =	rddreg [dreg:$0x4]  }
0x113: {  	p0 =	sne.s32 s14, s7  }
.Ltmp2:
0x114: {  	_ = 	snop;
	(pc) =	sbr.rel @p0 .LBB2_1-.Ltmp2, $3  }
0x115: {  	_ =	sdelay $0x1  }
0x116: {  	[sflag:s19] =	ssyncset.done $0x0  }
0x117: {  	[sflag:s19] =	ssyncadd.s32 $0xFFFFE000  }
0x118: {  	_ =	sfence.sel $0x180000  }
0x119: {  	[bflag:$0x0] =	sbarrier.arrive $0xFFFF  }
0x11a: {  	_ =	strace $0x9000004A  }
0x11b: {  	s0 =	stileid.u32;
	[bflag:$0x2] =	sbarrier.arrive $0xFFFF  }
0x11c: {  	p0 =	sne.s32 s0, $0x0;
	s0 =	rddreg [dreg:$0x3]  }
0x11d: {  	s0 =	sadd.s32 @!p0 $0x100000, s0  }
0x11e: {  	[sflag:s0] =	ssyncadd.tile.s32 @!p0 $0x1;
	_ =	shalt  }
.Lfunc_end2:
_tile_overlayer_lowered:
.L_overlay_start_2:
0x11f: {  	(tag) =	ssettag $0x2  }
0x120: {  	s0 =	rddreg [dreg:$0x0];
	s2 =	stileid.u32  }
0x121: {  	s1 =	rddreg [dreg:$0x1];
	p0 =	sne.s32 s2, $0x0  }
0x122: {  	s3 =	rddreg [dreg:$0x2];
	[bflag:$0x3] =	sbarrier.arrive $0xFFFF;
	s2 =	simm.s32 @!p0 $0x1C04  }
0x123: {  	[timem:s3], [sflag:s2] =	dma.local @!p0 [hbm:s0], s1  }
0x124: {  	s0 =	simm.s32 @!p0 $0x4  }
0x125: {  	_ =	swait.ge @!p0 [sflag:s0], s1  }
0x126: {  	s1 =	ssub.s32 @!p0 $0x0, s1;
	[sflag:s0] =	ssyncset.done @!p0 $0x0  }
0x127: {  	[sflag:s0] =	ssyncadd.s32 @!p0 s1  }
0x128: {  	[bflag:$0x3] =	sbarrier.arrive $0xFFFF  }
0x129: {  	_ =	shalt  }

</sc_bundles>
